<compile_context>
chip_gen: v7x
topology: tpu7x:2x2x1
jax: 0.10.2.dev20260603
libtpu: 0.0.44.dev20260713+nightly
codegen_flags: <defaults>
</compile_context>

<pallas_src>
import jax
import jax.numpy as jnp
from jax import lax
from jax.experimental import pallas as pl
from jax.experimental.pallas import tpu as pltpu
from jax.experimental.pallas import tpu_sc as plsc

M = 100000
B = 16384
D = 512
NC, NS = 2, 16
W = NC * NS
CB = B // W
GC = 32
NG = CB // GC
NBUF = 3

BLK = 4000
GRID = M // BLK
IBLK = 4096


def _copy_body(xb, yb, tb, ib, sb, ox, oy, ot, oi, osp):
    ox[...] = xb[...]
    oy[...] = yb[...]
    ot[...] = tb[...]
    oi[...] = ib[...]
    osp[...] = sb[...]


def _sc_body(bx, by, bt, bidx, bstep, in_x, in_y, in_t, in_bidx, in_step, swap,
             obx, oby, obt, obidx, obstep,
             idxf, g0, g1, g2, r0, r1, r2,
             gy, gt, gi, gs, vy, vt, vi, vs,
             sga, sgb, ssa, ssb, semg, semv, sems):
    w = lax.axis_index("s") * NC + lax.axis_index("c")
    jlo = pl.multiple_of(w * CB, 8)

    pltpu.sync_copy(swap.at[pl.ds(jlo, CB)], idxf)

    def idx(c):
        return idxf.at[pl.ds(c * GC, GC)]

    lv = [
        pltpu.async_copy(in_y.at[pl.ds(jlo, CB)], vy, semv),
        pltpu.async_copy(in_t.at[pl.ds(jlo, CB)], vt, semv),
        pltpu.async_copy(in_bidx.at[pl.ds(jlo, CB)], vi, semv),
        pltpu.async_copy(in_step.at[pl.ds(jlo, CB)], vs, semv),
    ]
    ig = [
        pltpu.async_copy(by.at[idxf], gy, semg),
        pltpu.async_copy(bt.at[idxf], gt, semg),
        pltpu.async_copy(bidx.at[idxf], gi, semg),
        pltpu.async_copy(bstep.at[idxf], gs, semg),
    ]

    grows = (g0, g1, g2)
    srows = (r0, r1, r2)
    gl = [None, None, None]
    gst = [None, None, None]
    sl = [None, None, None]
    sst = [None, None, None]
    for c in range(2):
        gl[c] = pltpu.async_copy(bx.at[idx(c)], grows[c], sga)
        sl[c] = pltpu.async_copy(in_x.at[pl.ds(jlo + c * GC, GC)],
                                 srows[c], ssa)
    for c in range(NG):
        b = c % NBUF
        nx = (c + 2) % NBUF
        gl[b].wait()
        sl[b].wait()
        if c + 2 < NG:
            if gst[nx] is not None:
                gst[nx].wait()
                sst[nx].wait()
            gl[nx] = pltpu.async_copy(bx.at[idx(c + 2)], grows[nx], sga)
            sl[nx] = pltpu.async_copy(in_x.at[pl.ds(jlo + (c + 2) * GC, GC)],
                                      srows[nx], ssa)
        gst[b] = pltpu.async_copy(grows[b],
                                  obx.at[pl.ds(M + jlo + c * GC, GC)], sgb)
        sst[b] = pltpu.async_copy(srows[b], obx.at[idx(c)], ssb)
    for b in range(NBUF):
        gst[b].wait()
        sst[b].wait()

    for cp in ig:
        cp.wait()
    pltpu.sync_copy(gy, oby.at[pl.ds(M + jlo, CB)])
    pltpu.sync_copy(gt, obt.at[pl.ds(M + jlo, CB)])
    pltpu.sync_copy(gi, obidx.at[pl.ds(M + jlo, CB)])
    pltpu.sync_copy(gs, obstep.at[pl.ds(M + jlo, CB)])

    for cp in lv:
        cp.wait()
    isc = [
        pltpu.async_copy(vy, oby.at[idxf], sems),
        pltpu.async_copy(vt, obt.at[idxf], sems),
        pltpu.async_copy(vi, obidx.at[idxf], sems),
        pltpu.async_copy(vs, obstep.at[idxf], sems),
    ]
    for cp in isc:
        cp.wait()


def kernel(bx, by, bt, bidx, bstep, in_x, in_y, in_t, in_bidx, in_step, swap_idx):
    ispec = pl.BlockSpec((IBLK,), lambda i: (i,))
    copy_kernel = pl.pallas_call(
        _copy_body,
        grid=(GRID,),
        in_specs=[pl.BlockSpec((BLK, D), lambda i: (i, 0)),
                  ispec, ispec, ispec, ispec],
        out_specs=[pl.BlockSpec((BLK, D), lambda i: (i, 0)),
                   ispec, ispec, ispec, ispec],
        out_shape=(
            jax.ShapeDtypeStruct((M + B, D), jnp.float32),
            jax.ShapeDtypeStruct((M + B,), jnp.int32),
            jax.ShapeDtypeStruct((M + B,), jnp.int32),
            jax.ShapeDtypeStruct((M + B,), jnp.int32),
            jax.ShapeDtypeStruct((M + B,), jnp.int32),
        ),
        compiler_params=pltpu.CompilerParams(
            dimension_semantics=("parallel",)),
    )

    mesh = plsc.VectorSubcoreMesh(core_axis_name="c", subcore_axis_name="s")
    fsem = pltpu.SemaphoreType.DMA
    sc_kernel = pl.kernel(
        _sc_body,
        out_type=(),
        mesh=mesh,
        scratch_types=[
            pltpu.VMEM((CB,), jnp.int32),
            pltpu.VMEM((GC, D), jnp.float32),
            pltpu.VMEM((GC, D), jnp.float32),
            pltpu.VMEM((GC, D), jnp.float32),
            pltpu.VMEM((GC, D), jnp.float32),
            pltpu.VMEM((GC, D), jnp.float32),
            pltpu.VMEM((GC, D), jnp.float32),
            pltpu.VMEM((CB,), jnp.int32),
            pltpu.VMEM((CB,), jnp.int32),
            pltpu.VMEM((CB,), jnp.int32),
            pltpu.VMEM((CB,), jnp.int32),
            pltpu.VMEM((CB,), jnp.int32),
            pltpu.VMEM((CB,), jnp.int32),
            pltpu.VMEM((CB,), jnp.int32),
            pltpu.VMEM((CB,), jnp.int32),
            fsem, fsem, fsem, fsem, fsem, fsem, fsem,
        ],
    )

    outs = copy_kernel(bx, by, bt, bidx, bstep)
    refs = [jax.new_ref(o) for o in outs]
    sc_kernel(bx, by, bt, bidx, bstep,
              in_x, in_y, in_t, in_bidx, in_step, swap_idx, *refs)
    return tuple(r[...] for r in refs)

# --- scband reference (transcript-rebuilt; emitter-appended) ---
"""Pipeline reference for scband-buffer-4535485464941 (READ-ONLY COPY).

The authoritative reference and input builder live on the scoring server;
editing this copy changes nothing except your own understanding.
"""

import jax, jax.numpy as jnp
import numpy as np

M = 100000   # buffer slots (amt)
D = 512      # prod(input_size)
B = 16384    # batch of incoming samples
NCLS = 1000

def setup_inputs(seed: int = 0) -> dict:
    key = jax.random.key(seed)
    k1, k2, k3, k4, k5, k6 = jax.random.split(key, 6)
    # buffers (registered buffers in the torch module, here materialized as params)
    bx = jnp.zeros((M, D), dtype=jnp.float32)
    by = jnp.zeros((M,), dtype=jnp.int32)
    bt = jnp.zeros((M,), dtype=jnp.int32)
    bidx = jnp.zeros((M,), dtype=jnp.int32)
    bstep = jnp.zeros((M,), dtype=jnp.int32)
    # incoming batch (Buffer.add args)
    in_x = jax.random.normal(k1, (B, D), dtype=jnp.float32)
    in_y = jax.random.randint(k2, (B,), 0, NCLS, dtype=jnp.int32)
    in_t = jax.random.randint(k3, (B,), 0, 10, dtype=jnp.int32)
    in_bidx = jax.random.randint(k4, (B,), 0, M, dtype=jnp.int32)
    in_step = jax.random.randint(k5, (B,), 0, 1000, dtype=jnp.int32)
    # torch uses torch.randperm(M)[:B]; replicate with a permutation so indices are unique
    swap_idx = jax.random.permutation(k6, M)[:B].astype(jnp.int32)
    return {"bx": bx, "by": by, "bt": bt, "bidx": bidx, "bstep": bstep,
            "in_x": in_x, "in_y": in_y, "in_t": in_t, "in_bidx": in_bidx,
            "in_step": in_step, "swap_idx": swap_idx}

def reference(bx, by, bt, bidx, bstep, in_x, in_y, in_t, in_bidx, in_step, swap_idx):
    # Faithful jax translation of Buffer.add (the reservoir-style swap path,
    # taken since bx.size(0)=M > in_x.size(0)=B):
    #   tmp_* = buffer[swap_idx]            (gather)
    #   buffer[swap_idx] = in_*             (scatter-overwrite)
    #   buffer = concat(buffer, tmp_*)      (append swapped-out rows)
    tmp_x = jnp.take(bx, swap_idx, axis=0)
    tmp_y = jnp.take(by, swap_idx, axis=0)
    tmp_t = jnp.take(bt, swap_idx, axis=0)
    tmp_idx = jnp.take(bidx, swap_idx, axis=0)
    tmp_step = jnp.take(bstep, swap_idx, axis=0)

    bx2 = bx.at[swap_idx].set(in_x)
    by2 = by.at[swap_idx].set(in_y)
    bt2 = bt.at[swap_idx].set(in_t)
    bidx2 = bidx.at[swap_idx].set(in_bidx)
    bstep2 = bstep.at[swap_idx].set(in_step)

    out_bx = jnp.concatenate([bx2, tmp_x], axis=0)
    out_by = jnp.concatenate([by2, tmp_y], axis=0)
    out_bt = jnp.concatenate([bt2, tmp_t], axis=0)
    out_bidx = jnp.concatenate([bidx2, tmp_idx], axis=0)
    out_bstep = jnp.concatenate([bstep2, tmp_step], axis=0)
    return (out_bx, out_by, out_bt, out_bidx, out_bstep)

if __name__ == "__main__":
    import jax
    _d = setup_inputs()
    print(jax.jit(kernel)(*tuple(_d.values())))

</pallas_src>

<mosaic_0001>
#map = affine_map<(d0, d1) -> (0, 0)>
#map1 = affine_map<(d0, d1) -> (0)>
module attributes {stable_mosaic.version = 14 : i64} {
  func.func @new_body(%arg0: i32, %arg1: i32, %arg2: memref<100000x512xf32, #tpu.memory_space<hbm>>, %arg3: memref<100000xi32, #tpu.memory_space<hbm>>, %arg4: memref<100000xi32, #tpu.memory_space<hbm>>, %arg5: memref<100000xi32, #tpu.memory_space<hbm>>, %arg6: memref<100000xi32, #tpu.memory_space<hbm>>, %arg7: memref<16384x512xf32, #tpu.memory_space<hbm>>, %arg8: memref<16384xi32, #tpu.memory_space<hbm>>, %arg9: memref<16384xi32, #tpu.memory_space<hbm>>, %arg10: memref<16384xi32, #tpu.memory_space<hbm>>, %arg11: memref<16384xi32, #tpu.memory_space<hbm>>, %arg12: memref<16384xi32, #tpu.memory_space<hbm>>, %arg13: memref<116384x512xf32, #tpu.memory_space<hbm>>, %arg14: memref<116384xi32, #tpu.memory_space<hbm>>, %arg15: memref<116384xi32, #tpu.memory_space<hbm>>, %arg16: memref<116384xi32, #tpu.memory_space<hbm>>, %arg17: memref<116384xi32, #tpu.memory_space<hbm>>, %arg18: memref<116384x512xf32, #tpu.memory_space<hbm>>, %arg19: memref<116384xi32, #tpu.memory_space<hbm>>, %arg20: memref<116384xi32, #tpu.memory_space<hbm>>, %arg21: memref<116384xi32, #tpu.memory_space<hbm>>, %arg22: memref<116384xi32, #tpu.memory_space<hbm>>, %arg23: memref<512xi32, #tpu.memory_space<vmem>>, %arg24: memref<32x512xf32, #tpu.memory_space<vmem>>, %arg25: memref<32x512xf32, #tpu.memory_space<vmem>>, %arg26: memref<32x512xf32, #tpu.memory_space<vmem>>, %arg27: memref<32x512xf32, #tpu.memory_space<vmem>>, %arg28: memref<32x512xf32, #tpu.memory_space<vmem>>, %arg29: memref<32x512xf32, #tpu.memory_space<vmem>>, %arg30: memref<512xi32, #tpu.memory_space<vmem>>, %arg31: memref<512xi32, #tpu.memory_space<vmem>>, %arg32: memref<512xi32, #tpu.memory_space<vmem>>, %arg33: memref<512xi32, #tpu.memory_space<vmem>>, %arg34: memref<512xi32, #tpu.memory_space<vmem>>, %arg35: memref<512xi32, #tpu.memory_space<vmem>>, %arg36: memref<512xi32, #tpu.memory_space<vmem>>, %arg37: memref<512xi32, #tpu.memory_space<vmem>>, %arg38: memref<!tpu.dma_semaphore, #tpu.memory_space<semaphore_mem>>, %arg39: memref<!tpu.dma_semaphore, #tpu.memory_space<semaphore_mem>>, %arg40: memref<!tpu.dma_semaphore, #tpu.memory_space<semaphore_mem>>, %arg41: memref<!tpu.dma_semaphore, #tpu.memory_space<semaphore_mem>>, %arg42: memref<!tpu.dma_semaphore, #tpu.memory_space<semaphore_mem>>, %arg43: memref<!tpu.dma_semaphore, #tpu.memory_space<semaphore_mem>>, %arg44: memref<!tpu.dma_semaphore, #tpu.memory_space<semaphore_mem>>) attributes {dimension_semantics = [#tpu.dimension_semantics<core_parallel>, #tpu.dimension_semantics<subcore_parallel>], iteration_bounds = array<i64: 2, 16>, scalar_prefetch = 0 : i64, scratch_operands = 22 : i64, tpu.core_type = #tpu.core_type<sc_vector_subcore>, window_params = [{transform_indices = #map}, {transform_indices = #map1}, {transform_indices = #map1}, {transform_indices = #map1}, {transform_indices = #map1}, {transform_indices = #map}, {transform_indices = #map1}, {transform_indices = #map1}, {transform_indices = #map1}, {transform_indices = #map1}, {transform_indices = #map1}, {transform_indices = #map}, {transform_indices = #map1}, {transform_indices = #map1}, {transform_indices = #map1}, {transform_indices = #map1}, {transform_indices = #map}, {transform_indices = #map1}, {transform_indices = #map1}, {transform_indices = #map1}, {transform_indices = #map1}]} {
    %mul3A = arith.constant 2 : i32
    %mul3A_0 = arith.muli %arg1, %mul3A : i32
    %add3A = arith.addi %mul3A_0, %arg0 : i32
    %mul3A_1 = arith.constant 512 : i32
    %mul3A_2 = arith.muli %add3A, %mul3A_1 : i32
    %multiple_of3A = tpu.assume_multiple %mul3A_2, 8 : i32
    "tpu.region"() ({
      %run_scoped3A = tpu.sem_alloc : memref<!tpu.dma_semaphore, #tpu.memory_space<semaphore_mem>>
      %dma_start3A_729 = tpu.memref_slice %arg12[%multiple_of3A] : memref<16384xi32, #tpu.memory_space<hbm>> -> memref<512xi32, #tpu.memory_space<hbm>>
      %dma_start3A_730 = tpu.memref_slice %arg12[%multiple_of3A] : memref<16384xi32, #tpu.memory_space<hbm>> -> memref<512xi32, #tpu.memory_space<hbm>>
      tpu.enqueue_dma source(%dma_start3A_730 : memref<512xi32, #tpu.memory_space<hbm>>) target(%arg23 : memref<512xi32, #tpu.memory_space<vmem>>) target_semaphore(%run_scoped3A : memref<!tpu.dma_semaphore, #tpu.memory_space<semaphore_mem>>)
      %dma_wait3A_731 = tpu.memref_slice %arg12[%multiple_of3A] : memref<16384xi32, #tpu.memory_space<hbm>> -> memref<512xi32, #tpu.memory_space<hbm>>
      %dma_wait3A_732 = tpu.memref_slice %arg12[%multiple_of3A] : memref<16384xi32, #tpu.memory_space<hbm>> -> memref<512xi32, #tpu.memory_space<hbm>>
      tpu.wait_dma2 semaphore(%run_scoped3A : memref<!tpu.dma_semaphore, #tpu.memory_space<semaphore_mem>>) src(%dma_wait3A_732 : memref<512xi32, #tpu.memory_space<hbm>>) dst(%arg23 : memref<512xi32, #tpu.memory_space<vmem>>)
      tpu.yield
    }) : () -> ()
    %dma_start3A = tpu.memref_slice %arg8[%multiple_of3A] : memref<16384xi32, #tpu.memory_space<hbm>> -> memref<512xi32, #tpu.memory_space<hbm>>
    %dma_start3A_3 = tpu.memref_slice %arg8[%multiple_of3A] : memref<16384xi32, #tpu.memory_space<hbm>> -> memref<512xi32, #tpu.memory_space<hbm>>
    tpu.enqueue_dma source(%dma_start3A_3 : memref<512xi32, #tpu.memory_space<hbm>>) target(%arg34 : memref<512xi32, #tpu.memory_space<vmem>>) target_semaphore(%arg43 : memref<!tpu.dma_semaphore, #tpu.memory_space<semaphore_mem>>)
    %dma_start3A_4 = tpu.memref_slice %arg9[%multiple_of3A] : memref<16384xi32, #tpu.memory_space<hbm>> -> memref<512xi32, #tpu.memory_space<hbm>>
    %dma_start3A_5 = tpu.memref_slice %arg9[%multiple_of3A] : memref<16384xi32, #tpu.memory_space<hbm>> -> memref<512xi32, #tpu.memory_space<hbm>>
    tpu.enqueue_dma source(%dma_start3A_5 : memref<512xi32, #tpu.memory_space<hbm>>) target(%arg35 : memref<512xi32, #tpu.memory_space<vmem>>) target_semaphore(%arg43 : memref<!tpu.dma_semaphore, #tpu.memory_space<semaphore_mem>>)
    %dma_start3A_6 = tpu.memref_slice %arg10[%multiple_of3A] : memref<16384xi32, #tpu.memory_space<hbm>> -> memref<512xi32, #tpu.memory_space<hbm>>
    %dma_start3A_7 = tpu.memref_slice %arg10[%multiple_of3A] : memref<16384xi32, #tpu.memory_space<hbm>> -> memref<512xi32, #tpu.memory_space<hbm>>
    tpu.enqueue_dma source(%dma_start3A_7 : memref<512xi32, #tpu.memory_space<hbm>>) target(%arg36 : memref<512xi32, #tpu.memory_space<vmem>>) target_semaphore(%arg43 : memref<!tpu.dma_semaphore, #tpu.memory_space<semaphore_mem>>)
    %dma_start3A_8 = tpu.memref_slice %arg11[%multiple_of3A] : memref<16384xi32, #tpu.memory_space<hbm>> -> memref<512xi32, #tpu.memory_space<hbm>>
    %dma_start3A_9 = tpu.memref_slice %arg11[%multiple_of3A] : memref<16384xi32, #tpu.memory_space<hbm>> -> memref<512xi32, #tpu.memory_space<hbm>>
    tpu.enqueue_dma source(%dma_start3A_9 : memref<512xi32, #tpu.memory_space<hbm>>) target(%arg37 : memref<512xi32, #tpu.memory_space<vmem>>) target_semaphore(%arg43 : memref<!tpu.dma_semaphore, #tpu.memory_space<semaphore_mem>>)
    %dma_start3A_10 = arith.constant 0 : i32
    %dma_start3A_11 = tpu.memref_slice %arg3[%dma_start3A_10] : memref<100000xi32, #tpu.memory_space<hbm>> -> memref<100000xi32, #tpu.memory_space<hbm>>
    tpu.enqueue_indirect_dma source(%dma_start3A_11 : memref<100000xi32, #tpu.memory_space<hbm>>) target(%arg30 : memref<512xi32, #tpu.memory_space<vmem>>) offsets(%arg23 : memref<512xi32, #tpu.memory_space<vmem>>) semaphore(%arg42 : memref<!tpu.dma_semaphore, #tpu.memory_space<semaphore_mem>>)
    %dma_start3A_12 = arith.constant 0 : i32
    %dma_start3A_13 = tpu.memref_slice %arg4[%dma_start3A_12] : memref<100000xi32, #tpu.memory_space<hbm>> -> memref<100000xi32, #tpu.memory_space<hbm>>
    tpu.enqueue_indirect_dma source(%dma_start3A_13 : memref<100000xi32, #tpu.memory_space<hbm>>) target(%arg31 : memref<512xi32, #tpu.memory_space<vmem>>) offsets(%arg23 : memref<512xi32, #tpu.memory_space<vmem>>) semaphore(%arg42 : memref<!tpu.dma_semaphore, #tpu.memory_space<semaphore_mem>>)
    %dma_start3A_14 = arith.constant 0 : i32
    %dma_start3A_15 = tpu.memref_slice %arg5[%dma_start3A_14] : memref<100000xi32, #tpu.memory_space<hbm>> -> memref<100000xi32, #tpu.memory_space<hbm>>
    tpu.enqueue_indirect_dma source(%dma_start3A_15 : memref<100000xi32, #tpu.memory_space<hbm>>) target(%arg32 : memref<512xi32, #tpu.memory_space<vmem>>) offsets(%arg23 : memref<512xi32, #tpu.memory_space<vmem>>) semaphore(%arg42 : memref<!tpu.dma_semaphore, #tpu.memory_space<semaphore_mem>>)
    %dma_start3A_16 = arith.constant 0 : i32
    %dma_start3A_17 = tpu.memref_slice %arg6[%dma_start3A_16] : memref<100000xi32, #tpu.memory_space<hbm>> -> memref<100000xi32, #tpu.memory_space<hbm>>
    tpu.enqueue_indirect_dma source(%dma_start3A_17 : memref<100000xi32, #tpu.memory_space<hbm>>) target(%arg33 : memref<512xi32, #tpu.memory_space<vmem>>) offsets(%arg23 : memref<512xi32, #tpu.memory_space<vmem>>) semaphore(%arg42 : memref<!tpu.dma_semaphore, #tpu.memory_space<semaphore_mem>>)
    %dma_start3A_18 = arith.constant 0 : i32
    %dma_start3A_19 = tpu.memref_slice %arg23[%dma_start3A_18] : memref<512xi32, #tpu.memory_space<vmem>> -> memref<32xi32, #tpu.memory_space<vmem>>
    %dma_start3A_20 = arith.constant 0 : i32
    %dma_start3A_21 = arith.constant 0 : i32
    %dma_start3A_22 = tpu.memref_slice %arg2[%dma_start3A_20, %dma_start3A_21] : memref<100000x512xf32, #tpu.memory_space<hbm>> -> memref<100000x512xf32, #tpu.memory_space<hbm>>
    tpu.enqueue_indirect_dma source(%dma_start3A_22 : memref<100000x512xf32, #tpu.memory_space<hbm>>) target(%arg24 : memref<32x512xf32, #tpu.memory_space<vmem>>) offsets(%dma_start3A_19 : memref<32xi32, #tpu.memory_space<vmem>>) semaphore(%arg38 : memref<!tpu.dma_semaphore, #tpu.memory_space<semaphore_mem>>)
    %add3A_23 = arith.constant 0 : i32
    %add3A_24 = arith.addi %multiple_of3A, %add3A_23 : i32
    %dma_start3A_25 = arith.constant 0 : i32
    %dma_start3A_26 = tpu.memref_slice %arg7[%add3A_24, %dma_start3A_25] : memref<16384x512xf32, #tpu.memory_space<hbm>> -> memref<32x512xf32, #tpu.memory_space<hbm>>
    %dma_start3A_27 = arith.constant 0 : i32
    %dma_start3A_28 = tpu.memref_slice %arg7[%add3A_24, %dma_start3A_27] : memref<16384x512xf32, #tpu.memory_space<hbm>> -> memref<32x512xf32, #tpu.memory_space<hbm>>
    tpu.enqueue_dma source(%dma_start3A_28 : memref<32x512xf32, #tpu.memory_space<hbm>>) target(%arg27 : memref<32x512xf32, #tpu.memory_space<vmem>>) target_semaphore(%arg40 : memref<!tpu.dma_semaphore, #tpu.memory_space<semaphore_mem>>)
    %dma_start3A_29 = arith.constant 32 : i32
    %dma_start3A_30 = tpu.memref_slice %arg23[%dma_start3A_29] : memref<512xi32, #tpu.memory_space<vmem>> -> memref<32xi32, #tpu.memory_space<vmem>>
    %dma_start3A_31 = arith.constant 0 : i32
    %dma_start3A_32 = arith.constant 0 : i32
    %dma_start3A_33 = tpu.memref_slice %arg2[%dma_start3A_31, %dma_start3A_32] : memref<100000x512xf32, #tpu.memory_space<hbm>> -> memref<100000x512xf32, #tpu.memory_space<hbm>>
    tpu.enqueue_indirect_dma source(%dma_start3A_33 : memref<100000x512xf32, #tpu.memory_space<hbm>>) target(%arg25 : memref<32x512xf32, #tpu.memory_space<vmem>>) offsets(%dma_start3A_30 : memref<32xi32, #tpu.memory_space<vmem>>) semaphore(%arg38 : memref<!tpu.dma_semaphore, #tpu.memory_space<semaphore_mem>>)
    %add3A_34 = arith.constant 32 : i32
    %add3A_35 = arith.addi %multiple_of3A, %add3A_34 : i32
    %dma_start3A_36 = arith.constant 0 : i32
    %dma_start3A_37 = tpu.memref_slice %arg7[%add3A_35, %dma_start3A_36] : memref<16384x512xf32, #tpu.memory_space<hbm>> -> memref<32x512xf32, #tpu.memory_space<hbm>>
    %dma_start3A_38 = arith.constant 0 : i32
    %dma_start3A_39 = tpu.memref_slice %arg7[%add3A_35, %dma_start3A_38] : memref<16384x512xf32, #tpu.memory_space<hbm>> -> memref<32x512xf32, #tpu.memory_space<hbm>>
    tpu.enqueue_dma source(%dma_start3A_39 : memref<32x512xf32, #tpu.memory_space<hbm>>) target(%arg28 : memref<32x512xf32, #tpu.memory_space<vmem>>) target_semaphore(%arg40 : memref<!tpu.dma_semaphore, #tpu.memory_space<semaphore_mem>>)
    %dma_wait3A = arith.constant 0 : i32
    %dma_wait3A_40 = tpu.memref_slice %arg23[%dma_wait3A] : memref<512xi32, #tpu.memory_space<vmem>> -> memref<32xi32, #tpu.memory_space<vmem>>
    %dma_wait3A_41 = arith.constant 0 : i32
    %dma_wait3A_42 = arith.constant 0 : i32
    %dma_wait3A_43 = tpu.memref_slice %arg2[%dma_wait3A_41, %dma_wait3A_42] : memref<100000x512xf32, #tpu.memory_space<hbm>> -> memref<100000x512xf32, #tpu.memory_space<hbm>>
    tpu.wait_indirect_dma semaphore(%arg38 : memref<!tpu.dma_semaphore, #tpu.memory_space<semaphore_mem>>) src(%dma_wait3A_43 : memref<100000x512xf32, #tpu.memory_space<hbm>>) dst(%arg24 : memref<32x512xf32, #tpu.memory_space<vmem>>)
    %dma_wait3A_44 = arith.constant 0 : i32
    %dma_wait3A_45 = tpu.memref_slice %arg7[%add3A_24, %dma_wait3A_44] : memref<16384x512xf32, #tpu.memory_space<hbm>> -> memref<32x512xf32, #tpu.memory_space<hbm>>
    %dma_wait3A_46 = arith.constant 0 : i32
    %dma_wait3A_47 = tpu.memref_slice %arg7[%add3A_24, %dma_wait3A_46] : memref<16384x512xf32, #tpu.memory_space<hbm>> -> memref<32x512xf32, #tpu.memory_space<hbm>>
    tpu.wait_dma2 semaphore(%arg40 : memref<!tpu.dma_semaphore, #tpu.memory_space<semaphore_mem>>) src(%dma_wait3A_47 : memref<32x512xf32, #tpu.memory_space<hbm>>) dst(%arg27 : memref<32x512xf32, #tpu.memory_space<vmem>>)
    %dma_start3A_48 = arith.constant 64 : i32
    %dma_start3A_49 = tpu.memref_slice %arg23[%dma_start3A_48] : memref<512xi32, #tpu.memory_space<vmem>> -> memref<32xi32, #tpu.memory_space<vmem>>
    %dma_start3A_50 = arith.constant 0 : i32
    %dma_start3A_51 = arith.constant 0 : i32
    %dma_start3A_52 = tpu.memref_slice %arg2[%dma_start3A_50, %dma_start3A_51] : memref<100000x512xf32, #tpu.memory_space<hbm>> -> memref<100000x512xf32, #tpu.memory_space<hbm>>
    tpu.enqueue_indirect_dma source(%dma_start3A_52 : memref<100000x512xf32, #tpu.memory_space<hbm>>) target(%arg26 : memref<32x512xf32, #tpu.memory_space<vmem>>) offsets(%dma_start3A_49 : memref<32xi32, #tpu.memory_space<vmem>>) semaphore(%arg38 : memref<!tpu.dma_semaphore, #tpu.memory_space<semaphore_mem>>)
    %add3A_53 = arith.constant 64 : i32
    %add3A_54 = arith.addi %multiple_of3A, %add3A_53 : i32
    %dma_start3A_55 = arith.constant 0 : i32
    %dma_start3A_56 = tpu.memref_slice %arg7[%add3A_54, %dma_start3A_55] : memref<16384x512xf32, #tpu.memory_space<hbm>> -> memref<32x512xf32, #tpu.memory_space<hbm>>
    %dma_start3A_57 = arith.constant 0 : i32
    %dma_start3A_58 = tpu.memref_slice %arg7[%add3A_54, %dma_start3A_57] : memref<16384x512xf32, #tpu.memory_space<hbm>> -> memref<32x512xf32, #tpu.memory_space<hbm>>
    tpu.enqueue_dma source(%dma_start3A_58 : memref<32x512xf32, #tpu.memory_space<hbm>>) target(%arg29 : memref<32x512xf32, #tpu.memory_space<vmem>>) target_semaphore(%arg40 : memref<!tpu.dma_semaphore, #tpu.memory_space<semaphore_mem>>)
    %add3A_59 = arith.constant 100000 : i32
    %add3A_60 = arith.addi %add3A_59, %multiple_of3A : i32
    %add3A_61 = arith.constant 0 : i32
    %add3A_62 = arith.addi %add3A_60, %add3A_61 : i32
    %dma_start3A_63 = arith.constant 0 : i32
    %dma_start3A_64 = tpu.memref_slice %arg13[%add3A_62, %dma_start3A_63] : memref<116384x512xf32, #tpu.memory_space<hbm>> -> memref<32x512xf32, #tpu.memory_space<hbm>>
    %dma_start3A_65 = arith.constant 0 : i32
    %dma_start3A_66 = tpu.memref_slice %arg13[%add3A_62, %dma_start3A_65] : memref<116384x512xf32, #tpu.memory_space<hbm>> -> memref<32x512xf32, #tpu.memory_space<hbm>>
    tpu.enqueue_dma source(%arg24 : memref<32x512xf32, #tpu.memory_space<vmem>>) target(%dma_start3A_66 : memref<32x512xf32, #tpu.memory_space<hbm>>) target_semaphore(%arg39 : memref<!tpu.dma_semaphore, #tpu.memory_space<semaphore_mem>>)
    %dma_start3A_67 = arith.constant 0 : i32
    %dma_start3A_68 = tpu.memref_slice %arg23[%dma_start3A_67] : memref<512xi32, #tpu.memory_space<vmem>> -> memref<32xi32, #tpu.memory_space<vmem>>
    %dma_start3A_69 = arith.constant 0 : i32
    %dma_start3A_70 = arith.constant 0 : i32
    %dma_start3A_71 = tpu.memref_slice %arg13[%dma_start3A_69, %dma_start3A_70] : memref<116384x512xf32, #tpu.memory_space<hbm>> -> memref<116384x512xf32, #tpu.memory_space<hbm>>
    tpu.enqueue_indirect_dma source(%arg27 : memref<32x512xf32, #tpu.memory_space<vmem>>) target(%dma_start3A_71 : memref<116384x512xf32, #tpu.memory_space<hbm>>) offsets(%dma_start3A_68 : memref<32xi32, #tpu.memory_space<vmem>>) semaphore(%arg41 : memref<!tpu.dma_semaphore, #tpu.memory_space<semaphore_mem>>)
    %dma_wait3A_72 = arith.constant 32 : i32
    %dma_wait3A_73 = tpu.memref_slice %arg23[%dma_wait3A_72] : memref<512xi32, #tpu.memory_space<vmem>> -> memref<32xi32, #tpu.memory_space<vmem>>
    %dma_wait3A_74 = arith.constant 0 : i32
    %dma_wait3A_75 = arith.constant 0 : i32
    %dma_wait3A_76 = tpu.memref_slice %arg2[%dma_wait3A_74, %dma_wait3A_75] : memref<100000x512xf32, #tpu.memory_space<hbm>> -> memref<100000x512xf32, #tpu.memory_space<hbm>>
    tpu.wait_indirect_dma semaphore(%arg38 : memref<!tpu.dma_semaphore, #tpu.memory_space<semaphore_mem>>) src(%dma_wait3A_76 : memref<100000x512xf32, #tpu.memory_space<hbm>>) dst(%arg25 : memref<32x512xf32, #tpu.memory_space<vmem>>)
    %dma_wait3A_77 = arith.constant 0 : i32
    %dma_wait3A_78 = tpu.memref_slice %arg7[%add3A_35, %dma_wait3A_77] : memref<16384x512xf32, #tpu.memory_space<hbm>> -> memref<32x512xf32, #tpu.memory_space<hbm>>
    %dma_wait3A_79 = arith.constant 0 : i32
    %dma_wait3A_80 = tpu.memref_slice %arg7[%add3A_35, %dma_wait3A_79] : memref<16384x512xf32, #tpu.memory_space<hbm>> -> memref<32x512xf32, #tpu.memory_space<hbm>>
    tpu.wait_dma2 semaphore(%arg40 : memref<!tpu.dma_semaphore, #tpu.memory_space<semaphore_mem>>) src(%dma_wait3A_80 : memref<32x512xf32, #tpu.memory_space<hbm>>) dst(%arg28 : memref<32x512xf32, #tpu.memory_space<vmem>>)
    %dma_wait3A_81 = arith.constant 0 : i32
    %dma_wait3A_82 = tpu.memref_slice %arg13[%add3A_62, %dma_wait3A_81] : memref<116384x512xf32, #tpu.memory_space<hbm>> -> memref<32x512xf32, #tpu.memory_space<hbm>>
    %dma_wait3A_83 = arith.constant 0 : i32
    %dma_wait3A_84 = tpu.memref_slice %arg13[%add3A_62, %dma_wait3A_83] : memref<116384x512xf32, #tpu.memory_space<hbm>> -> memref<32x512xf32, #tpu.memory_space<hbm>>
    tpu.wait_dma2 semaphore(%arg39 : memref<!tpu.dma_semaphore, #tpu.memory_space<semaphore_mem>>) src(%arg24 : memref<32x512xf32, #tpu.memory_space<vmem>>) dst(%dma_wait3A_84 : memref<32x512xf32, #tpu.memory_space<hbm>>)
    %dma_wait3A_85 = arith.constant 0 : i32
    %dma_wait3A_86 = tpu.memref_slice %arg23[%dma_wait3A_85] : memref<512xi32, #tpu.memory_space<vmem>> -> memref<32xi32, #tpu.memory_space<vmem>>
    %dma_wait3A_87 = arith.constant 0 : i32
    %dma_wait3A_88 = arith.constant 0 : i32
    %dma_wait3A_89 = tpu.memref_slice %arg13[%dma_wait3A_87, %dma_wait3A_88] : memref<116384x512xf32, #tpu.memory_space<hbm>> -> memref<116384x512xf32, #tpu.memory_space<hbm>>
    tpu.wait_indirect_dma semaphore(%arg41 : memref<!tpu.dma_semaphore, #tpu.memory_space<semaphore_mem>>) src(%arg27 : memref<32x512xf32, #tpu.memory_space<vmem>>) dst(%dma_wait3A_89 : memref<116384x512xf32, #tpu.memory_space<hbm>>)
    %dma_start3A_90 = arith.constant 96 : i32
    %dma_start3A_91 = tpu.memref_slice %arg23[%dma_start3A_90] : memref<512xi32, #tpu.memory_space<vmem>> -> memref<32xi32, #tpu.memory_space<vmem>>
    %dma_start3A_92 = arith.constant 0 : i32
    %dma_start3A_93 = arith.constant 0 : i32
    %dma_start3A_94 = tpu.memref_slice %arg2[%dma_start3A_92, %dma_start3A_93] : memref<100000x512xf32, #tpu.memory_space<hbm>> -> memref<100000x512xf32, #tpu.memory_space<hbm>>
    tpu.enqueue_indirect_dma source(%dma_start3A_94 : memref<100000x512xf32, #tpu.memory_space<hbm>>) target(%arg24 : memref<32x512xf32, #tpu.memory_space<vmem>>) offsets(%dma_start3A_91 : memref<32xi32, #tpu.memory_space<vmem>>) semaphore(%arg38 : memref<!tpu.dma_semaphore, #tpu.memory_space<semaphore_mem>>)
    %add3A_95 = arith.constant 96 : i32
    %add3A_96 = arith.addi %multiple_of3A, %add3A_95 : i32
    %dma_start3A_97 = arith.constant 0 : i32
    %dma_start3A_98 = tpu.memref_slice %arg7[%add3A_96, %dma_start3A_97] : memref<16384x512xf32, #tpu.memory_space<hbm>> -> memref<32x512xf32, #tpu.memory_space<hbm>>
    %dma_start3A_99 = arith.constant 0 : i32
    %dma_start3A_100 = tpu.memref_slice %arg7[%add3A_96, %dma_start3A_99] : memref<16384x512xf32, #tpu.memory_space<hbm>> -> memref<32x512xf32, #tpu.memory_space<hbm>>
    tpu.enqueue_dma source(%dma_start3A_100 : memref<32x512xf32, #tpu.memory_space<hbm>>) target(%arg27 : memref<32x512xf32, #tpu.memory_space<vmem>>) target_semaphore(%arg40 : memref<!tpu.dma_semaphore, #tpu.memory_space<semaphore_mem>>)
    %add3A_101 = arith.constant 100000 : i32
    %add3A_102 = arith.addi %add3A_101, %multiple_of3A : i32
    %add3A_103 = arith.constant 32 : i32
    %add3A_104 = arith.addi %add3A_102, %add3A_103 : i32
    %dma_start3A_105 = arith.constant 0 : i32
    %dma_start3A_106 = tpu.memref_slice %arg13[%add3A_104, %dma_start3A_105] : memref<116384x512xf32, #tpu.memory_space<hbm>> -> memref<32x512xf32, #tpu.memory_space<hbm>>
    %dma_start3A_107 = arith.constant 0 : i32
    %dma_start3A_108 = tpu.memref_slice %arg13[%add3A_104, %dma_start3A_107] : memref<116384x512xf32, #tpu.memory_space<hbm>> -> memref<32x512xf32, #tpu.memory_space<hbm>>
    tpu.enqueue_dma source(%arg25 : memref<32x512xf32, #tpu.memory_space<vmem>>) target(%dma_start3A_108 : memref<32x512xf32, #tpu.memory_space<hbm>>) target_semaphore(%arg39 : memref<!tpu.dma_semaphore, #tpu.memory_space<semaphore_mem>>)
    %dma_start3A_109 = arith.constant 32 : i32
    %dma_start3A_110 = tpu.memref_slice %arg23[%dma_start3A_109] : memref<512xi32, #tpu.memory_space<vmem>> -> memref<32xi32, #tpu.memory_space<vmem>>
    %dma_start3A_111 = arith.constant 0 : i32
    %dma_start3A_112 = arith.constant 0 : i32
    %dma_start3A_113 = tpu.memref_slice %arg13[%dma_start3A_111, %dma_start3A_112] : memref<116384x512xf32, #tpu.memory_space<hbm>> -> memref<116384x512xf32, #tpu.memory_space<hbm>>
    tpu.enqueue_indirect_dma source(%arg28 : memref<32x512xf32, #tpu.memory_space<vmem>>) target(%dma_start3A_113 : memref<116384x512xf32, #tpu.memory_space<hbm>>) offsets(%dma_start3A_110 : memref<32xi32, #tpu.memory_space<vmem>>) semaphore(%arg41 : memref<!tpu.dma_semaphore, #tpu.memory_space<semaphore_mem>>)
    %dma_wait3A_114 = arith.constant 64 : i32
    %dma_wait3A_115 = tpu.memref_slice %arg23[%dma_wait3A_114] : memref<512xi32, #tpu.memory_space<vmem>> -> memref<32xi32, #tpu.memory_space<vmem>>
    %dma_wait3A_116 = arith.constant 0 : i32
    %dma_wait3A_117 = arith.constant 0 : i32
    %dma_wait3A_118 = tpu.memref_slice %arg2[%dma_wait3A_116, %dma_wait3A_117] : memref<100000x512xf32, #tpu.memory_space<hbm>> -> memref<100000x512xf32, #tpu.memory_space<hbm>>
    tpu.wait_indirect_dma semaphore(%arg38 : memref<!tpu.dma_semaphore, #tpu.memory_space<semaphore_mem>>) src(%dma_wait3A_118 : memref<100000x512xf32, #tpu.memory_space<hbm>>) dst(%arg26 : memref<32x512xf32, #tpu.memory_space<vmem>>)
    %dma_wait3A_119 = arith.constant 0 : i32
    %dma_wait3A_120 = tpu.memref_slice %arg7[%add3A_54, %dma_wait3A_119] : memref<16384x512xf32, #tpu.memory_space<hbm>> -> memref<32x512xf32, #tpu.memory_space<hbm>>
    %dma_wait3A_121 = arith.constant 0 : i32
    %dma_wait3A_122 = tpu.memref_slice %arg7[%add3A_54, %dma_wait3A_121] : memref<16384x512xf32, #tpu.memory_space<hbm>> -> memref<32x512xf32, #tpu.memory_space<hbm>>
    tpu.wait_dma2 semaphore(%arg40 : memref<!tpu.dma_semaphore, #tpu.memory_space<semaphore_mem>>) src(%dma_wait3A_122 : memref<32x512xf32, #tpu.memory_space<hbm>>) dst(%arg29 : memref<32x512xf32, #tpu.memory_space<vmem>>)
    %dma_wait3A_123 = arith.constant 0 : i32
    %dma_wait3A_124 = tpu.memref_slice %arg13[%add3A_104, %dma_wait3A_123] : memref<116384x512xf32, #tpu.memory_space<hbm>> -> memref<32x512xf32, #tpu.memory_space<hbm>>
    %dma_wait3A_125 = arith.constant 0 : i32
    %dma_wait3A_126 = tpu.memref_slice %arg13[%add3A_104, %dma_wait3A_125] : memref<116384x512xf32, #tpu.memory_space<hbm>> -> memref<32x512xf32, #tpu.memory_space<hbm>>
    tpu.wait_dma2 semaphore(%arg39 : memref<!tpu.dma_semaphore, #tpu.memory_space<semaphore_mem>>) src(%arg25 : memref<32x512xf32, #tpu.memory_space<vmem>>) dst(%dma_wait3A_126 : memref<32x512xf32, #tpu.memory_space<hbm>>)
    %dma_wait3A_127 = arith.constant 32 : i32
    %dma_wait3A_128 = tpu.memref_slice %arg23[%dma_wait3A_127] : memref<512xi32, #tpu.memory_space<vmem>> -> memref<32xi32, #tpu.memory_space<vmem>>
    %dma_wait3A_129 = arith.constant 0 : i32
    %dma_wait3A_130 = arith.constant 0 : i32
    %dma_wait3A_131 = tpu.memref_slice %arg13[%dma_wait3A_129, %dma_wait3A_130] : memref<116384x512xf32, #tpu.memory_space<hbm>> -> memref<116384x512xf32, #tpu.memory_space<hbm>>
    tpu.wait_indirect_dma semaphore(%arg41 : memref<!tpu.dma_semaphore, #tpu.memory_space<semaphore_mem>>) src(%arg28 : memref<32x512xf32, #tpu.memory_space<vmem>>) dst(%dma_wait3A_131 : memref<116384x512xf32, #tpu.memory_space<hbm>>)
    %dma_start3A_132 = arith.constant 128 : i32
    %dma_start3A_133 = tpu.memref_slice %arg23[%dma_start3A_132] : memref<512xi32, #tpu.memory_space<vmem>> -> memref<32xi32, #tpu.memory_space<vmem>>
    %dma_start3A_134 = arith.constant 0 : i32
    %dma_start3A_135 = arith.constant 0 : i32
    %dma_start3A_136 = tpu.memref_slice %arg2[%dma_start3A_134, %dma_start3A_135] : memref<100000x512xf32, #tpu.memory_space<hbm>> -> memref<100000x512xf32, #tpu.memory_space<hbm>>
    tpu.enqueue_indirect_dma source(%dma_start3A_136 : memref<100000x512xf32, #tpu.memory_space<hbm>>) target(%arg25 : memref<32x512xf32, #tpu.memory_space<vmem>>) offsets(%dma_start3A_133 : memref<32xi32, #tpu.memory_space<vmem>>) semaphore(%arg38 : memref<!tpu.dma_semaphore, #tpu.memory_space<semaphore_mem>>)
    %add3A_137 = arith.constant 128 : i32
    %add3A_138 = arith.addi %multiple_of3A, %add3A_137 : i32
    %dma_start3A_139 = arith.constant 0 : i32
    %dma_start3A_140 = tpu.memref_slice %arg7[%add3A_138, %dma_start3A_139] : memref<16384x512xf32, #tpu.memory_space<hbm>> -> memref<32x512xf32, #tpu.memory_space<hbm>>
    %dma_start3A_141 = arith.constant 0 : i32
    %dma_start3A_142 = tpu.memref_slice %arg7[%add3A_138, %dma_start3A_141] : memref<16384x512xf32, #tpu.memory_space<hbm>> -> memref<32x512xf32, #tpu.memory_space<hbm>>
    tpu.enqueue_dma source(%dma_start3A_142 : memref<32x512xf32, #tpu.memory_space<hbm>>) target(%arg28 : memref<32x512xf32, #tpu.memory_space<vmem>>) target_semaphore(%arg40 : memref<!tpu.dma_semaphore, #tpu.memory_space<semaphore_mem>>)
    %add3A_143 = arith.constant 100000 : i32
    %add3A_144 = arith.addi %add3A_143, %multiple_of3A : i32
    %add3A_145 = arith.constant 64 : i32
    %add3A_146 = arith.addi %add3A_144, %add3A_145 : i32
    %dma_start3A_147 = arith.constant 0 : i32
    %dma_start3A_148 = tpu.memref_slice %arg13[%add3A_146, %dma_start3A_147] : memref<116384x512xf32, #tpu.memory_space<hbm>> -> memref<32x512xf32, #tpu.memory_space<hbm>>
    %dma_start3A_149 = arith.constant 0 : i32
    %dma_start3A_150 = tpu.memref_slice %arg13[%add3A_146, %dma_start3A_149] : memref<116384x512xf32, #tpu.memory_space<hbm>> -> memref<32x512xf32, #tpu.memory_space<hbm>>
    tpu.enqueue_dma source(%arg26 : memref<32x512xf32, #tpu.memory_space<vmem>>) target(%dma_start3A_150 : memref<32x512xf32, #tpu.memory_space<hbm>>) target_semaphore(%arg39 : memref<!tpu.dma_semaphore, #tpu.memory_space<semaphore_mem>>)
    %dma_start3A_151 = arith.constant 64 : i32
    %dma_start3A_152 = tpu.memref_slice %arg23[%dma_start3A_151] : memref<512xi32, #tpu.memory_space<vmem>> -> memref<32xi32, #tpu.memory_space<vmem>>
    %dma_start3A_153 = arith.constant 0 : i32
    %dma_start3A_154 = arith.constant 0 : i32
    %dma_start3A_155 = tpu.memref_slice %arg13[%dma_start3A_153, %dma_start3A_154] : memref<116384x512xf32, #tpu.memory_space<hbm>> -> memref<116384x512xf32, #tpu.memory_space<hbm>>
    tpu.enqueue_indirect_dma source(%arg29 : memref<32x512xf32, #tpu.memory_space<vmem>>) target(%dma_start3A_155 : memref<116384x512xf32, #tpu.memory_space<hbm>>) offsets(%dma_start3A_152 : memref<32xi32, #tpu.memory_space<vmem>>) semaphore(%arg41 : memref<!tpu.dma_semaphore, #tpu.memory_space<semaphore_mem>>)
    %dma_wait3A_156 = arith.constant 96 : i32
    %dma_wait3A_157 = tpu.memref_slice %arg23[%dma_wait3A_156] : memref<512xi32, #tpu.memory_space<vmem>> -> memref<32xi32, #tpu.memory_space<vmem>>
    %dma_wait3A_158 = arith.constant 0 : i32
    %dma_wait3A_159 = arith.constant 0 : i32
    %dma_wait3A_160 = tpu.memref_slice %arg2[%dma_wait3A_158, %dma_wait3A_159] : memref<100000x512xf32, #tpu.memory_space<hbm>> -> memref<100000x512xf32, #tpu.memory_space<hbm>>
    tpu.wait_indirect_dma semaphore(%arg38 : memref<!tpu.dma_semaphore, #tpu.memory_space<semaphore_mem>>) src(%dma_wait3A_160 : memref<100000x512xf32, #tpu.memory_space<hbm>>) dst(%arg24 : memref<32x512xf32, #tpu.memory_space<vmem>>)
    %dma_wait3A_161 = arith.constant 0 : i32
    %dma_wait3A_162 = tpu.memref_slice %arg7[%add3A_96, %dma_wait3A_161] : memref<16384x512xf32, #tpu.memory_space<hbm>> -> memref<32x512xf32, #tpu.memory_space<hbm>>
    %dma_wait3A_163 = arith.constant 0 : i32
    %dma_wait3A_164 = tpu.memref_slice %arg7[%add3A_96, %dma_wait3A_163] : memref<16384x512xf32, #tpu.memory_space<hbm>> -> memref<32x512xf32, #tpu.memory_space<hbm>>
    tpu.wait_dma2 semaphore(%arg40 : memref<!tpu.dma_semaphore, #tpu.memory_space<semaphore_mem>>) src(%dma_wait3A_164 : memref<32x512xf32, #tpu.memory_space<hbm>>) dst(%arg27 : memref<32x512xf32, #tpu.memory_space<vmem>>)
    %dma_wait3A_165 = arith.constant 0 : i32
    %dma_wait3A_166 = tpu.memref_slice %arg13[%add3A_146, %dma_wait3A_165] : memref<116384x512xf32, #tpu.memory_space<hbm>> -> memref<32x512xf32, #tpu.memory_space<hbm>>
    %dma_wait3A_167 = arith.constant 0 : i32
    %dma_wait3A_168 = tpu.memref_slice %arg13[%add3A_146, %dma_wait3A_167] : memref<116384x512xf32, #tpu.memory_space<hbm>> -> memref<32x512xf32, #tpu.memory_space<hbm>>
    tpu.wait_dma2 semaphore(%arg39 : memref<!tpu.dma_semaphore, #tpu.memory_space<semaphore_mem>>) src(%arg26 : memref<32x512xf32, #tpu.memory_space<vmem>>) dst(%dma_wait3A_168 : memref<32x512xf32, #tpu.memory_space<hbm>>)
    %dma_wait3A_169 = arith.constant 64 : i32
    %dma_wait3A_170 = tpu.memref_slice %arg23[%dma_wait3A_169] : memref<512xi32, #tpu.memory_space<vmem>> -> memref<32xi32, #tpu.memory_space<vmem>>
    %dma_wait3A_171 = arith.constant 0 : i32
    %dma_wait3A_172 = arith.constant 0 : i32
    %dma_wait3A_173 = tpu.memref_slice %arg13[%dma_wait3A_171, %dma_wait3A_172] : memref<116384x512xf32, #tpu.memory_space<hbm>> -> memref<116384x512xf32, #tpu.memory_space<hbm>>
    tpu.wait_indirect_dma semaphore(%arg41 : memref<!tpu.dma_semaphore, #tpu.memory_space<semaphore_mem>>) src(%arg29 : memref<32x512xf32, #tpu.memory_space<vmem>>) dst(%dma_wait3A_173 : memref<116384x512xf32, #tpu.memory_space<hbm>>)
    %dma_start3A_174 = arith.constant 160 : i32
    %dma_start3A_175 = tpu.memref_slice %arg23[%dma_start3A_174] : memref<512xi32, #tpu.memory_space<vmem>> -> memref<32xi32, #tpu.memory_space<vmem>>
    %dma_start3A_176 = arith.constant 0 : i32
    %dma_start3A_177 = arith.constant 0 : i32
    %dma_start3A_178 = tpu.memref_slice %arg2[%dma_start3A_176, %dma_start3A_177] : memref<100000x512xf32, #tpu.memory_space<hbm>> -> memref<100000x512xf32, #tpu.memory_space<hbm>>
    tpu.enqueue_indirect_dma source(%dma_start3A_178 : memref<100000x512xf32, #tpu.memory_space<hbm>>) target(%arg26 : memref<32x512xf32, #tpu.memory_space<vmem>>) offsets(%dma_start3A_175 : memref<32xi32, #tpu.memory_space<vmem>>) semaphore(%arg38 : memref<!tpu.dma_semaphore, #tpu.memory_space<semaphore_mem>>)
    %add3A_179 = arith.constant 160 : i32
    %add3A_180 = arith.addi %multiple_of3A, %add3A_179 : i32
    %dma_start3A_181 = arith.constant 0 : i32
    %dma_start3A_182 = tpu.memref_slice %arg7[%add3A_180, %dma_start3A_181] : memref<16384x512xf32, #tpu.memory_space<hbm>> -> memref<32x512xf32, #tpu.memory_space<hbm>>
    %dma_start3A_183 = arith.constant 0 : i32
    %dma_start3A_184 = tpu.memref_slice %arg7[%add3A_180, %dma_start3A_183] : memref<16384x512xf32, #tpu.memory_space<hbm>> -> memref<32x512xf32, #tpu.memory_space<hbm>>
    tpu.enqueue_dma source(%dma_start3A_184 : memref<32x512xf32, #tpu.memory_space<hbm>>) target(%arg29 : memref<32x512xf32, #tpu.memory_space<vmem>>) target_semaphore(%arg40 : memref<!tpu.dma_semaphore, #tpu.memory_space<semaphore_mem>>)
    %add3A_185 = arith.constant 100000 : i32
    %add3A_186 = arith.addi %add3A_185, %multiple_of3A : i32
    %add3A_187 = arith.constant 96 : i32
    %add3A_188 = arith.addi %add3A_186, %add3A_187 : i32
    %dma_start3A_189 = arith.constant 0 : i32
    %dma_start3A_190 = tpu.memref_slice %arg13[%add3A_188, %dma_start3A_189] : memref<116384x512xf32, #tpu.memory_space<hbm>> -> memref<32x512xf32, #tpu.memory_space<hbm>>
    %dma_start3A_191 = arith.constant 0 : i32
    %dma_start3A_192 = tpu.memref_slice %arg13[%add3A_188, %dma_start3A_191] : memref<116384x512xf32, #tpu.memory_space<hbm>> -> memref<32x512xf32, #tpu.memory_space<hbm>>
    tpu.enqueue_dma source(%arg24 : memref<32x512xf32, #tpu.memory_space<vmem>>) target(%dma_start3A_192 : memref<32x512xf32, #tpu.memory_space<hbm>>) target_semaphore(%arg39 : memref<!tpu.dma_semaphore, #tpu.memory_space<semaphore_mem>>)
    %dma_start3A_193 = arith.constant 96 : i32
    %dma_start3A_194 = tpu.memref_slice %arg23[%dma_start3A_193] : memref<512xi32, #tpu.memory_space<vmem>> -> memref<32xi32, #tpu.memory_space<vmem>>
    %dma_start3A_195 = arith.constant 0 : i32
    %dma_start3A_196 = arith.constant 0 : i32
    %dma_start3A_197 = tpu.memref_slice %arg13[%dma_start3A_195, %dma_start3A_196] : memref<116384x512xf32, #tpu.memory_space<hbm>> -> memref<116384x512xf32, #tpu.memory_space<hbm>>
    tpu.enqueue_indirect_dma source(%arg27 : memref<32x512xf32, #tpu.memory_space<vmem>>) target(%dma_start3A_197 : memref<116384x512xf32, #tpu.memory_space<hbm>>) offsets(%dma_start3A_194 : memref<32xi32, #tpu.memory_space<vmem>>) semaphore(%arg41 : memref<!tpu.dma_semaphore, #tpu.memory_space<semaphore_mem>>)
    %dma_wait3A_198 = arith.constant 128 : i32
    %dma_wait3A_199 = tpu.memref_slice %arg23[%dma_wait3A_198] : memref<512xi32, #tpu.memory_space<vmem>> -> memref<32xi32, #tpu.memory_space<vmem>>
    %dma_wait3A_200 = arith.constant 0 : i32
    %dma_wait3A_201 = arith.constant 0 : i32
    %dma_wait3A_202 = tpu.memref_slice %arg2[%dma_wait3A_200, %dma_wait3A_201] : memref<100000x512xf32, #tpu.memory_space<hbm>> -> memref<100000x512xf32, #tpu.memory_space<hbm>>
    tpu.wait_indirect_dma semaphore(%arg38 : memref<!tpu.dma_semaphore, #tpu.memory_space<semaphore_mem>>) src(%dma_wait3A_202 : memref<100000x512xf32, #tpu.memory_space<hbm>>) dst(%arg25 : memref<32x512xf32, #tpu.memory_space<vmem>>)
    %dma_wait3A_203 = arith.constant 0 : i32
    %dma_wait3A_204 = tpu.memref_slice %arg7[%add3A_138, %dma_wait3A_203] : memref<16384x512xf32, #tpu.memory_space<hbm>> -> memref<32x512xf32, #tpu.memory_space<hbm>>
    %dma_wait3A_205 = arith.constant 0 : i32
    %dma_wait3A_206 = tpu.memref_slice %arg7[%add3A_138, %dma_wait3A_205] : memref<16384x512xf32, #tpu.memory_space<hbm>> -> memref<32x512xf32, #tpu.memory_space<hbm>>
    tpu.wait_dma2 semaphore(%arg40 : memref<!tpu.dma_semaphore, #tpu.memory_space<semaphore_mem>>) src(%dma_wait3A_206 : memref<32x512xf32, #tpu.memory_space<hbm>>) dst(%arg28 : memref<32x512xf32, #tpu.memory_space<vmem>>)
    %dma_wait3A_207 = arith.constant 0 : i32
    %dma_wait3A_208 = tpu.memref_slice %arg13[%add3A_188, %dma_wait3A_207] : memref<116384x512xf32, #tpu.memory_space<hbm>> -> memref<32x512xf32, #tpu.memory_space<hbm>>
    %dma_wait3A_209 = arith.constant 0 : i32
    %dma_wait3A_210 = tpu.memref_slice %arg13[%add3A_188, %dma_wait3A_209] : memref<116384x512xf32, #tpu.memory_space<hbm>> -> memref<32x512xf32, #tpu.memory_space<hbm>>
    tpu.wait_dma2 semaphore(%arg39 : memref<!tpu.dma_semaphore, #tpu.memory_space<semaphore_mem>>) src(%arg24 : memref<32x512xf32, #tpu.memory_space<vmem>>) dst(%dma_wait3A_210 : memref<32x512xf32, #tpu.memory_space<hbm>>)
    %dma_wait3A_211 = arith.constant 96 : i32
    %dma_wait3A_212 = tpu.memref_slice %arg23[%dma_wait3A_211] : memref<512xi32, #tpu.memory_space<vmem>> -> memref<32xi32, #tpu.memory_space<vmem>>
    %dma_wait3A_213 = arith.constant 0 : i32
    %dma_wait3A_214 = arith.constant 0 : i32
    %dma_wait3A_215 = tpu.memref_slice %arg13[%dma_wait3A_213, %dma_wait3A_214] : memref<116384x512xf32, #tpu.memory_space<hbm>> -> memref<116384x512xf32, #tpu.memory_space<hbm>>
    tpu.wait_indirect_dma semaphore(%arg41 : memref<!tpu.dma_semaphore, #tpu.memory_space<semaphore_mem>>) src(%arg27 : memref<32x512xf32, #tpu.memory_space<vmem>>) dst(%dma_wait3A_215 : memref<116384x512xf32, #tpu.memory_space<hbm>>)
    %dma_start3A_216 = arith.constant 192 : i32
    %dma_start3A_217 = tpu.memref_slice %arg23[%dma_start3A_216] : memref<512xi32, #tpu.memory_space<vmem>> -> memref<32xi32, #tpu.memory_space<vmem>>
    %dma_start3A_218 = arith.constant 0 : i32
    %dma_start3A_219 = arith.constant 0 : i32
    %dma_start3A_220 = tpu.memref_slice %arg2[%dma_start3A_218, %dma_start3A_219] : memref<100000x512xf32, #tpu.memory_space<hbm>> -> memref<100000x512xf32, #tpu.memory_space<hbm>>
    tpu.enqueue_indirect_dma source(%dma_start3A_220 : memref<100000x512xf32, #tpu.memory_space<hbm>>) target(%arg24 : memref<32x512xf32, #tpu.memory_space<vmem>>) offsets(%dma_start3A_217 : memref<32xi32, #tpu.memory_space<vmem>>) semaphore(%arg38 : memref<!tpu.dma_semaphore, #tpu.memory_space<semaphore_mem>>)
    %add3A_221 = arith.constant 192 : i32
    %add3A_222 = arith.addi %multiple_of3A, %add3A_221 : i32
    %dma_start3A_223 = arith.constant 0 : i32
    %dma_start3A_224 = tpu.memref_slice %arg7[%add3A_222, %dma_start3A_223] : memref<16384x512xf32, #tpu.memory_space<hbm>> -> memref<32x512xf32, #tpu.memory_space<hbm>>
    %dma_start3A_225 = arith.constant 0 : i32
    %dma_start3A_226 = tpu.memref_slice %arg7[%add3A_222, %dma_start3A_225] : memref<16384x512xf32, #tpu.memory_space<hbm>> -> memref<32x512xf32, #tpu.memory_space<hbm>>
    tpu.enqueue_dma source(%dma_start3A_226 : memref<32x512xf32, #tpu.memory_space<hbm>>) target(%arg27 : memref<32x512xf32, #tpu.memory_space<vmem>>) target_semaphore(%arg40 : memref<!tpu.dma_semaphore, #tpu.memory_space<semaphore_mem>>)
    %add3A_227 = arith.constant 100000 : i32
    %add3A_228 = arith.addi %add3A_227, %multiple_of3A : i32
    %add3A_229 = arith.constant 128 : i32
    %add3A_230 = arith.addi %add3A_228, %add3A_229 : i32
    %dma_start3A_231 = arith.constant 0 : i32
    %dma_start3A_232 = tpu.memref_slice %arg13[%add3A_230, %dma_start3A_231] : memref<116384x512xf32, #tpu.memory_space<hbm>> -> memref<32x512xf32, #tpu.memory_space<hbm>>
    %dma_start3A_233 = arith.constant 0 : i32
    %dma_start3A_234 = tpu.memref_slice %arg13[%add3A_230, %dma_start3A_233] : memref<116384x512xf32, #tpu.memory_space<hbm>> -> memref<32x512xf32, #tpu.memory_space<hbm>>
    tpu.enqueue_dma source(%arg25 : memref<32x512xf32, #tpu.memory_space<vmem>>) target(%dma_start3A_234 : memref<32x512xf32, #tpu.memory_space<hbm>>) target_semaphore(%arg39 : memref<!tpu.dma_semaphore, #tpu.memory_space<semaphore_mem>>)
    %dma_start3A_235 = arith.constant 128 : i32
    %dma_start3A_236 = tpu.memref_slice %arg23[%dma_start3A_235] : memref<512xi32, #tpu.memory_space<vmem>> -> memref<32xi32, #tpu.memory_space<vmem>>
    %dma_start3A_237 = arith.constant 0 : i32
    %dma_start3A_238 = arith.constant 0 : i32
    %dma_start3A_239 = tpu.memref_slice %arg13[%dma_start3A_237, %dma_start3A_238] : memref<116384x512xf32, #tpu.memory_space<hbm>> -> memref<116384x512xf32, #tpu.memory_space<hbm>>
    tpu.enqueue_indirect_dma source(%arg28 : memref<32x512xf32, #tpu.memory_space<vmem>>) target(%dma_start3A_239 : memref<116384x512xf32, #tpu.memory_space<hbm>>) offsets(%dma_start3A_236 : memref<32xi32, #tpu.memory_space<vmem>>) semaphore(%arg41 : memref<!tpu.dma_semaphore, #tpu.memory_space<semaphore_mem>>)
    %dma_wait3A_240 = arith.constant 160 : i32
    %dma_wait3A_241 = tpu.memref_slice %arg23[%dma_wait3A_240] : memref<512xi32, #tpu.memory_space<vmem>> -> memref<32xi32, #tpu.memory_space<vmem>>
    %dma_wait3A_242 = arith.constant 0 : i32
    %dma_wait3A_243 = arith.constant 0 : i32
    %dma_wait3A_244 = tpu.memref_slice %arg2[%dma_wait3A_242, %dma_wait3A_243] : memref<100000x512xf32, #tpu.memory_space<hbm>> -> memref<100000x512xf32, #tpu.memory_space<hbm>>
    tpu.wait_indirect_dma semaphore(%arg38 : memref<!tpu.dma_semaphore, #tpu.memory_space<semaphore_mem>>) src(%dma_wait3A_244 : memref<100000x512xf32, #tpu.memory_space<hbm>>) dst(%arg26 : memref<32x512xf32, #tpu.memory_space<vmem>>)
    %dma_wait3A_245 = arith.constant 0 : i32
    %dma_wait3A_246 = tpu.memref_slice %arg7[%add3A_180, %dma_wait3A_245] : memref<16384x512xf32, #tpu.memory_space<hbm>> -> memref<32x512xf32, #tpu.memory_space<hbm>>
    %dma_wait3A_247 = arith.constant 0 : i32
    %dma_wait3A_248 = tpu.memref_slice %arg7[%add3A_180, %dma_wait3A_247] : memref<16384x512xf32, #tpu.memory_space<hbm>> -> memref<32x512xf32, #tpu.memory_space<hbm>>
    tpu.wait_dma2 semaphore(%arg40 : memref<!tpu.dma_semaphore, #tpu.memory_space<semaphore_mem>>) src(%dma_wait3A_248 : memref<32x512xf32, #tpu.memory_space<hbm>>) dst(%arg29 : memref<32x512xf32, #tpu.memory_space<vmem>>)
    %dma_wait3A_249 = arith.constant 0 : i32
    %dma_wait3A_250 = tpu.memref_slice %arg13[%add3A_230, %dma_wait3A_249] : memref<116384x512xf32, #tpu.memory_space<hbm>> -> memref<32x512xf32, #tpu.memory_space<hbm>>
    %dma_wait3A_251 = arith.constant 0 : i32
    %dma_wait3A_252 = tpu.memref_slice %arg13[%add3A_230, %dma_wait3A_251] : memref<116384x512xf32, #tpu.memory_space<hbm>> -> memref<32x512xf32, #tpu.memory_space<hbm>>
    tpu.wait_dma2 semaphore(%arg39 : memref<!tpu.dma_semaphore, #tpu.memory_space<semaphore_mem>>) src(%arg25 : memref<32x512xf32, #tpu.memory_space<vmem>>) dst(%dma_wait3A_252 : memref<32x512xf32, #tpu.memory_space<hbm>>)
    %dma_wait3A_253 = arith.constant 128 : i32
    %dma_wait3A_254 = tpu.memref_slice %arg23[%dma_wait3A_253] : memref<512xi32, #tpu.memory_space<vmem>> -> memref<32xi32, #tpu.memory_space<vmem>>
    %dma_wait3A_255 = arith.constant 0 : i32
    %dma_wait3A_256 = arith.constant 0 : i32
    %dma_wait3A_257 = tpu.memref_slice %arg13[%dma_wait3A_255, %dma_wait3A_256] : memref<116384x512xf32, #tpu.memory_space<hbm>> -> memref<116384x512xf32, #tpu.memory_space<hbm>>
    tpu.wait_indirect_dma semaphore(%arg41 : memref<!tpu.dma_semaphore, #tpu.memory_space<semaphore_mem>>) src(%arg28 : memref<32x512xf32, #tpu.memory_space<vmem>>) dst(%dma_wait3A_257 : memref<116384x512xf32, #tpu.memory_space<hbm>>)
    %dma_start3A_258 = arith.constant 224 : i32
    %dma_start3A_259 = tpu.memref_slice %arg23[%dma_start3A_258] : memref<512xi32, #tpu.memory_space<vmem>> -> memref<32xi32, #tpu.memory_space<vmem>>
    %dma_start3A_260 = arith.constant 0 : i32
    %dma_start3A_261 = arith.constant 0 : i32
    %dma_start3A_262 = tpu.memref_slice %arg2[%dma_start3A_260, %dma_start3A_261] : memref<100000x512xf32, #tpu.memory_space<hbm>> -> memref<100000x512xf32, #tpu.memory_space<hbm>>
    tpu.enqueue_indirect_dma source(%dma_start3A_262 : memref<100000x512xf32, #tpu.memory_space<hbm>>) target(%arg25 : memref<32x512xf32, #tpu.memory_space<vmem>>) offsets(%dma_start3A_259 : memref<32xi32, #tpu.memory_space<vmem>>) semaphore(%arg38 : memref<!tpu.dma_semaphore, #tpu.memory_space<semaphore_mem>>)
    %add3A_263 = arith.constant 224 : i32
    %add3A_264 = arith.addi %multiple_of3A, %add3A_263 : i32
    %dma_start3A_265 = arith.constant 0 : i32
    %dma_start3A_266 = tpu.memref_slice %arg7[%add3A_264, %dma_start3A_265] : memref<16384x512xf32, #tpu.memory_space<hbm>> -> memref<32x512xf32, #tpu.memory_space<hbm>>
    %dma_start3A_267 = arith.constant 0 : i32
    %dma_start3A_268 = tpu.memref_slice %arg7[%add3A_264, %dma_start3A_267] : memref<16384x512xf32, #tpu.memory_space<hbm>> -> memref<32x512xf32, #tpu.memory_space<hbm>>
    tpu.enqueue_dma source(%dma_start3A_268 : memref<32x512xf32, #tpu.memory_space<hbm>>) target(%arg28 : memref<32x512xf32, #tpu.memory_space<vmem>>) target_semaphore(%arg40 : memref<!tpu.dma_semaphore, #tpu.memory_space<semaphore_mem>>)
    %add3A_269 = arith.constant 100000 : i32
    %add3A_270 = arith.addi %add3A_269, %multiple_of3A : i32
    %add3A_271 = arith.constant 160 : i32
    %add3A_272 = arith.addi %add3A_270, %add3A_271 : i32
    %dma_start3A_273 = arith.constant 0 : i32
    %dma_start3A_274 = tpu.memref_slice %arg13[%add3A_272, %dma_start3A_273] : memref<116384x512xf32, #tpu.memory_space<hbm>> -> memref<32x512xf32, #tpu.memory_space<hbm>>
    %dma_start3A_275 = arith.constant 0 : i32
    %dma_start3A_276 = tpu.memref_slice %arg13[%add3A_272, %dma_start3A_275] : memref<116384x512xf32, #tpu.memory_space<hbm>> -> memref<32x512xf32, #tpu.memory_space<hbm>>
    tpu.enqueue_dma source(%arg26 : memref<32x512xf32, #tpu.memory_space<vmem>>) target(%dma_start3A_276 : memref<32x512xf32, #tpu.memory_space<hbm>>) target_semaphore(%arg39 : memref<!tpu.dma_semaphore, #tpu.memory_space<semaphore_mem>>)
    %dma_start3A_277 = arith.constant 160 : i32
    %dma_start3A_278 = tpu.memref_slice %arg23[%dma_start3A_277] : memref<512xi32, #tpu.memory_space<vmem>> -> memref<32xi32, #tpu.memory_space<vmem>>
    %dma_start3A_279 = arith.constant 0 : i32
    %dma_start3A_280 = arith.constant 0 : i32
    %dma_start3A_281 = tpu.memref_slice %arg13[%dma_start3A_279, %dma_start3A_280] : memref<116384x512xf32, #tpu.memory_space<hbm>> -> memref<116384x512xf32, #tpu.memory_space<hbm>>
    tpu.enqueue_indirect_dma source(%arg29 : memref<32x512xf32, #tpu.memory_space<vmem>>) target(%dma_start3A_281 : memref<116384x512xf32, #tpu.memory_space<hbm>>) offsets(%dma_start3A_278 : memref<32xi32, #tpu.memory_space<vmem>>) semaphore(%arg41 : memref<!tpu.dma_semaphore, #tpu.memory_space<semaphore_mem>>)
    %dma_wait3A_282 = arith.constant 192 : i32
    %dma_wait3A_283 = tpu.memref_slice %arg23[%dma_wait3A_282] : memref<512xi32, #tpu.memory_space<vmem>> -> memref<32xi32, #tpu.memory_space<vmem>>
    %dma_wait3A_284 = arith.constant 0 : i32
    %dma_wait3A_285 = arith.constant 0 : i32
    %dma_wait3A_286 = tpu.memref_slice %arg2[%dma_wait3A_284, %dma_wait3A_285] : memref<100000x512xf32, #tpu.memory_space<hbm>> -> memref<100000x512xf32, #tpu.memory_space<hbm>>
    tpu.wait_indirect_dma semaphore(%arg38 : memref<!tpu.dma_semaphore, #tpu.memory_space<semaphore_mem>>) src(%dma_wait3A_286 : memref<100000x512xf32, #tpu.memory_space<hbm>>) dst(%arg24 : memref<32x512xf32, #tpu.memory_space<vmem>>)
    %dma_wait3A_287 = arith.constant 0 : i32
    %dma_wait3A_288 = tpu.memref_slice %arg7[%add3A_222, %dma_wait3A_287] : memref<16384x512xf32, #tpu.memory_space<hbm>> -> memref<32x512xf32, #tpu.memory_space<hbm>>
    %dma_wait3A_289 = arith.constant 0 : i32
    %dma_wait3A_290 = tpu.memref_slice %arg7[%add3A_222, %dma_wait3A_289] : memref<16384x512xf32, #tpu.memory_space<hbm>> -> memref<32x512xf32, #tpu.memory_space<hbm>>
    tpu.wait_dma2 semaphore(%arg40 : memref<!tpu.dma_semaphore, #tpu.memory_space<semaphore_mem>>) src(%dma_wait3A_290 : memref<32x512xf32, #tpu.memory_space<hbm>>) dst(%arg27 : memref<32x512xf32, #tpu.memory_space<vmem>>)
    %dma_wait3A_291 = arith.constant 0 : i32
    %dma_wait3A_292 = tpu.memref_slice %arg13[%add3A_272, %dma_wait3A_291] : memref<116384x512xf32, #tpu.memory_space<hbm>> -> memref<32x512xf32, #tpu.memory_space<hbm>>
    %dma_wait3A_293 = arith.constant 0 : i32
    %dma_wait3A_294 = tpu.memref_slice %arg13[%add3A_272, %dma_wait3A_293] : memref<116384x512xf32, #tpu.memory_space<hbm>> -> memref<32x512xf32, #tpu.memory_space<hbm>>
    tpu.wait_dma2 semaphore(%arg39 : memref<!tpu.dma_semaphore, #tpu.memory_space<semaphore_mem>>) src(%arg26 : memref<32x512xf32, #tpu.memory_space<vmem>>) dst(%dma_wait3A_294 : memref<32x512xf32, #tpu.memory_space<hbm>>)
    %dma_wait3A_295 = arith.constant 160 : i32
    %dma_wait3A_296 = tpu.memref_slice %arg23[%dma_wait3A_295] : memref<512xi32, #tpu.memory_space<vmem>> -> memref<32xi32, #tpu.memory_space<vmem>>
    %dma_wait3A_297 = arith.constant 0 : i32
    %dma_wait3A_298 = arith.constant 0 : i32
    %dma_wait3A_299 = tpu.memref_slice %arg13[%dma_wait3A_297, %dma_wait3A_298] : memref<116384x512xf32, #tpu.memory_space<hbm>> -> memref<116384x512xf32, #tpu.memory_space<hbm>>
    tpu.wait_indirect_dma semaphore(%arg41 : memref<!tpu.dma_semaphore, #tpu.memory_space<semaphore_mem>>) src(%arg29 : memref<32x512xf32, #tpu.memory_space<vmem>>) dst(%dma_wait3A_299 : memref<116384x512xf32, #tpu.memory_space<hbm>>)
    %dma_start3A_300 = arith.constant 256 : i32
    %dma_start3A_301 = tpu.memref_slice %arg23[%dma_start3A_300] : memref<512xi32, #tpu.memory_space<vmem>> -> memref<32xi32, #tpu.memory_space<vmem>>
    %dma_start3A_302 = arith.constant 0 : i32
    %dma_start3A_303 = arith.constant 0 : i32
    %dma_start3A_304 = tpu.memref_slice %arg2[%dma_start3A_302, %dma_start3A_303] : memref<100000x512xf32, #tpu.memory_space<hbm>> -> memref<100000x512xf32, #tpu.memory_space<hbm>>
    tpu.enqueue_indirect_dma source(%dma_start3A_304 : memref<100000x512xf32, #tpu.memory_space<hbm>>) target(%arg26 : memref<32x512xf32, #tpu.memory_space<vmem>>) offsets(%dma_start3A_301 : memref<32xi32, #tpu.memory_space<vmem>>) semaphore(%arg38 : memref<!tpu.dma_semaphore, #tpu.memory_space<semaphore_mem>>)
    %add3A_305 = arith.constant 256 : i32
    %add3A_306 = arith.addi %multiple_of3A, %add3A_305 : i32
    %dma_start3A_307 = arith.constant 0 : i32
    %dma_start3A_308 = tpu.memref_slice %arg7[%add3A_306, %dma_start3A_307] : memref<16384x512xf32, #tpu.memory_space<hbm>> -> memref<32x512xf32, #tpu.memory_space<hbm>>
    %dma_start3A_309 = arith.constant 0 : i32
    %dma_start3A_310 = tpu.memref_slice %arg7[%add3A_306, %dma_start3A_309] : memref<16384x512xf32, #tpu.memory_space<hbm>> -> memref<32x512xf32, #tpu.memory_space<hbm>>
    tpu.enqueue_dma source(%dma_start3A_310 : memref<32x512xf32, #tpu.memory_space<hbm>>) target(%arg29 : memref<32x512xf32, #tpu.memory_space<vmem>>) target_semaphore(%arg40 : memref<!tpu.dma_semaphore, #tpu.memory_space<semaphore_mem>>)
    %add3A_311 = arith.constant 100000 : i32
    %add3A_312 = arith.addi %add3A_311, %multiple_of3A : i32
    %add3A_313 = arith.constant 192 : i32
    %add3A_314 = arith.addi %add3A_312, %add3A_313 : i32
    %dma_start3A_315 = arith.constant 0 : i32
    %dma_start3A_316 = tpu.memref_slice %arg13[%add3A_314, %dma_start3A_315] : memref<116384x512xf32, #tpu.memory_space<hbm>> -> memref<32x512xf32, #tpu.memory_space<hbm>>
    %dma_start3A_317 = arith.constant 0 : i32
    %dma_start3A_318 = tpu.memref_slice %arg13[%add3A_314, %dma_start3A_317] : memref<116384x512xf32, #tpu.memory_space<hbm>> -> memref<32x512xf32, #tpu.memory_space<hbm>>
    tpu.enqueue_dma source(%arg24 : memref<32x512xf32, #tpu.memory_space<vmem>>) target(%dma_start3A_318 : memref<32x512xf32, #tpu.memory_space<hbm>>) target_semaphore(%arg39 : memref<!tpu.dma_semaphore, #tpu.memory_space<semaphore_mem>>)
    %dma_start3A_319 = arith.constant 192 : i32
    %dma_start3A_320 = tpu.memref_slice %arg23[%dma_start3A_319] : memref<512xi32, #tpu.memory_space<vmem>> -> memref<32xi32, #tpu.memory_space<vmem>>
    %dma_start3A_321 = arith.constant 0 : i32
    %dma_start3A_322 = arith.constant 0 : i32
    %dma_start3A_323 = tpu.memref_slice %arg13[%dma_start3A_321, %dma_start3A_322] : memref<116384x512xf32, #tpu.memory_space<hbm>> -> memref<116384x512xf32, #tpu.memory_space<hbm>>
    tpu.enqueue_indirect_dma source(%arg27 : memref<32x512xf32, #tpu.memory_space<vmem>>) target(%dma_start3A_323 : memref<116384x512xf32, #tpu.memory_space<hbm>>) offsets(%dma_start3A_320 : memref<32xi32, #tpu.memory_space<vmem>>) semaphore(%arg41 : memref<!tpu.dma_semaphore, #tpu.memory_space<semaphore_mem>>)
    %dma_wait3A_324 = arith.constant 224 : i32
    %dma_wait3A_325 = tpu.memref_slice %arg23[%dma_wait3A_324] : memref<512xi32, #tpu.memory_space<vmem>> -> memref<32xi32, #tpu.memory_space<vmem>>
    %dma_wait3A_326 = arith.constant 0 : i32
    %dma_wait3A_327 = arith.constant 0 : i32
    %dma_wait3A_328 = tpu.memref_slice %arg2[%dma_wait3A_326, %dma_wait3A_327] : memref<100000x512xf32, #tpu.memory_space<hbm>> -> memref<100000x512xf32, #tpu.memory_space<hbm>>
    tpu.wait_indirect_dma semaphore(%arg38 : memref<!tpu.dma_semaphore, #tpu.memory_space<semaphore_mem>>) src(%dma_wait3A_328 : memref<100000x512xf32, #tpu.memory_space<hbm>>) dst(%arg25 : memref<32x512xf32, #tpu.memory_space<vmem>>)
    %dma_wait3A_329 = arith.constant 0 : i32
    %dma_wait3A_330 = tpu.memref_slice %arg7[%add3A_264, %dma_wait3A_329] : memref<16384x512xf32, #tpu.memory_space<hbm>> -> memref<32x512xf32, #tpu.memory_space<hbm>>
    %dma_wait3A_331 = arith.constant 0 : i32
    %dma_wait3A_332 = tpu.memref_slice %arg7[%add3A_264, %dma_wait3A_331] : memref<16384x512xf32, #tpu.memory_space<hbm>> -> memref<32x512xf32, #tpu.memory_space<hbm>>
    tpu.wait_dma2 semaphore(%arg40 : memref<!tpu.dma_semaphore, #tpu.memory_space<semaphore_mem>>) src(%dma_wait3A_332 : memref<32x512xf32, #tpu.memory_space<hbm>>) dst(%arg28 : memref<32x512xf32, #tpu.memory_space<vmem>>)
    %dma_wait3A_333 = arith.constant 0 : i32
    %dma_wait3A_334 = tpu.memref_slice %arg13[%add3A_314, %dma_wait3A_333] : memref<116384x512xf32, #tpu.memory_space<hbm>> -> memref<32x512xf32, #tpu.memory_space<hbm>>
    %dma_wait3A_335 = arith.constant 0 : i32
    %dma_wait3A_336 = tpu.memref_slice %arg13[%add3A_314, %dma_wait3A_335] : memref<116384x512xf32, #tpu.memory_space<hbm>> -> memref<32x512xf32, #tpu.memory_space<hbm>>
    tpu.wait_dma2 semaphore(%arg39 : memref<!tpu.dma_semaphore, #tpu.memory_space<semaphore_mem>>) src(%arg24 : memref<32x512xf32, #tpu.memory_space<vmem>>) dst(%dma_wait3A_336 : memref<32x512xf32, #tpu.memory_space<hbm>>)
    %dma_wait3A_337 = arith.constant 192 : i32
    %dma_wait3A_338 = tpu.memref_slice %arg23[%dma_wait3A_337] : memref<512xi32, #tpu.memory_space<vmem>> -> memref<32xi32, #tpu.memory_space<vmem>>
    %dma_wait3A_339 = arith.constant 0 : i32
    %dma_wait3A_340 = arith.constant 0 : i32
    %dma_wait3A_341 = tpu.memref_slice %arg13[%dma_wait3A_339, %dma_wait3A_340] : memref<116384x512xf32, #tpu.memory_space<hbm>> -> memref<116384x512xf32, #tpu.memory_space<hbm>>
    tpu.wait_indirect_dma semaphore(%arg41 : memref<!tpu.dma_semaphore, #tpu.memory_space<semaphore_mem>>) src(%arg27 : memref<32x512xf32, #tpu.memory_space<vmem>>) dst(%dma_wait3A_341 : memref<116384x512xf32, #tpu.memory_space<hbm>>)
    %dma_start3A_342 = arith.constant 288 : i32
    %dma_start3A_343 = tpu.memref_slice %arg23[%dma_start3A_342] : memref<512xi32, #tpu.memory_space<vmem>> -> memref<32xi32, #tpu.memory_space<vmem>>
    %dma_start3A_344 = arith.constant 0 : i32
    %dma_start3A_345 = arith.constant 0 : i32
    %dma_start3A_346 = tpu.memref_slice %arg2[%dma_start3A_344, %dma_start3A_345] : memref<100000x512xf32, #tpu.memory_space<hbm>> -> memref<100000x512xf32, #tpu.memory_space<hbm>>
    tpu.enqueue_indirect_dma source(%dma_start3A_346 : memref<100000x512xf32, #tpu.memory_space<hbm>>) target(%arg24 : memref<32x512xf32, #tpu.memory_space<vmem>>) offsets(%dma_start3A_343 : memref<32xi32, #tpu.memory_space<vmem>>) semaphore(%arg38 : memref<!tpu.dma_semaphore, #tpu.memory_space<semaphore_mem>>)
    %add3A_347 = arith.constant 288 : i32
    %add3A_348 = arith.addi %multiple_of3A, %add3A_347 : i32
    %dma_start3A_349 = arith.constant 0 : i32
    %dma_start3A_350 = tpu.memref_slice %arg7[%add3A_348, %dma_start3A_349] : memref<16384x512xf32, #tpu.memory_space<hbm>> -> memref<32x512xf32, #tpu.memory_space<hbm>>
    %dma_start3A_351 = arith.constant 0 : i32
    %dma_start3A_352 = tpu.memref_slice %arg7[%add3A_348, %dma_start3A_351] : memref<16384x512xf32, #tpu.memory_space<hbm>> -> memref<32x512xf32, #tpu.memory_space<hbm>>
    tpu.enqueue_dma source(%dma_start3A_352 : memref<32x512xf32, #tpu.memory_space<hbm>>) target(%arg27 : memref<32x512xf32, #tpu.memory_space<vmem>>) target_semaphore(%arg40 : memref<!tpu.dma_semaphore, #tpu.memory_space<semaphore_mem>>)
    %add3A_353 = arith.constant 100000 : i32
    %add3A_354 = arith.addi %add3A_353, %multiple_of3A : i32
    %add3A_355 = arith.constant 224 : i32
    %add3A_356 = arith.addi %add3A_354, %add3A_355 : i32
    %dma_start3A_357 = arith.constant 0 : i32
    %dma_start3A_358 = tpu.memref_slice %arg13[%add3A_356, %dma_start3A_357] : memref<116384x512xf32, #tpu.memory_space<hbm>> -> memref<32x512xf32, #tpu.memory_space<hbm>>
    %dma_start3A_359 = arith.constant 0 : i32
    %dma_start3A_360 = tpu.memref_slice %arg13[%add3A_356, %dma_start3A_359] : memref<116384x512xf32, #tpu.memory_space<hbm>> -> memref<32x512xf32, #tpu.memory_space<hbm>>
    tpu.enqueue_dma source(%arg25 : memref<32x512xf32, #tpu.memory_space<vmem>>) target(%dma_start3A_360 : memref<32x512xf32, #tpu.memory_space<hbm>>) target_semaphore(%arg39 : memref<!tpu.dma_semaphore, #tpu.memory_space<semaphore_mem>>)
    %dma_start3A_361 = arith.constant 224 : i32
    %dma_start3A_362 = tpu.memref_slice %arg23[%dma_start3A_361] : memref<512xi32, #tpu.memory_space<vmem>> -> memref<32xi32, #tpu.memory_space<vmem>>
    %dma_start3A_363 = arith.constant 0 : i32
    %dma_start3A_364 = arith.constant 0 : i32
    %dma_start3A_365 = tpu.memref_slice %arg13[%dma_start3A_363, %dma_start3A_364] : memref<116384x512xf32, #tpu.memory_space<hbm>> -> memref<116384x512xf32, #tpu.memory_space<hbm>>
    tpu.enqueue_indirect_dma source(%arg28 : memref<32x512xf32, #tpu.memory_space<vmem>>) target(%dma_start3A_365 : memref<116384x512xf32, #tpu.memory_space<hbm>>) offsets(%dma_start3A_362 : memref<32xi32, #tpu.memory_space<vmem>>) semaphore(%arg41 : memref<!tpu.dma_semaphore, #tpu.memory_space<semaphore_mem>>)
    %dma_wait3A_366 = arith.constant 256 : i32
    %dma_wait3A_367 = tpu.memref_slice %arg23[%dma_wait3A_366] : memref<512xi32, #tpu.memory_space<vmem>> -> memref<32xi32, #tpu.memory_space<vmem>>
    %dma_wait3A_368 = arith.constant 0 : i32
    %dma_wait3A_369 = arith.constant 0 : i32
    %dma_wait3A_370 = tpu.memref_slice %arg2[%dma_wait3A_368, %dma_wait3A_369] : memref<100000x512xf32, #tpu.memory_space<hbm>> -> memref<100000x512xf32, #tpu.memory_space<hbm>>
    tpu.wait_indirect_dma semaphore(%arg38 : memref<!tpu.dma_semaphore, #tpu.memory_space<semaphore_mem>>) src(%dma_wait3A_370 : memref<100000x512xf32, #tpu.memory_space<hbm>>) dst(%arg26 : memref<32x512xf32, #tpu.memory_space<vmem>>)
    %dma_wait3A_371 = arith.constant 0 : i32
    %dma_wait3A_372 = tpu.memref_slice %arg7[%add3A_306, %dma_wait3A_371] : memref<16384x512xf32, #tpu.memory_space<hbm>> -> memref<32x512xf32, #tpu.memory_space<hbm>>
    %dma_wait3A_373 = arith.constant 0 : i32
    %dma_wait3A_374 = tpu.memref_slice %arg7[%add3A_306, %dma_wait3A_373] : memref<16384x512xf32, #tpu.memory_space<hbm>> -> memref<32x512xf32, #tpu.memory_space<hbm>>
    tpu.wait_dma2 semaphore(%arg40 : memref<!tpu.dma_semaphore, #tpu.memory_space<semaphore_mem>>) src(%dma_wait3A_374 : memref<32x512xf32, #tpu.memory_space<hbm>>) dst(%arg29 : memref<32x512xf32, #tpu.memory_space<vmem>>)
    %dma_wait3A_375 = arith.constant 0 : i32
    %dma_wait3A_376 = tpu.memref_slice %arg13[%add3A_356, %dma_wait3A_375] : memref<116384x512xf32, #tpu.memory_space<hbm>> -> memref<32x512xf32, #tpu.memory_space<hbm>>
    %dma_wait3A_377 = arith.constant 0 : i32
    %dma_wait3A_378 = tpu.memref_slice %arg13[%add3A_356, %dma_wait3A_377] : memref<116384x512xf32, #tpu.memory_space<hbm>> -> memref<32x512xf32, #tpu.memory_space<hbm>>
    tpu.wait_dma2 semaphore(%arg39 : memref<!tpu.dma_semaphore, #tpu.memory_space<semaphore_mem>>) src(%arg25 : memref<32x512xf32, #tpu.memory_space<vmem>>) dst(%dma_wait3A_378 : memref<32x512xf32, #tpu.memory_space<hbm>>)
    %dma_wait3A_379 = arith.constant 224 : i32
    %dma_wait3A_380 = tpu.memref_slice %arg23[%dma_wait3A_379] : memref<512xi32, #tpu.memory_space<vmem>> -> memref<32xi32, #tpu.memory_space<vmem>>
    %dma_wait3A_381 = arith.constant 0 : i32
    %dma_wait3A_382 = arith.constant 0 : i32
    %dma_wait3A_383 = tpu.memref_slice %arg13[%dma_wait3A_381, %dma_wait3A_382] : memref<116384x512xf32, #tpu.memory_space<hbm>> -> memref<116384x512xf32, #tpu.memory_space<hbm>>
    tpu.wait_indirect_dma semaphore(%arg41 : memref<!tpu.dma_semaphore, #tpu.memory_space<semaphore_mem>>) src(%arg28 : memref<32x512xf32, #tpu.memory_space<vmem>>) dst(%dma_wait3A_383 : memref<116384x512xf32, #tpu.memory_space<hbm>>)
    %dma_start3A_384 = arith.constant 320 : i32
    %dma_start3A_385 = tpu.memref_slice %arg23[%dma_start3A_384] : memref<512xi32, #tpu.memory_space<vmem>> -> memref<32xi32, #tpu.memory_space<vmem>>
    %dma_start3A_386 = arith.constant 0 : i32
    %dma_start3A_387 = arith.constant 0 : i32
    %dma_start3A_388 = tpu.memref_slice %arg2[%dma_start3A_386, %dma_start3A_387] : memref<100000x512xf32, #tpu.memory_space<hbm>> -> memref<100000x512xf32, #tpu.memory_space<hbm>>
    tpu.enqueue_indirect_dma source(%dma_start3A_388 : memref<100000x512xf32, #tpu.memory_space<hbm>>) target(%arg25 : memref<32x512xf32, #tpu.memory_space<vmem>>) offsets(%dma_start3A_385 : memref<32xi32, #tpu.memory_space<vmem>>) semaphore(%arg38 : memref<!tpu.dma_semaphore, #tpu.memory_space<semaphore_mem>>)
    %add3A_389 = arith.constant 320 : i32
    %add3A_390 = arith.addi %multiple_of3A, %add3A_389 : i32
    %dma_start3A_391 = arith.constant 0 : i32
    %dma_start3A_392 = tpu.memref_slice %arg7[%add3A_390, %dma_start3A_391] : memref<16384x512xf32, #tpu.memory_space<hbm>> -> memref<32x512xf32, #tpu.memory_space<hbm>>
    %dma_start3A_393 = arith.constant 0 : i32
    %dma_start3A_394 = tpu.memref_slice %arg7[%add3A_390, %dma_start3A_393] : memref<16384x512xf32, #tpu.memory_space<hbm>> -> memref<32x512xf32, #tpu.memory_space<hbm>>
    tpu.enqueue_dma source(%dma_start3A_394 : memref<32x512xf32, #tpu.memory_space<hbm>>) target(%arg28 : memref<32x512xf32, #tpu.memory_space<vmem>>) target_semaphore(%arg40 : memref<!tpu.dma_semaphore, #tpu.memory_space<semaphore_mem>>)
    %add3A_395 = arith.constant 100000 : i32
    %add3A_396 = arith.addi %add3A_395, %multiple_of3A : i32
    %add3A_397 = arith.constant 256 : i32
    %add3A_398 = arith.addi %add3A_396, %add3A_397 : i32
    %dma_start3A_399 = arith.constant 0 : i32
    %dma_start3A_400 = tpu.memref_slice %arg13[%add3A_398, %dma_start3A_399] : memref<116384x512xf32, #tpu.memory_space<hbm>> -> memref<32x512xf32, #tpu.memory_space<hbm>>
    %dma_start3A_401 = arith.constant 0 : i32
    %dma_start3A_402 = tpu.memref_slice %arg13[%add3A_398, %dma_start3A_401] : memref<116384x512xf32, #tpu.memory_space<hbm>> -> memref<32x512xf32, #tpu.memory_space<hbm>>
    tpu.enqueue_dma source(%arg26 : memref<32x512xf32, #tpu.memory_space<vmem>>) target(%dma_start3A_402 : memref<32x512xf32, #tpu.memory_space<hbm>>) target_semaphore(%arg39 : memref<!tpu.dma_semaphore, #tpu.memory_space<semaphore_mem>>)
    %dma_start3A_403 = arith.constant 256 : i32
    %dma_start3A_404 = tpu.memref_slice %arg23[%dma_start3A_403] : memref<512xi32, #tpu.memory_space<vmem>> -> memref<32xi32, #tpu.memory_space<vmem>>
    %dma_start3A_405 = arith.constant 0 : i32
    %dma_start3A_406 = arith.constant 0 : i32
    %dma_start3A_407 = tpu.memref_slice %arg13[%dma_start3A_405, %dma_start3A_406] : memref<116384x512xf32, #tpu.memory_space<hbm>> -> memref<116384x512xf32, #tpu.memory_space<hbm>>
    tpu.enqueue_indirect_dma source(%arg29 : memref<32x512xf32, #tpu.memory_space<vmem>>) target(%dma_start3A_407 : memref<116384x512xf32, #tpu.memory_space<hbm>>) offsets(%dma_start3A_404 : memref<32xi32, #tpu.memory_space<vmem>>) semaphore(%arg41 : memref<!tpu.dma_semaphore, #tpu.memory_space<semaphore_mem>>)
    %dma_wait3A_408 = arith.constant 288 : i32
    %dma_wait3A_409 = tpu.memref_slice %arg23[%dma_wait3A_408] : memref<512xi32, #tpu.memory_space<vmem>> -> memref<32xi32, #tpu.memory_space<vmem>>
    %dma_wait3A_410 = arith.constant 0 : i32
    %dma_wait3A_411 = arith.constant 0 : i32
    %dma_wait3A_412 = tpu.memref_slice %arg2[%dma_wait3A_410, %dma_wait3A_411] : memref<100000x512xf32, #tpu.memory_space<hbm>> -> memref<100000x512xf32, #tpu.memory_space<hbm>>
    tpu.wait_indirect_dma semaphore(%arg38 : memref<!tpu.dma_semaphore, #tpu.memory_space<semaphore_mem>>) src(%dma_wait3A_412 : memref<100000x512xf32, #tpu.memory_space<hbm>>) dst(%arg24 : memref<32x512xf32, #tpu.memory_space<vmem>>)
    %dma_wait3A_413 = arith.constant 0 : i32
    %dma_wait3A_414 = tpu.memref_slice %arg7[%add3A_348, %dma_wait3A_413] : memref<16384x512xf32, #tpu.memory_space<hbm>> -> memref<32x512xf32, #tpu.memory_space<hbm>>
    %dma_wait3A_415 = arith.constant 0 : i32
    %dma_wait3A_416 = tpu.memref_slice %arg7[%add3A_348, %dma_wait3A_415] : memref<16384x512xf32, #tpu.memory_space<hbm>> -> memref<32x512xf32, #tpu.memory_space<hbm>>
    tpu.wait_dma2 semaphore(%arg40 : memref<!tpu.dma_semaphore, #tpu.memory_space<semaphore_mem>>) src(%dma_wait3A_416 : memref<32x512xf32, #tpu.memory_space<hbm>>) dst(%arg27 : memref<32x512xf32, #tpu.memory_space<vmem>>)
    %dma_wait3A_417 = arith.constant 0 : i32
    %dma_wait3A_418 = tpu.memref_slice %arg13[%add3A_398, %dma_wait3A_417] : memref<116384x512xf32, #tpu.memory_space<hbm>> -> memref<32x512xf32, #tpu.memory_space<hbm>>
    %dma_wait3A_419 = arith.constant 0 : i32
    %dma_wait3A_420 = tpu.memref_slice %arg13[%add3A_398, %dma_wait3A_419] : memref<116384x512xf32, #tpu.memory_space<hbm>> -> memref<32x512xf32, #tpu.memory_space<hbm>>
    tpu.wait_dma2 semaphore(%arg39 : memref<!tpu.dma_semaphore, #tpu.memory_space<semaphore_mem>>) src(%arg26 : memref<32x512xf32, #tpu.memory_space<vmem>>) dst(%dma_wait3A_420 : memref<32x512xf32, #tpu.memory_space<hbm>>)
    %dma_wait3A_421 = arith.constant 256 : i32
    %dma_wait3A_422 = tpu.memref_slice %arg23[%dma_wait3A_421] : memref<512xi32, #tpu.memory_space<vmem>> -> memref<32xi32, #tpu.memory_space<vmem>>
    %dma_wait3A_423 = arith.constant 0 : i32
    %dma_wait3A_424 = arith.constant 0 : i32
    %dma_wait3A_425 = tpu.memref_slice %arg13[%dma_wait3A_423, %dma_wait3A_424] : memref<116384x512xf32, #tpu.memory_space<hbm>> -> memref<116384x512xf32, #tpu.memory_space<hbm>>
    tpu.wait_indirect_dma semaphore(%arg41 : memref<!tpu.dma_semaphore, #tpu.memory_space<semaphore_mem>>) src(%arg29 : memref<32x512xf32, #tpu.memory_space<vmem>>) dst(%dma_wait3A_425 : memref<116384x512xf32, #tpu.memory_space<hbm>>)
    %dma_start3A_426 = arith.constant 352 : i32
    %dma_start3A_427 = tpu.memref_slice %arg23[%dma_start3A_426] : memref<512xi32, #tpu.memory_space<vmem>> -> memref<32xi32, #tpu.memory_space<vmem>>
    %dma_start3A_428 = arith.constant 0 : i32
    %dma_start3A_429 = arith.constant 0 : i32
    %dma_start3A_430 = tpu.memref_slice %arg2[%dma_start3A_428, %dma_start3A_429] : memref<100000x512xf32, #tpu.memory_space<hbm>> -> memref<100000x512xf32, #tpu.memory_space<hbm>>
    tpu.enqueue_indirect_dma source(%dma_start3A_430 : memref<100000x512xf32, #tpu.memory_space<hbm>>) target(%arg26 : memref<32x512xf32, #tpu.memory_space<vmem>>) offsets(%dma_start3A_427 : memref<32xi32, #tpu.memory_space<vmem>>) semaphore(%arg38 : memref<!tpu.dma_semaphore, #tpu.memory_space<semaphore_mem>>)
    %add3A_431 = arith.constant 352 : i32
    %add3A_432 = arith.addi %multiple_of3A, %add3A_431 : i32
    %dma_start3A_433 = arith.constant 0 : i32
    %dma_start3A_434 = tpu.memref_slice %arg7[%add3A_432, %dma_start3A_433] : memref<16384x512xf32, #tpu.memory_space<hbm>> -> memref<32x512xf32, #tpu.memory_space<hbm>>
    %dma_start3A_435 = arith.constant 0 : i32
    %dma_start3A_436 = tpu.memref_slice %arg7[%add3A_432, %dma_start3A_435] : memref<16384x512xf32, #tpu.memory_space<hbm>> -> memref<32x512xf32, #tpu.memory_space<hbm>>
    tpu.enqueue_dma source(%dma_start3A_436 : memref<32x512xf32, #tpu.memory_space<hbm>>) target(%arg29 : memref<32x512xf32, #tpu.memory_space<vmem>>) target_semaphore(%arg40 : memref<!tpu.dma_semaphore, #tpu.memory_space<semaphore_mem>>)
    %add3A_437 = arith.constant 100000 : i32
    %add3A_438 = arith.addi %add3A_437, %multiple_of3A : i32
    %add3A_439 = arith.constant 288 : i32
    %add3A_440 = arith.addi %add3A_438, %add3A_439 : i32
    %dma_start3A_441 = arith.constant 0 : i32
    %dma_start3A_442 = tpu.memref_slice %arg13[%add3A_440, %dma_start3A_441] : memref<116384x512xf32, #tpu.memory_space<hbm>> -> memref<32x512xf32, #tpu.memory_space<hbm>>
    %dma_start3A_443 = arith.constant 0 : i32
    %dma_start3A_444 = tpu.memref_slice %arg13[%add3A_440, %dma_start3A_443] : memref<116384x512xf32, #tpu.memory_space<hbm>> -> memref<32x512xf32, #tpu.memory_space<hbm>>
    tpu.enqueue_dma source(%arg24 : memref<32x512xf32, #tpu.memory_space<vmem>>) target(%dma_start3A_444 : memref<32x512xf32, #tpu.memory_space<hbm>>) target_semaphore(%arg39 : memref<!tpu.dma_semaphore, #tpu.memory_space<semaphore_mem>>)
    %dma_start3A_445 = arith.constant 288 : i32
    %dma_start3A_446 = tpu.memref_slice %arg23[%dma_start3A_445] : memref<512xi32, #tpu.memory_space<vmem>> -> memref<32xi32, #tpu.memory_space<vmem>>
    %dma_start3A_447 = arith.constant 0 : i32
    %dma_start3A_448 = arith.constant 0 : i32
    %dma_start3A_449 = tpu.memref_slice %arg13[%dma_start3A_447, %dma_start3A_448] : memref<116384x512xf32, #tpu.memory_space<hbm>> -> memref<116384x512xf32, #tpu.memory_space<hbm>>
    tpu.enqueue_indirect_dma source(%arg27 : memref<32x512xf32, #tpu.memory_space<vmem>>) target(%dma_start3A_449 : memref<116384x512xf32, #tpu.memory_space<hbm>>) offsets(%dma_start3A_446 : memref<32xi32, #tpu.memory_space<vmem>>) semaphore(%arg41 : memref<!tpu.dma_semaphore, #tpu.memory_space<semaphore_mem>>)
    %dma_wait3A_450 = arith.constant 320 : i32
    %dma_wait3A_451 = tpu.memref_slice %arg23[%dma_wait3A_450] : memref<512xi32, #tpu.memory_space<vmem>> -> memref<32xi32, #tpu.memory_space<vmem>>
    %dma_wait3A_452 = arith.constant 0 : i32
    %dma_wait3A_453 = arith.constant 0 : i32
    %dma_wait3A_454 = tpu.memref_slice %arg2[%dma_wait3A_452, %dma_wait3A_453] : memref<100000x512xf32, #tpu.memory_space<hbm>> -> memref<100000x512xf32, #tpu.memory_space<hbm>>
    tpu.wait_indirect_dma semaphore(%arg38 : memref<!tpu.dma_semaphore, #tpu.memory_space<semaphore_mem>>) src(%dma_wait3A_454 : memref<100000x512xf32, #tpu.memory_space<hbm>>) dst(%arg25 : memref<32x512xf32, #tpu.memory_space<vmem>>)
    %dma_wait3A_455 = arith.constant 0 : i32
    %dma_wait3A_456 = tpu.memref_slice %arg7[%add3A_390, %dma_wait3A_455] : memref<16384x512xf32, #tpu.memory_space<hbm>> -> memref<32x512xf32, #tpu.memory_space<hbm>>
    %dma_wait3A_457 = arith.constant 0 : i32
    %dma_wait3A_458 = tpu.memref_slice %arg7[%add3A_390, %dma_wait3A_457] : memref<16384x512xf32, #tpu.memory_space<hbm>> -> memref<32x512xf32, #tpu.memory_space<hbm>>
    tpu.wait_dma2 semaphore(%arg40 : memref<!tpu.dma_semaphore, #tpu.memory_space<semaphore_mem>>) src(%dma_wait3A_458 : memref<32x512xf32, #tpu.memory_space<hbm>>) dst(%arg28 : memref<32x512xf32, #tpu.memory_space<vmem>>)
    %dma_wait3A_459 = arith.constant 0 : i32
    %dma_wait3A_460 = tpu.memref_slice %arg13[%add3A_440, %dma_wait3A_459] : memref<116384x512xf32, #tpu.memory_space<hbm>> -> memref<32x512xf32, #tpu.memory_space<hbm>>
    %dma_wait3A_461 = arith.constant 0 : i32
    %dma_wait3A_462 = tpu.memref_slice %arg13[%add3A_440, %dma_wait3A_461] : memref<116384x512xf32, #tpu.memory_space<hbm>> -> memref<32x512xf32, #tpu.memory_space<hbm>>
    tpu.wait_dma2 semaphore(%arg39 : memref<!tpu.dma_semaphore, #tpu.memory_space<semaphore_mem>>) src(%arg24 : memref<32x512xf32, #tpu.memory_space<vmem>>) dst(%dma_wait3A_462 : memref<32x512xf32, #tpu.memory_space<hbm>>)
    %dma_wait3A_463 = arith.constant 288 : i32
    %dma_wait3A_464 = tpu.memref_slice %arg23[%dma_wait3A_463] : memref<512xi32, #tpu.memory_space<vmem>> -> memref<32xi32, #tpu.memory_space<vmem>>
    %dma_wait3A_465 = arith.constant 0 : i32
    %dma_wait3A_466 = arith.constant 0 : i32
    %dma_wait3A_467 = tpu.memref_slice %arg13[%dma_wait3A_465, %dma_wait3A_466] : memref<116384x512xf32, #tpu.memory_space<hbm>> -> memref<116384x512xf32, #tpu.memory_space<hbm>>
    tpu.wait_indirect_dma semaphore(%arg41 : memref<!tpu.dma_semaphore, #tpu.memory_space<semaphore_mem>>) src(%arg27 : memref<32x512xf32, #tpu.memory_space<vmem>>) dst(%dma_wait3A_467 : memref<116384x512xf32, #tpu.memory_space<hbm>>)
    %dma_start3A_468 = arith.constant 384 : i32
    %dma_start3A_469 = tpu.memref_slice %arg23[%dma_start3A_468] : memref<512xi32, #tpu.memory_space<vmem>> -> memref<32xi32, #tpu.memory_space<vmem>>
    %dma_start3A_470 = arith.constant 0 : i32
    %dma_start3A_471 = arith.constant 0 : i32
    %dma_start3A_472 = tpu.memref_slice %arg2[%dma_start3A_470, %dma_start3A_471] : memref<100000x512xf32, #tpu.memory_space<hbm>> -> memref<100000x512xf32, #tpu.memory_space<hbm>>
    tpu.enqueue_indirect_dma source(%dma_start3A_472 : memref<100000x512xf32, #tpu.memory_space<hbm>>) target(%arg24 : memref<32x512xf32, #tpu.memory_space<vmem>>) offsets(%dma_start3A_469 : memref<32xi32, #tpu.memory_space<vmem>>) semaphore(%arg38 : memref<!tpu.dma_semaphore, #tpu.memory_space<semaphore_mem>>)
    %add3A_473 = arith.constant 384 : i32
    %add3A_474 = arith.addi %multiple_of3A, %add3A_473 : i32
    %dma_start3A_475 = arith.constant 0 : i32
    %dma_start3A_476 = tpu.memref_slice %arg7[%add3A_474, %dma_start3A_475] : memref<16384x512xf32, #tpu.memory_space<hbm>> -> memref<32x512xf32, #tpu.memory_space<hbm>>
    %dma_start3A_477 = arith.constant 0 : i32
    %dma_start3A_478 = tpu.memref_slice %arg7[%add3A_474, %dma_start3A_477] : memref<16384x512xf32, #tpu.memory_space<hbm>> -> memref<32x512xf32, #tpu.memory_space<hbm>>
    tpu.enqueue_dma source(%dma_start3A_478 : memref<32x512xf32, #tpu.memory_space<hbm>>) target(%arg27 : memref<32x512xf32, #tpu.memory_space<vmem>>) target_semaphore(%arg40 : memref<!tpu.dma_semaphore, #tpu.memory_space<semaphore_mem>>)
    %add3A_479 = arith.constant 100000 : i32
    %add3A_480 = arith.addi %add3A_479, %multiple_of3A : i32
    %add3A_481 = arith.constant 320 : i32
    %add3A_482 = arith.addi %add3A_480, %add3A_481 : i32
    %dma_start3A_483 = arith.constant 0 : i32
    %dma_start3A_484 = tpu.memref_slice %arg13[%add3A_482, %dma_start3A_483] : memref<116384x512xf32, #tpu.memory_space<hbm>> -> memref<32x512xf32, #tpu.memory_space<hbm>>
    %dma_start3A_485 = arith.constant 0 : i32
    %dma_start3A_486 = tpu.memref_slice %arg13[%add3A_482, %dma_start3A_485] : memref<116384x512xf32, #tpu.memory_space<hbm>> -> memref<32x512xf32, #tpu.memory_space<hbm>>
    tpu.enqueue_dma source(%arg25 : memref<32x512xf32, #tpu.memory_space<vmem>>) target(%dma_start3A_486 : memref<32x512xf32, #tpu.memory_space<hbm>>) target_semaphore(%arg39 : memref<!tpu.dma_semaphore, #tpu.memory_space<semaphore_mem>>)
    %dma_start3A_487 = arith.constant 320 : i32
    %dma_start3A_488 = tpu.memref_slice %arg23[%dma_start3A_487] : memref<512xi32, #tpu.memory_space<vmem>> -> memref<32xi32, #tpu.memory_space<vmem>>
    %dma_start3A_489 = arith.constant 0 : i32
    %dma_start3A_490 = arith.constant 0 : i32
    %dma_start3A_491 = tpu.memref_slice %arg13[%dma_start3A_489, %dma_start3A_490] : memref<116384x512xf32, #tpu.memory_space<hbm>> -> memref<116384x512xf32, #tpu.memory_space<hbm>>
    tpu.enqueue_indirect_dma source(%arg28 : memref<32x512xf32, #tpu.memory_space<vmem>>) target(%dma_start3A_491 : memref<116384x512xf32, #tpu.memory_space<hbm>>) offsets(%dma_start3A_488 : memref<32xi32, #tpu.memory_space<vmem>>) semaphore(%arg41 : memref<!tpu.dma_semaphore, #tpu.memory_space<semaphore_mem>>)
    %dma_wait3A_492 = arith.constant 352 : i32
    %dma_wait3A_493 = tpu.memref_slice %arg23[%dma_wait3A_492] : memref<512xi32, #tpu.memory_space<vmem>> -> memref<32xi32, #tpu.memory_space<vmem>>
    %dma_wait3A_494 = arith.constant 0 : i32
    %dma_wait3A_495 = arith.constant 0 : i32
    %dma_wait3A_496 = tpu.memref_slice %arg2[%dma_wait3A_494, %dma_wait3A_495] : memref<100000x512xf32, #tpu.memory_space<hbm>> -> memref<100000x512xf32, #tpu.memory_space<hbm>>
    tpu.wait_indirect_dma semaphore(%arg38 : memref<!tpu.dma_semaphore, #tpu.memory_space<semaphore_mem>>) src(%dma_wait3A_496 : memref<100000x512xf32, #tpu.memory_space<hbm>>) dst(%arg26 : memref<32x512xf32, #tpu.memory_space<vmem>>)
    %dma_wait3A_497 = arith.constant 0 : i32
    %dma_wait3A_498 = tpu.memref_slice %arg7[%add3A_432, %dma_wait3A_497] : memref<16384x512xf32, #tpu.memory_space<hbm>> -> memref<32x512xf32, #tpu.memory_space<hbm>>
    %dma_wait3A_499 = arith.constant 0 : i32
    %dma_wait3A_500 = tpu.memref_slice %arg7[%add3A_432, %dma_wait3A_499] : memref<16384x512xf32, #tpu.memory_space<hbm>> -> memref<32x512xf32, #tpu.memory_space<hbm>>
    tpu.wait_dma2 semaphore(%arg40 : memref<!tpu.dma_semaphore, #tpu.memory_space<semaphore_mem>>) src(%dma_wait3A_500 : memref<32x512xf32, #tpu.memory_space<hbm>>) dst(%arg29 : memref<32x512xf32, #tpu.memory_space<vmem>>)
    %dma_wait3A_501 = arith.constant 0 : i32
    %dma_wait3A_502 = tpu.memref_slice %arg13[%add3A_482, %dma_wait3A_501] : memref<116384x512xf32, #tpu.memory_space<hbm>> -> memref<32x512xf32, #tpu.memory_space<hbm>>
    %dma_wait3A_503 = arith.constant 0 : i32
    %dma_wait3A_504 = tpu.memref_slice %arg13[%add3A_482, %dma_wait3A_503] : memref<116384x512xf32, #tpu.memory_space<hbm>> -> memref<32x512xf32, #tpu.memory_space<hbm>>
    tpu.wait_dma2 semaphore(%arg39 : memref<!tpu.dma_semaphore, #tpu.memory_space<semaphore_mem>>) src(%arg25 : memref<32x512xf32, #tpu.memory_space<vmem>>) dst(%dma_wait3A_504 : memref<32x512xf32, #tpu.memory_space<hbm>>)
    %dma_wait3A_505 = arith.constant 320 : i32
    %dma_wait3A_506 = tpu.memref_slice %arg23[%dma_wait3A_505] : memref<512xi32, #tpu.memory_space<vmem>> -> memref<32xi32, #tpu.memory_space<vmem>>
    %dma_wait3A_507 = arith.constant 0 : i32
    %dma_wait3A_508 = arith.constant 0 : i32
    %dma_wait3A_509 = tpu.memref_slice %arg13[%dma_wait3A_507, %dma_wait3A_508] : memref<116384x512xf32, #tpu.memory_space<hbm>> -> memref<116384x512xf32, #tpu.memory_space<hbm>>
    tpu.wait_indirect_dma semaphore(%arg41 : memref<!tpu.dma_semaphore, #tpu.memory_space<semaphore_mem>>) src(%arg28 : memref<32x512xf32, #tpu.memory_space<vmem>>) dst(%dma_wait3A_509 : memref<116384x512xf32, #tpu.memory_space<hbm>>)
    %dma_start3A_510 = arith.constant 416 : i32
    %dma_start3A_511 = tpu.memref_slice %arg23[%dma_start3A_510] : memref<512xi32, #tpu.memory_space<vmem>> -> memref<32xi32, #tpu.memory_space<vmem>>
    %dma_start3A_512 = arith.constant 0 : i32
    %dma_start3A_513 = arith.constant 0 : i32
    %dma_start3A_514 = tpu.memref_slice %arg2[%dma_start3A_512, %dma_start3A_513] : memref<100000x512xf32, #tpu.memory_space<hbm>> -> memref<100000x512xf32, #tpu.memory_space<hbm>>
    tpu.enqueue_indirect_dma source(%dma_start3A_514 : memref<100000x512xf32, #tpu.memory_space<hbm>>) target(%arg25 : memref<32x512xf32, #tpu.memory_space<vmem>>) offsets(%dma_start3A_511 : memref<32xi32, #tpu.memory_space<vmem>>) semaphore(%arg38 : memref<!tpu.dma_semaphore, #tpu.memory_space<semaphore_mem>>)
    %add3A_515 = arith.constant 416 : i32
    %add3A_516 = arith.addi %multiple_of3A, %add3A_515 : i32
    %dma_start3A_517 = arith.constant 0 : i32
    %dma_start3A_518 = tpu.memref_slice %arg7[%add3A_516, %dma_start3A_517] : memref<16384x512xf32, #tpu.memory_space<hbm>> -> memref<32x512xf32, #tpu.memory_space<hbm>>
    %dma_start3A_519 = arith.constant 0 : i32
    %dma_start3A_520 = tpu.memref_slice %arg7[%add3A_516, %dma_start3A_519] : memref<16384x512xf32, #tpu.memory_space<hbm>> -> memref<32x512xf32, #tpu.memory_space<hbm>>
    tpu.enqueue_dma source(%dma_start3A_520 : memref<32x512xf32, #tpu.memory_space<hbm>>) target(%arg28 : memref<32x512xf32, #tpu.memory_space<vmem>>) target_semaphore(%arg40 : memref<!tpu.dma_semaphore, #tpu.memory_space<semaphore_mem>>)
    %add3A_521 = arith.constant 100000 : i32
    %add3A_522 = arith.addi %add3A_521, %multiple_of3A : i32
    %add3A_523 = arith.constant 352 : i32
    %add3A_524 = arith.addi %add3A_522, %add3A_523 : i32
    %dma_start3A_525 = arith.constant 0 : i32
    %dma_start3A_526 = tpu.memref_slice %arg13[%add3A_524, %dma_start3A_525] : memref<116384x512xf32, #tpu.memory_space<hbm>> -> memref<32x512xf32, #tpu.memory_space<hbm>>
    %dma_start3A_527 = arith.constant 0 : i32
    %dma_start3A_528 = tpu.memref_slice %arg13[%add3A_524, %dma_start3A_527] : memref<116384x512xf32, #tpu.memory_space<hbm>> -> memref<32x512xf32, #tpu.memory_space<hbm>>
    tpu.enqueue_dma source(%arg26 : memref<32x512xf32, #tpu.memory_space<vmem>>) target(%dma_start3A_528 : memref<32x512xf32, #tpu.memory_space<hbm>>) target_semaphore(%arg39 : memref<!tpu.dma_semaphore, #tpu.memory_space<semaphore_mem>>)
    %dma_start3A_529 = arith.constant 352 : i32
    %dma_start3A_530 = tpu.memref_slice %arg23[%dma_start3A_529] : memref<512xi32, #tpu.memory_space<vmem>> -> memref<32xi32, #tpu.memory_space<vmem>>
    %dma_start3A_531 = arith.constant 0 : i32
    %dma_start3A_532 = arith.constant 0 : i32
    %dma_start3A_533 = tpu.memref_slice %arg13[%dma_start3A_531, %dma_start3A_532] : memref<116384x512xf32, #tpu.memory_space<hbm>> -> memref<116384x512xf32, #tpu.memory_space<hbm>>
    tpu.enqueue_indirect_dma source(%arg29 : memref<32x512xf32, #tpu.memory_space<vmem>>) target(%dma_start3A_533 : memref<116384x512xf32, #tpu.memory_space<hbm>>) offsets(%dma_start3A_530 : memref<32xi32, #tpu.memory_space<vmem>>) semaphore(%arg41 : memref<!tpu.dma_semaphore, #tpu.memory_space<semaphore_mem>>)
    %dma_wait3A_534 = arith.constant 384 : i32
    %dma_wait3A_535 = tpu.memref_slice %arg23[%dma_wait3A_534] : memref<512xi32, #tpu.memory_space<vmem>> -> memref<32xi32, #tpu.memory_space<vmem>>
    %dma_wait3A_536 = arith.constant 0 : i32
    %dma_wait3A_537 = arith.constant 0 : i32
    %dma_wait3A_538 = tpu.memref_slice %arg2[%dma_wait3A_536, %dma_wait3A_537] : memref<100000x512xf32, #tpu.memory_space<hbm>> -> memref<100000x512xf32, #tpu.memory_space<hbm>>
    tpu.wait_indirect_dma semaphore(%arg38 : memref<!tpu.dma_semaphore, #tpu.memory_space<semaphore_mem>>) src(%dma_wait3A_538 : memref<100000x512xf32, #tpu.memory_space<hbm>>) dst(%arg24 : memref<32x512xf32, #tpu.memory_space<vmem>>)
    %dma_wait3A_539 = arith.constant 0 : i32
    %dma_wait3A_540 = tpu.memref_slice %arg7[%add3A_474, %dma_wait3A_539] : memref<16384x512xf32, #tpu.memory_space<hbm>> -> memref<32x512xf32, #tpu.memory_space<hbm>>
    %dma_wait3A_541 = arith.constant 0 : i32
    %dma_wait3A_542 = tpu.memref_slice %arg7[%add3A_474, %dma_wait3A_541] : memref<16384x512xf32, #tpu.memory_space<hbm>> -> memref<32x512xf32, #tpu.memory_space<hbm>>
    tpu.wait_dma2 semaphore(%arg40 : memref<!tpu.dma_semaphore, #tpu.memory_space<semaphore_mem>>) src(%dma_wait3A_542 : memref<32x512xf32, #tpu.memory_space<hbm>>) dst(%arg27 : memref<32x512xf32, #tpu.memory_space<vmem>>)
    %dma_wait3A_543 = arith.constant 0 : i32
    %dma_wait3A_544 = tpu.memref_slice %arg13[%add3A_524, %dma_wait3A_543] : memref<116384x512xf32, #tpu.memory_space<hbm>> -> memref<32x512xf32, #tpu.memory_space<hbm>>
    %dma_wait3A_545 = arith.constant 0 : i32
    %dma_wait3A_546 = tpu.memref_slice %arg13[%add3A_524, %dma_wait3A_545] : memref<116384x512xf32, #tpu.memory_space<hbm>> -> memref<32x512xf32, #tpu.memory_space<hbm>>
    tpu.wait_dma2 semaphore(%arg39 : memref<!tpu.dma_semaphore, #tpu.memory_space<semaphore_mem>>) src(%arg26 : memref<32x512xf32, #tpu.memory_space<vmem>>) dst(%dma_wait3A_546 : memref<32x512xf32, #tpu.memory_space<hbm>>)
    %dma_wait3A_547 = arith.constant 352 : i32
    %dma_wait3A_548 = tpu.memref_slice %arg23[%dma_wait3A_547] : memref<512xi32, #tpu.memory_space<vmem>> -> memref<32xi32, #tpu.memory_space<vmem>>
    %dma_wait3A_549 = arith.constant 0 : i32
    %dma_wait3A_550 = arith.constant 0 : i32
    %dma_wait3A_551 = tpu.memref_slice %arg13[%dma_wait3A_549, %dma_wait3A_550] : memref<116384x512xf32, #tpu.memory_space<hbm>> -> memref<116384x512xf32, #tpu.memory_space<hbm>>
    tpu.wait_indirect_dma semaphore(%arg41 : memref<!tpu.dma_semaphore, #tpu.memory_space<semaphore_mem>>) src(%arg29 : memref<32x512xf32, #tpu.memory_space<vmem>>) dst(%dma_wait3A_551 : memref<116384x512xf32, #tpu.memory_space<hbm>>)
    %dma_start3A_552 = arith.constant 448 : i32
    %dma_start3A_553 = tpu.memref_slice %arg23[%dma_start3A_552] : memref<512xi32, #tpu.memory_space<vmem>> -> memref<32xi32, #tpu.memory_space<vmem>>
    %dma_start3A_554 = arith.constant 0 : i32
    %dma_start3A_555 = arith.constant 0 : i32
    %dma_start3A_556 = tpu.memref_slice %arg2[%dma_start3A_554, %dma_start3A_555] : memref<100000x512xf32, #tpu.memory_space<hbm>> -> memref<100000x512xf32, #tpu.memory_space<hbm>>
    tpu.enqueue_indirect_dma source(%dma_start3A_556 : memref<100000x512xf32, #tpu.memory_space<hbm>>) target(%arg26 : memref<32x512xf32, #tpu.memory_space<vmem>>) offsets(%dma_start3A_553 : memref<32xi32, #tpu.memory_space<vmem>>) semaphore(%arg38 : memref<!tpu.dma_semaphore, #tpu.memory_space<semaphore_mem>>)
    %add3A_557 = arith.constant 448 : i32
    %add3A_558 = arith.addi %multiple_of3A, %add3A_557 : i32
    %dma_start3A_559 = arith.constant 0 : i32
    %dma_start3A_560 = tpu.memref_slice %arg7[%add3A_558, %dma_start3A_559] : memref<16384x512xf32, #tpu.memory_space<hbm>> -> memref<32x512xf32, #tpu.memory_space<hbm>>
    %dma_start3A_561 = arith.constant 0 : i32
    %dma_start3A_562 = tpu.memref_slice %arg7[%add3A_558, %dma_start3A_561] : memref<16384x512xf32, #tpu.memory_space<hbm>> -> memref<32x512xf32, #tpu.memory_space<hbm>>
    tpu.enqueue_dma source(%dma_start3A_562 : memref<32x512xf32, #tpu.memory_space<hbm>>) target(%arg29 : memref<32x512xf32, #tpu.memory_space<vmem>>) target_semaphore(%arg40 : memref<!tpu.dma_semaphore, #tpu.memory_space<semaphore_mem>>)
    %add3A_563 = arith.constant 100000 : i32
    %add3A_564 = arith.addi %add3A_563, %multiple_of3A : i32
    %add3A_565 = arith.constant 384 : i32
    %add3A_566 = arith.addi %add3A_564, %add3A_565 : i32
    %dma_start3A_567 = arith.constant 0 : i32
    %dma_start3A_568 = tpu.memref_slice %arg13[%add3A_566, %dma_start3A_567] : memref<116384x512xf32, #tpu.memory_space<hbm>> -> memref<32x512xf32, #tpu.memory_space<hbm>>
    %dma_start3A_569 = arith.constant 0 : i32
    %dma_start3A_570 = tpu.memref_slice %arg13[%add3A_566, %dma_start3A_569] : memref<116384x512xf32, #tpu.memory_space<hbm>> -> memref<32x512xf32, #tpu.memory_space<hbm>>
    tpu.enqueue_dma source(%arg24 : memref<32x512xf32, #tpu.memory_space<vmem>>) target(%dma_start3A_570 : memref<32x512xf32, #tpu.memory_space<hbm>>) target_semaphore(%arg39 : memref<!tpu.dma_semaphore, #tpu.memory_space<semaphore_mem>>)
    %dma_start3A_571 = arith.constant 384 : i32
    %dma_start3A_572 = tpu.memref_slice %arg23[%dma_start3A_571] : memref<512xi32, #tpu.memory_space<vmem>> -> memref<32xi32, #tpu.memory_space<vmem>>
    %dma_start3A_573 = arith.constant 0 : i32
    %dma_start3A_574 = arith.constant 0 : i32
    %dma_start3A_575 = tpu.memref_slice %arg13[%dma_start3A_573, %dma_start3A_574] : memref<116384x512xf32, #tpu.memory_space<hbm>> -> memref<116384x512xf32, #tpu.memory_space<hbm>>
    tpu.enqueue_indirect_dma source(%arg27 : memref<32x512xf32, #tpu.memory_space<vmem>>) target(%dma_start3A_575 : memref<116384x512xf32, #tpu.memory_space<hbm>>) offsets(%dma_start3A_572 : memref<32xi32, #tpu.memory_space<vmem>>) semaphore(%arg41 : memref<!tpu.dma_semaphore, #tpu.memory_space<semaphore_mem>>)
    %dma_wait3A_576 = arith.constant 416 : i32
    %dma_wait3A_577 = tpu.memref_slice %arg23[%dma_wait3A_576] : memref<512xi32, #tpu.memory_space<vmem>> -> memref<32xi32, #tpu.memory_space<vmem>>
    %dma_wait3A_578 = arith.constant 0 : i32
    %dma_wait3A_579 = arith.constant 0 : i32
    %dma_wait3A_580 = tpu.memref_slice %arg2[%dma_wait3A_578, %dma_wait3A_579] : memref<100000x512xf32, #tpu.memory_space<hbm>> -> memref<100000x512xf32, #tpu.memory_space<hbm>>
    tpu.wait_indirect_dma semaphore(%arg38 : memref<!tpu.dma_semaphore, #tpu.memory_space<semaphore_mem>>) src(%dma_wait3A_580 : memref<100000x512xf32, #tpu.memory_space<hbm>>) dst(%arg25 : memref<32x512xf32, #tpu.memory_space<vmem>>)
    %dma_wait3A_581 = arith.constant 0 : i32
    %dma_wait3A_582 = tpu.memref_slice %arg7[%add3A_516, %dma_wait3A_581] : memref<16384x512xf32, #tpu.memory_space<hbm>> -> memref<32x512xf32, #tpu.memory_space<hbm>>
    %dma_wait3A_583 = arith.constant 0 : i32
    %dma_wait3A_584 = tpu.memref_slice %arg7[%add3A_516, %dma_wait3A_583] : memref<16384x512xf32, #tpu.memory_space<hbm>> -> memref<32x512xf32, #tpu.memory_space<hbm>>
    tpu.wait_dma2 semaphore(%arg40 : memref<!tpu.dma_semaphore, #tpu.memory_space<semaphore_mem>>) src(%dma_wait3A_584 : memref<32x512xf32, #tpu.memory_space<hbm>>) dst(%arg28 : memref<32x512xf32, #tpu.memory_space<vmem>>)
    %dma_wait3A_585 = arith.constant 0 : i32
    %dma_wait3A_586 = tpu.memref_slice %arg13[%add3A_566, %dma_wait3A_585] : memref<116384x512xf32, #tpu.memory_space<hbm>> -> memref<32x512xf32, #tpu.memory_space<hbm>>
    %dma_wait3A_587 = arith.constant 0 : i32
    %dma_wait3A_588 = tpu.memref_slice %arg13[%add3A_566, %dma_wait3A_587] : memref<116384x512xf32, #tpu.memory_space<hbm>> -> memref<32x512xf32, #tpu.memory_space<hbm>>
    tpu.wait_dma2 semaphore(%arg39 : memref<!tpu.dma_semaphore, #tpu.memory_space<semaphore_mem>>) src(%arg24 : memref<32x512xf32, #tpu.memory_space<vmem>>) dst(%dma_wait3A_588 : memref<32x512xf32, #tpu.memory_space<hbm>>)
    %dma_wait3A_589 = arith.constant 384 : i32
    %dma_wait3A_590 = tpu.memref_slice %arg23[%dma_wait3A_589] : memref<512xi32, #tpu.memory_space<vmem>> -> memref<32xi32, #tpu.memory_space<vmem>>
    %dma_wait3A_591 = arith.constant 0 : i32
    %dma_wait3A_592 = arith.constant 0 : i32
    %dma_wait3A_593 = tpu.memref_slice %arg13[%dma_wait3A_591, %dma_wait3A_592] : memref<116384x512xf32, #tpu.memory_space<hbm>> -> memref<116384x512xf32, #tpu.memory_space<hbm>>
    tpu.wait_indirect_dma semaphore(%arg41 : memref<!tpu.dma_semaphore, #tpu.memory_space<semaphore_mem>>) src(%arg27 : memref<32x512xf32, #tpu.memory_space<vmem>>) dst(%dma_wait3A_593 : memref<116384x512xf32, #tpu.memory_space<hbm>>)
    %dma_start3A_594 = arith.constant 480 : i32
    %dma_start3A_595 = tpu.memref_slice %arg23[%dma_start3A_594] : memref<512xi32, #tpu.memory_space<vmem>> -> memref<32xi32, #tpu.memory_space<vmem>>
    %dma_start3A_596 = arith.constant 0 : i32
    %dma_start3A_597 = arith.constant 0 : i32
    %dma_start3A_598 = tpu.memref_slice %arg2[%dma_start3A_596, %dma_start3A_597] : memref<100000x512xf32, #tpu.memory_space<hbm>> -> memref<100000x512xf32, #tpu.memory_space<hbm>>
    tpu.enqueue_indirect_dma source(%dma_start3A_598 : memref<100000x512xf32, #tpu.memory_space<hbm>>) target(%arg24 : memref<32x512xf32, #tpu.memory_space<vmem>>) offsets(%dma_start3A_595 : memref<32xi32, #tpu.memory_space<vmem>>) semaphore(%arg38 : memref<!tpu.dma_semaphore, #tpu.memory_space<semaphore_mem>>)
    %add3A_599 = arith.constant 480 : i32
    %add3A_600 = arith.addi %multiple_of3A, %add3A_599 : i32
    %dma_start3A_601 = arith.constant 0 : i32
    %dma_start3A_602 = tpu.memref_slice %arg7[%add3A_600, %dma_start3A_601] : memref<16384x512xf32, #tpu.memory_space<hbm>> -> memref<32x512xf32, #tpu.memory_space<hbm>>
    %dma_start3A_603 = arith.constant 0 : i32
    %dma_start3A_604 = tpu.memref_slice %arg7[%add3A_600, %dma_start3A_603] : memref<16384x512xf32, #tpu.memory_space<hbm>> -> memref<32x512xf32, #tpu.memory_space<hbm>>
    tpu.enqueue_dma source(%dma_start3A_604 : memref<32x512xf32, #tpu.memory_space<hbm>>) target(%arg27 : memref<32x512xf32, #tpu.memory_space<vmem>>) target_semaphore(%arg40 : memref<!tpu.dma_semaphore, #tpu.memory_space<semaphore_mem>>)
    %add3A_605 = arith.constant 100000 : i32
    %add3A_606 = arith.addi %add3A_605, %multiple_of3A : i32
    %add3A_607 = arith.constant 416 : i32
    %add3A_608 = arith.addi %add3A_606, %add3A_607 : i32
    %dma_start3A_609 = arith.constant 0 : i32
    %dma_start3A_610 = tpu.memref_slice %arg13[%add3A_608, %dma_start3A_609] : memref<116384x512xf32, #tpu.memory_space<hbm>> -> memref<32x512xf32, #tpu.memory_space<hbm>>
    %dma_start3A_611 = arith.constant 0 : i32
    %dma_start3A_612 = tpu.memref_slice %arg13[%add3A_608, %dma_start3A_611] : memref<116384x512xf32, #tpu.memory_space<hbm>> -> memref<32x512xf32, #tpu.memory_space<hbm>>
    tpu.enqueue_dma source(%arg25 : memref<32x512xf32, #tpu.memory_space<vmem>>) target(%dma_start3A_612 : memref<32x512xf32, #tpu.memory_space<hbm>>) target_semaphore(%arg39 : memref<!tpu.dma_semaphore, #tpu.memory_space<semaphore_mem>>)
    %dma_start3A_613 = arith.constant 416 : i32
    %dma_start3A_614 = tpu.memref_slice %arg23[%dma_start3A_613] : memref<512xi32, #tpu.memory_space<vmem>> -> memref<32xi32, #tpu.memory_space<vmem>>
    %dma_start3A_615 = arith.constant 0 : i32
    %dma_start3A_616 = arith.constant 0 : i32
    %dma_start3A_617 = tpu.memref_slice %arg13[%dma_start3A_615, %dma_start3A_616] : memref<116384x512xf32, #tpu.memory_space<hbm>> -> memref<116384x512xf32, #tpu.memory_space<hbm>>
    tpu.enqueue_indirect_dma source(%arg28 : memref<32x512xf32, #tpu.memory_space<vmem>>) target(%dma_start3A_617 : memref<116384x512xf32, #tpu.memory_space<hbm>>) offsets(%dma_start3A_614 : memref<32xi32, #tpu.memory_space<vmem>>) semaphore(%arg41 : memref<!tpu.dma_semaphore, #tpu.memory_space<semaphore_mem>>)
    %dma_wait3A_618 = arith.constant 448 : i32
    %dma_wait3A_619 = tpu.memref_slice %arg23[%dma_wait3A_618] : memref<512xi32, #tpu.memory_space<vmem>> -> memref<32xi32, #tpu.memory_space<vmem>>
    %dma_wait3A_620 = arith.constant 0 : i32
    %dma_wait3A_621 = arith.constant 0 : i32
    %dma_wait3A_622 = tpu.memref_slice %arg2[%dma_wait3A_620, %dma_wait3A_621] : memref<100000x512xf32, #tpu.memory_space<hbm>> -> memref<100000x512xf32, #tpu.memory_space<hbm>>
    tpu.wait_indirect_dma semaphore(%arg38 : memref<!tpu.dma_semaphore, #tpu.memory_space<semaphore_mem>>) src(%dma_wait3A_622 : memref<100000x512xf32, #tpu.memory_space<hbm>>) dst(%arg26 : memref<32x512xf32, #tpu.memory_space<vmem>>)
    %dma_wait3A_623 = arith.constant 0 : i32
    %dma_wait3A_624 = tpu.memref_slice %arg7[%add3A_558, %dma_wait3A_623] : memref<16384x512xf32, #tpu.memory_space<hbm>> -> memref<32x512xf32, #tpu.memory_space<hbm>>
    %dma_wait3A_625 = arith.constant 0 : i32
    %dma_wait3A_626 = tpu.memref_slice %arg7[%add3A_558, %dma_wait3A_625] : memref<16384x512xf32, #tpu.memory_space<hbm>> -> memref<32x512xf32, #tpu.memory_space<hbm>>
    tpu.wait_dma2 semaphore(%arg40 : memref<!tpu.dma_semaphore, #tpu.memory_space<semaphore_mem>>) src(%dma_wait3A_626 : memref<32x512xf32, #tpu.memory_space<hbm>>) dst(%arg29 : memref<32x512xf32, #tpu.memory_space<vmem>>)
    %add3A_627 = arith.constant 100000 : i32
    %add3A_628 = arith.addi %add3A_627, %multiple_of3A : i32
    %add3A_629 = arith.constant 448 : i32
    %add3A_630 = arith.addi %add3A_628, %add3A_629 : i32
    %dma_start3A_631 = arith.constant 0 : i32
    %dma_start3A_632 = tpu.memref_slice %arg13[%add3A_630, %dma_start3A_631] : memref<116384x512xf32, #tpu.memory_space<hbm>> -> memref<32x512xf32, #tpu.memory_space<hbm>>
    %dma_start3A_633 = arith.constant 0 : i32
    %dma_start3A_634 = tpu.memref_slice %arg13[%add3A_630, %dma_start3A_633] : memref<116384x512xf32, #tpu.memory_space<hbm>> -> memref<32x512xf32, #tpu.memory_space<hbm>>
    tpu.enqueue_dma source(%arg26 : memref<32x512xf32, #tpu.memory_space<vmem>>) target(%dma_start3A_634 : memref<32x512xf32, #tpu.memory_space<hbm>>) target_semaphore(%arg39 : memref<!tpu.dma_semaphore, #tpu.memory_space<semaphore_mem>>)
    %dma_start3A_635 = arith.constant 448 : i32
    %dma_start3A_636 = tpu.memref_slice %arg23[%dma_start3A_635] : memref<512xi32, #tpu.memory_space<vmem>> -> memref<32xi32, #tpu.memory_space<vmem>>
    %dma_start3A_637 = arith.constant 0 : i32
    %dma_start3A_638 = arith.constant 0 : i32
    %dma_start3A_639 = tpu.memref_slice %arg13[%dma_start3A_637, %dma_start3A_638] : memref<116384x512xf32, #tpu.memory_space<hbm>> -> memref<116384x512xf32, #tpu.memory_space<hbm>>
    tpu.enqueue_indirect_dma source(%arg29 : memref<32x512xf32, #tpu.memory_space<vmem>>) target(%dma_start3A_639 : memref<116384x512xf32, #tpu.memory_space<hbm>>) offsets(%dma_start3A_636 : memref<32xi32, #tpu.memory_space<vmem>>) semaphore(%arg41 : memref<!tpu.dma_semaphore, #tpu.memory_space<semaphore_mem>>)
    %dma_wait3A_640 = arith.constant 480 : i32
    %dma_wait3A_641 = tpu.memref_slice %arg23[%dma_wait3A_640] : memref<512xi32, #tpu.memory_space<vmem>> -> memref<32xi32, #tpu.memory_space<vmem>>
    %dma_wait3A_642 = arith.constant 0 : i32
    %dma_wait3A_643 = arith.constant 0 : i32
    %dma_wait3A_644 = tpu.memref_slice %arg2[%dma_wait3A_642, %dma_wait3A_643] : memref<100000x512xf32, #tpu.memory_space<hbm>> -> memref<100000x512xf32, #tpu.memory_space<hbm>>
    tpu.wait_indirect_dma semaphore(%arg38 : memref<!tpu.dma_semaphore, #tpu.memory_space<semaphore_mem>>) src(%dma_wait3A_644 : memref<100000x512xf32, #tpu.memory_space<hbm>>) dst(%arg24 : memref<32x512xf32, #tpu.memory_space<vmem>>)
    %dma_wait3A_645 = arith.constant 0 : i32
    %dma_wait3A_646 = tpu.memref_slice %arg7[%add3A_600, %dma_wait3A_645] : memref<16384x512xf32, #tpu.memory_space<hbm>> -> memref<32x512xf32, #tpu.memory_space<hbm>>
    %dma_wait3A_647 = arith.constant 0 : i32
    %dma_wait3A_648 = tpu.memref_slice %arg7[%add3A_600, %dma_wait3A_647] : memref<16384x512xf32, #tpu.memory_space<hbm>> -> memref<32x512xf32, #tpu.memory_space<hbm>>
    tpu.wait_dma2 semaphore(%arg40 : memref<!tpu.dma_semaphore, #tpu.memory_space<semaphore_mem>>) src(%dma_wait3A_648 : memref<32x512xf32, #tpu.memory_space<hbm>>) dst(%arg27 : memref<32x512xf32, #tpu.memory_space<vmem>>)
    %add3A_649 = arith.constant 100000 : i32
    %add3A_650 = arith.addi %add3A_649, %multiple_of3A : i32
    %add3A_651 = arith.constant 480 : i32
    %add3A_652 = arith.addi %add3A_650, %add3A_651 : i32
    %dma_start3A_653 = arith.constant 0 : i32
    %dma_start3A_654 = tpu.memref_slice %arg13[%add3A_652, %dma_start3A_653] : memref<116384x512xf32, #tpu.memory_space<hbm>> -> memref<32x512xf32, #tpu.memory_space<hbm>>
    %dma_start3A_655 = arith.constant 0 : i32
    %dma_start3A_656 = tpu.memref_slice %arg13[%add3A_652, %dma_start3A_655] : memref<116384x512xf32, #tpu.memory_space<hbm>> -> memref<32x512xf32, #tpu.memory_space<hbm>>
    tpu.enqueue_dma source(%arg24 : memref<32x512xf32, #tpu.memory_space<vmem>>) target(%dma_start3A_656 : memref<32x512xf32, #tpu.memory_space<hbm>>) target_semaphore(%arg39 : memref<!tpu.dma_semaphore, #tpu.memory_space<semaphore_mem>>)
    %dma_start3A_657 = arith.constant 480 : i32
    %dma_start3A_658 = tpu.memref_slice %arg23[%dma_start3A_657] : memref<512xi32, #tpu.memory_space<vmem>> -> memref<32xi32, #tpu.memory_space<vmem>>
    %dma_start3A_659 = arith.constant 0 : i32
    %dma_start3A_660 = arith.constant 0 : i32
    %dma_start3A_661 = tpu.memref_slice %arg13[%dma_start3A_659, %dma_start3A_660] : memref<116384x512xf32, #tpu.memory_space<hbm>> -> memref<116384x512xf32, #tpu.memory_space<hbm>>
    tpu.enqueue_indirect_dma source(%arg27 : memref<32x512xf32, #tpu.memory_space<vmem>>) target(%dma_start3A_661 : memref<116384x512xf32, #tpu.memory_space<hbm>>) offsets(%dma_start3A_658 : memref<32xi32, #tpu.memory_space<vmem>>) semaphore(%arg41 : memref<!tpu.dma_semaphore, #tpu.memory_space<semaphore_mem>>)
    %dma_wait3A_662 = arith.constant 0 : i32
    %dma_wait3A_663 = tpu.memref_slice %arg13[%add3A_652, %dma_wait3A_662] : memref<116384x512xf32, #tpu.memory_space<hbm>> -> memref<32x512xf32, #tpu.memory_space<hbm>>
    %dma_wait3A_664 = arith.constant 0 : i32
    %dma_wait3A_665 = tpu.memref_slice %arg13[%add3A_652, %dma_wait3A_664] : memref<116384x512xf32, #tpu.memory_space<hbm>> -> memref<32x512xf32, #tpu.memory_space<hbm>>
    tpu.wait_dma2 semaphore(%arg39 : memref<!tpu.dma_semaphore, #tpu.memory_space<semaphore_mem>>) src(%arg24 : memref<32x512xf32, #tpu.memory_space<vmem>>) dst(%dma_wait3A_665 : memref<32x512xf32, #tpu.memory_space<hbm>>)
    %dma_wait3A_666 = arith.constant 480 : i32
    %dma_wait3A_667 = tpu.memref_slice %arg23[%dma_wait3A_666] : memref<512xi32, #tpu.memory_space<vmem>> -> memref<32xi32, #tpu.memory_space<vmem>>
    %dma_wait3A_668 = arith.constant 0 : i32
    %dma_wait3A_669 = arith.constant 0 : i32
    %dma_wait3A_670 = tpu.memref_slice %arg13[%dma_wait3A_668, %dma_wait3A_669] : memref<116384x512xf32, #tpu.memory_space<hbm>> -> memref<116384x512xf32, #tpu.memory_space<hbm>>
    tpu.wait_indirect_dma semaphore(%arg41 : memref<!tpu.dma_semaphore, #tpu.memory_space<semaphore_mem>>) src(%arg27 : memref<32x512xf32, #tpu.memory_space<vmem>>) dst(%dma_wait3A_670 : memref<116384x512xf32, #tpu.memory_space<hbm>>)
    %dma_wait3A_671 = arith.constant 0 : i32
    %dma_wait3A_672 = tpu.memref_slice %arg13[%add3A_608, %dma_wait3A_671] : memref<116384x512xf32, #tpu.memory_space<hbm>> -> memref<32x512xf32, #tpu.memory_space<hbm>>
    %dma_wait3A_673 = arith.constant 0 : i32
    %dma_wait3A_674 = tpu.memref_slice %arg13[%add3A_608, %dma_wait3A_673] : memref<116384x512xf32, #tpu.memory_space<hbm>> -> memref<32x512xf32, #tpu.memory_space<hbm>>
    tpu.wait_dma2 semaphore(%arg39 : memref<!tpu.dma_semaphore, #tpu.memory_space<semaphore_mem>>) src(%arg25 : memref<32x512xf32, #tpu.memory_space<vmem>>) dst(%dma_wait3A_674 : memref<32x512xf32, #tpu.memory_space<hbm>>)
    %dma_wait3A_675 = arith.constant 416 : i32
    %dma_wait3A_676 = tpu.memref_slice %arg23[%dma_wait3A_675] : memref<512xi32, #tpu.memory_space<vmem>> -> memref<32xi32, #tpu.memory_space<vmem>>
    %dma_wait3A_677 = arith.constant 0 : i32
    %dma_wait3A_678 = arith.constant 0 : i32
    %dma_wait3A_679 = tpu.memref_slice %arg13[%dma_wait3A_677, %dma_wait3A_678] : memref<116384x512xf32, #tpu.memory_space<hbm>> -> memref<116384x512xf32, #tpu.memory_space<hbm>>
    tpu.wait_indirect_dma semaphore(%arg41 : memref<!tpu.dma_semaphore, #tpu.memory_space<semaphore_mem>>) src(%arg28 : memref<32x512xf32, #tpu.memory_space<vmem>>) dst(%dma_wait3A_679 : memref<116384x512xf32, #tpu.memory_space<hbm>>)
    %dma_wait3A_680 = arith.constant 0 : i32
    %dma_wait3A_681 = tpu.memref_slice %arg13[%add3A_630, %dma_wait3A_680] : memref<116384x512xf32, #tpu.memory_space<hbm>> -> memref<32x512xf32, #tpu.memory_space<hbm>>
    %dma_wait3A_682 = arith.constant 0 : i32
    %dma_wait3A_683 = tpu.memref_slice %arg13[%add3A_630, %dma_wait3A_682] : memref<116384x512xf32, #tpu.memory_space<hbm>> -> memref<32x512xf32, #tpu.memory_space<hbm>>
    tpu.wait_dma2 semaphore(%arg39 : memref<!tpu.dma_semaphore, #tpu.memory_space<semaphore_mem>>) src(%arg26 : memref<32x512xf32, #tpu.memory_space<vmem>>) dst(%dma_wait3A_683 : memref<32x512xf32, #tpu.memory_space<hbm>>)
    %dma_wait3A_684 = arith.constant 448 : i32
    %dma_wait3A_685 = tpu.memref_slice %arg23[%dma_wait3A_684] : memref<512xi32, #tpu.memory_space<vmem>> -> memref<32xi32, #tpu.memory_space<vmem>>
    %dma_wait3A_686 = arith.constant 0 : i32
    %dma_wait3A_687 = arith.constant 0 : i32
    %dma_wait3A_688 = tpu.memref_slice %arg13[%dma_wait3A_686, %dma_wait3A_687] : memref<116384x512xf32, #tpu.memory_space<hbm>> -> memref<116384x512xf32, #tpu.memory_space<hbm>>
    tpu.wait_indirect_dma semaphore(%arg41 : memref<!tpu.dma_semaphore, #tpu.memory_space<semaphore_mem>>) src(%arg29 : memref<32x512xf32, #tpu.memory_space<vmem>>) dst(%dma_wait3A_688 : memref<116384x512xf32, #tpu.memory_space<hbm>>)
    %dma_wait3A_689 = arith.constant 0 : i32
    %dma_wait3A_690 = tpu.memref_slice %arg3[%dma_wait3A_689] : memref<100000xi32, #tpu.memory_space<hbm>> -> memref<100000xi32, #tpu.memory_space<hbm>>
    tpu.wait_indirect_dma semaphore(%arg42 : memref<!tpu.dma_semaphore, #tpu.memory_space<semaphore_mem>>) src(%dma_wait3A_690 : memref<100000xi32, #tpu.memory_space<hbm>>) dst(%arg30 : memref<512xi32, #tpu.memory_space<vmem>>)
    %dma_wait3A_691 = arith.constant 0 : i32
    %dma_wait3A_692 = tpu.memref_slice %arg4[%dma_wait3A_691] : memref<100000xi32, #tpu.memory_space<hbm>> -> memref<100000xi32, #tpu.memory_space<hbm>>
    tpu.wait_indirect_dma semaphore(%arg42 : memref<!tpu.dma_semaphore, #tpu.memory_space<semaphore_mem>>) src(%dma_wait3A_692 : memref<100000xi32, #tpu.memory_space<hbm>>) dst(%arg31 : memref<512xi32, #tpu.memory_space<vmem>>)
    %dma_wait3A_693 = arith.constant 0 : i32
    %dma_wait3A_694 = tpu.memref_slice %arg5[%dma_wait3A_693] : memref<100000xi32, #tpu.memory_space<hbm>> -> memref<100000xi32, #tpu.memory_space<hbm>>
    tpu.wait_indirect_dma semaphore(%arg42 : memref<!tpu.dma_semaphore, #tpu.memory_space<semaphore_mem>>) src(%dma_wait3A_694 : memref<100000xi32, #tpu.memory_space<hbm>>) dst(%arg32 : memref<512xi32, #tpu.memory_space<vmem>>)
    %dma_wait3A_695 = arith.constant 0 : i32
    %dma_wait3A_696 = tpu.memref_slice %arg6[%dma_wait3A_695] : memref<100000xi32, #tpu.memory_space<hbm>> -> memref<100000xi32, #tpu.memory_space<hbm>>
    tpu.wait_indirect_dma semaphore(%arg42 : memref<!tpu.dma_semaphore, #tpu.memory_space<semaphore_mem>>) src(%dma_wait3A_696 : memref<100000xi32, #tpu.memory_space<hbm>>) dst(%arg33 : memref<512xi32, #tpu.memory_space<vmem>>)
    %add3A_697 = arith.constant 100000 : i32
    %add3A_698 = arith.addi %add3A_697, %multiple_of3A : i32
    "tpu.region"() ({
      %run_scoped3A = tpu.sem_alloc : memref<!tpu.dma_semaphore, #tpu.memory_space<semaphore_mem>>
      %dma_start3A_729 = tpu.memref_slice %arg14[%add3A_698] : memref<116384xi32, #tpu.memory_space<hbm>> -> memref<512xi32, #tpu.memory_space<hbm>>
      %dma_start3A_730 = tpu.memref_slice %arg14[%add3A_698] : memref<116384xi32, #tpu.memory_space<hbm>> -> memref<512xi32, #tpu.memory_space<hbm>>
      tpu.enqueue_dma source(%arg30 : memref<512xi32, #tpu.memory_space<vmem>>) target(%dma_start3A_730 : memref<512xi32, #tpu.memory_space<hbm>>) target_semaphore(%run_scoped3A : memref<!tpu.dma_semaphore, #tpu.memory_space<semaphore_mem>>)
      %dma_wait3A_731 = tpu.memref_slice %arg14[%add3A_698] : memref<116384xi32, #tpu.memory_space<hbm>> -> memref<512xi32, #tpu.memory_space<hbm>>
      %dma_wait3A_732 = tpu.memref_slice %arg14[%add3A_698] : memref<116384xi32, #tpu.memory_space<hbm>> -> memref<512xi32, #tpu.memory_space<hbm>>
      tpu.wait_dma2 semaphore(%run_scoped3A : memref<!tpu.dma_semaphore, #tpu.memory_space<semaphore_mem>>) src(%arg30 : memref<512xi32, #tpu.memory_space<vmem>>) dst(%dma_wait3A_732 : memref<512xi32, #tpu.memory_space<hbm>>)
      tpu.yield
    }) : () -> ()
    %add3A_699 = arith.constant 100000 : i32
    %add3A_700 = arith.addi %add3A_699, %multiple_of3A : i32
    "tpu.region"() ({
      %run_scoped3A = tpu.sem_alloc : memref<!tpu.dma_semaphore, #tpu.memory_space<semaphore_mem>>
      %dma_start3A_729 = tpu.memref_slice %arg15[%add3A_700] : memref<116384xi32, #tpu.memory_space<hbm>> -> memref<512xi32, #tpu.memory_space<hbm>>
      %dma_start3A_730 = tpu.memref_slice %arg15[%add3A_700] : memref<116384xi32, #tpu.memory_space<hbm>> -> memref<512xi32, #tpu.memory_space<hbm>>
      tpu.enqueue_dma source(%arg31 : memref<512xi32, #tpu.memory_space<vmem>>) target(%dma_start3A_730 : memref<512xi32, #tpu.memory_space<hbm>>) target_semaphore(%run_scoped3A : memref<!tpu.dma_semaphore, #tpu.memory_space<semaphore_mem>>)
      %dma_wait3A_731 = tpu.memref_slice %arg15[%add3A_700] : memref<116384xi32, #tpu.memory_space<hbm>> -> memref<512xi32, #tpu.memory_space<hbm>>
      %dma_wait3A_732 = tpu.memref_slice %arg15[%add3A_700] : memref<116384xi32, #tpu.memory_space<hbm>> -> memref<512xi32, #tpu.memory_space<hbm>>
      tpu.wait_dma2 semaphore(%run_scoped3A : memref<!tpu.dma_semaphore, #tpu.memory_space<semaphore_mem>>) src(%arg31 : memref<512xi32, #tpu.memory_space<vmem>>) dst(%dma_wait3A_732 : memref<512xi32, #tpu.memory_space<hbm>>)
      tpu.yield
    }) : () -> ()
    %add3A_701 = arith.constant 100000 : i32
    %add3A_702 = arith.addi %add3A_701, %multiple_of3A : i32
    "tpu.region"() ({
      %run_scoped3A = tpu.sem_alloc : memref<!tpu.dma_semaphore, #tpu.memory_space<semaphore_mem>>
      %dma_start3A_729 = tpu.memref_slice %arg16[%add3A_702] : memref<116384xi32, #tpu.memory_space<hbm>> -> memref<512xi32, #tpu.memory_space<hbm>>
      %dma_start3A_730 = tpu.memref_slice %arg16[%add3A_702] : memref<116384xi32, #tpu.memory_space<hbm>> -> memref<512xi32, #tpu.memory_space<hbm>>
      tpu.enqueue_dma source(%arg32 : memref<512xi32, #tpu.memory_space<vmem>>) target(%dma_start3A_730 : memref<512xi32, #tpu.memory_space<hbm>>) target_semaphore(%run_scoped3A : memref<!tpu.dma_semaphore, #tpu.memory_space<semaphore_mem>>)
      %dma_wait3A_731 = tpu.memref_slice %arg16[%add3A_702] : memref<116384xi32, #tpu.memory_space<hbm>> -> memref<512xi32, #tpu.memory_space<hbm>>
      %dma_wait3A_732 = tpu.memref_slice %arg16[%add3A_702] : memref<116384xi32, #tpu.memory_space<hbm>> -> memref<512xi32, #tpu.memory_space<hbm>>
      tpu.wait_dma2 semaphore(%run_scoped3A : memref<!tpu.dma_semaphore, #tpu.memory_space<semaphore_mem>>) src(%arg32 : memref<512xi32, #tpu.memory_space<vmem>>) dst(%dma_wait3A_732 : memref<512xi32, #tpu.memory_space<hbm>>)
      tpu.yield
    }) : () -> ()
    %add3A_703 = arith.constant 100000 : i32
    %add3A_704 = arith.addi %add3A_703, %multiple_of3A : i32
    "tpu.region"() ({
      %run_scoped3A = tpu.sem_alloc : memref<!tpu.dma_semaphore, #tpu.memory_space<semaphore_mem>>
      %dma_start3A_729 = tpu.memref_slice %arg17[%add3A_704] : memref<116384xi32, #tpu.memory_space<hbm>> -> memref<512xi32, #tpu.memory_space<hbm>>
      %dma_start3A_730 = tpu.memref_slice %arg17[%add3A_704] : memref<116384xi32, #tpu.memory_space<hbm>> -> memref<512xi32, #tpu.memory_space<hbm>>
      tpu.enqueue_dma source(%arg33 : memref<512xi32, #tpu.memory_space<vmem>>) target(%dma_start3A_730 : memref<512xi32, #tpu.memory_space<hbm>>) target_semaphore(%run_scoped3A : memref<!tpu.dma_semaphore, #tpu.memory_space<semaphore_mem>>)
      %dma_wait3A_731 = tpu.memref_slice %arg17[%add3A_704] : memref<116384xi32, #tpu.memory_space<hbm>> -> memref<512xi32, #tpu.memory_space<hbm>>
      %dma_wait3A_732 = tpu.memref_slice %arg17[%add3A_704] : memref<116384xi32, #tpu.memory_space<hbm>> -> memref<512xi32, #tpu.memory_space<hbm>>
      tpu.wait_dma2 semaphore(%run_scoped3A : memref<!tpu.dma_semaphore, #tpu.memory_space<semaphore_mem>>) src(%arg33 : memref<512xi32, #tpu.memory_space<vmem>>) dst(%dma_wait3A_732 : memref<512xi32, #tpu.memory_space<hbm>>)
      tpu.yield
    }) : () -> ()
    %dma_wait3A_705 = tpu.memref_slice %arg8[%multiple_of3A] : memref<16384xi32, #tpu.memory_space<hbm>> -> memref<512xi32, #tpu.memory_space<hbm>>
    %dma_wait3A_706 = tpu.memref_slice %arg8[%multiple_of3A] : memref<16384xi32, #tpu.memory_space<hbm>> -> memref<512xi32, #tpu.memory_space<hbm>>
    tpu.wait_dma2 semaphore(%arg43 : memref<!tpu.dma_semaphore, #tpu.memory_space<semaphore_mem>>) src(%dma_wait3A_706 : memref<512xi32, #tpu.memory_space<hbm>>) dst(%arg34 : memref<512xi32, #tpu.memory_space<vmem>>)
    %dma_wait3A_707 = tpu.memref_slice %arg9[%multiple_of3A] : memref<16384xi32, #tpu.memory_space<hbm>> -> memref<512xi32, #tpu.memory_space<hbm>>
    %dma_wait3A_708 = tpu.memref_slice %arg9[%multiple_of3A] : memref<16384xi32, #tpu.memory_space<hbm>> -> memref<512xi32, #tpu.memory_space<hbm>>
    tpu.wait_dma2 semaphore(%arg43 : memref<!tpu.dma_semaphore, #tpu.memory_space<semaphore_mem>>) src(%dma_wait3A_708 : memref<512xi32, #tpu.memory_space<hbm>>) dst(%arg35 : memref<512xi32, #tpu.memory_space<vmem>>)
    %dma_wait3A_709 = tpu.memref_slice %arg10[%multiple_of3A] : memref<16384xi32, #tpu.memory_space<hbm>> -> memref<512xi32, #tpu.memory_space<hbm>>
    %dma_wait3A_710 = tpu.memref_slice %arg10[%multiple_of3A] : memref<16384xi32, #tpu.memory_space<hbm>> -> memref<512xi32, #tpu.memory_space<hbm>>
    tpu.wait_dma2 semaphore(%arg43 : memref<!tpu.dma_semaphore, #tpu.memory_space<semaphore_mem>>) src(%dma_wait3A_710 : memref<512xi32, #tpu.memory_space<hbm>>) dst(%arg36 : memref<512xi32, #tpu.memory_space<vmem>>)
    %dma_wait3A_711 = tpu.memref_slice %arg11[%multiple_of3A] : memref<16384xi32, #tpu.memory_space<hbm>> -> memref<512xi32, #tpu.memory_space<hbm>>
    %dma_wait3A_712 = tpu.memref_slice %arg11[%multiple_of3A] : memref<16384xi32, #tpu.memory_space<hbm>> -> memref<512xi32, #tpu.memory_space<hbm>>
    tpu.wait_dma2 semaphore(%arg43 : memref<!tpu.dma_semaphore, #tpu.memory_space<semaphore_mem>>) src(%dma_wait3A_712 : memref<512xi32, #tpu.memory_space<hbm>>) dst(%arg37 : memref<512xi32, #tpu.memory_space<vmem>>)
    %dma_start3A_713 = arith.constant 0 : i32
    %dma_start3A_714 = tpu.memref_slice %arg14[%dma_start3A_713] : memref<116384xi32, #tpu.memory_space<hbm>> -> memref<116384xi32, #tpu.memory_space<hbm>>
    tpu.enqueue_indirect_dma source(%arg34 : memref<512xi32, #tpu.memory_space<vmem>>) target(%dma_start3A_714 : memref<116384xi32, #tpu.memory_space<hbm>>) offsets(%arg23 : memref<512xi32, #tpu.memory_space<vmem>>) semaphore(%arg44 : memref<!tpu.dma_semaphore, #tpu.memory_space<semaphore_mem>>)
    %dma_start3A_715 = arith.constant 0 : i32
    %dma_start3A_716 = tpu.memref_slice %arg15[%dma_start3A_715] : memref<116384xi32, #tpu.memory_space<hbm>> -> memref<116384xi32, #tpu.memory_space<hbm>>
    tpu.enqueue_indirect_dma source(%arg35 : memref<512xi32, #tpu.memory_space<vmem>>) target(%dma_start3A_716 : memref<116384xi32, #tpu.memory_space<hbm>>) offsets(%arg23 : memref<512xi32, #tpu.memory_space<vmem>>) semaphore(%arg44 : memref<!tpu.dma_semaphore, #tpu.memory_space<semaphore_mem>>)
    %dma_start3A_717 = arith.constant 0 : i32
    %dma_start3A_718 = tpu.memref_slice %arg16[%dma_start3A_717] : memref<116384xi32, #tpu.memory_space<hbm>> -> memref<116384xi32, #tpu.memory_space<hbm>>
    tpu.enqueue_indirect_dma source(%arg36 : memref<512xi32, #tpu.memory_space<vmem>>) target(%dma_start3A_718 : memref<116384xi32, #tpu.memory_space<hbm>>) offsets(%arg23 : memref<512xi32, #tpu.memory_space<vmem>>) semaphore(%arg44 : memref<!tpu.dma_semaphore, #tpu.memory_space<semaphore_mem>>)
    %dma_start3A_719 = arith.constant 0 : i32
    %dma_start3A_720 = tpu.memref_slice %arg17[%dma_start3A_719] : memref<116384xi32, #tpu.memory_space<hbm>> -> memref<116384xi32, #tpu.memory_space<hbm>>
    tpu.enqueue_indirect_dma source(%arg37 : memref<512xi32, #tpu.memory_space<vmem>>) target(%dma_start3A_720 : memref<116384xi32, #tpu.memory_space<hbm>>) offsets(%arg23 : memref<512xi32, #tpu.memory_space<vmem>>) semaphore(%arg44 : memref<!tpu.dma_semaphore, #tpu.memory_space<semaphore_mem>>)
    %dma_wait3A_721 = arith.constant 0 : i32
    %dma_wait3A_722 = tpu.memref_slice %arg14[%dma_wait3A_721] : memref<116384xi32, #tpu.memory_space<hbm>> -> memref<116384xi32, #tpu.memory_space<hbm>>
    tpu.wait_indirect_dma semaphore(%arg44 : memref<!tpu.dma_semaphore, #tpu.memory_space<semaphore_mem>>) src(%arg34 : memref<512xi32, #tpu.memory_space<vmem>>) dst(%dma_wait3A_722 : memref<116384xi32, #tpu.memory_space<hbm>>)
    %dma_wait3A_723 = arith.constant 0 : i32
    %dma_wait3A_724 = tpu.memref_slice %arg15[%dma_wait3A_723] : memref<116384xi32, #tpu.memory_space<hbm>> -> memref<116384xi32, #tpu.memory_space<hbm>>
    tpu.wait_indirect_dma semaphore(%arg44 : memref<!tpu.dma_semaphore, #tpu.memory_space<semaphore_mem>>) src(%arg35 : memref<512xi32, #tpu.memory_space<vmem>>) dst(%dma_wait3A_724 : memref<116384xi32, #tpu.memory_space<hbm>>)
    %dma_wait3A_725 = arith.constant 0 : i32
    %dma_wait3A_726 = tpu.memref_slice %arg16[%dma_wait3A_725] : memref<116384xi32, #tpu.memory_space<hbm>> -> memref<116384xi32, #tpu.memory_space<hbm>>
    tpu.wait_indirect_dma semaphore(%arg44 : memref<!tpu.dma_semaphore, #tpu.memory_space<semaphore_mem>>) src(%arg36 : memref<512xi32, #tpu.memory_space<vmem>>) dst(%dma_wait3A_726 : memref<116384xi32, #tpu.memory_space<hbm>>)
    %dma_wait3A_727 = arith.constant 0 : i32
    %dma_wait3A_728 = tpu.memref_slice %arg17[%dma_wait3A_727] : memref<116384xi32, #tpu.memory_space<hbm>> -> memref<116384xi32, #tpu.memory_space<hbm>>
    tpu.wait_indirect_dma semaphore(%arg44 : memref<!tpu.dma_semaphore, #tpu.memory_space<semaphore_mem>>) src(%arg37 : memref<512xi32, #tpu.memory_space<vmem>>) dst(%dma_wait3A_728 : memref<116384xi32, #tpu.memory_space<hbm>>)
    return
  }
}

module attributes {stable_mosaic.version = 14 : i64} {
  func.func @_copy_body(%arg0: i32, %arg1: memref<4000x512xf32, #tpu.memory_space<vmem>>, %arg2: memref<4096xi32, #tpu.memory_space<vmem>>, %arg3: memref<4096xi32, #tpu.memory_space<vmem>>, %arg4: memref<4096xi32, #tpu.memory_space<vmem>>, %arg5: memref<4096xi32, #tpu.memory_space<vmem>>, %arg6: memref<4000x512xf32, #tpu.memory_space<vmem>>, %arg7: memref<4096xi32, #tpu.memory_space<vmem>>, %arg8: memref<4096xi32, #tpu.memory_space<vmem>>, %arg9: memref<4096xi32, #tpu.memory_space<vmem>>, %arg10: memref<4096xi32, #tpu.memory_space<vmem>>) attributes {dimension_semantics = [#tpu.dimension_semantics<parallel>], iteration_bounds = array<i64: 25>, scalar_prefetch = 0 : i64, scratch_operands = 0 : i64, tpu.core_type = #tpu.core_type<tc>, window_params = [{transform_indices = @transform_0, window_bounds = array<i64: 4000, 512>}, {transform_indices = @transform_1, window_bounds = array<i64: 4096>}, {transform_indices = @transform_2, window_bounds = array<i64: 4096>}, {transform_indices = @transform_3, window_bounds = array<i64: 4096>}, {transform_indices = @transform_4, window_bounds = array<i64: 4096>}, {transform_indices = @transform_5, window_bounds = array<i64: 4000, 512>}, {transform_indices = @transform_6, window_bounds = array<i64: 4096>}, {transform_indices = @transform_7, window_bounds = array<i64: 4096>}, {transform_indices = @transform_8, window_bounds = array<i64: 4096>}, {transform_indices = @transform_9, window_bounds = array<i64: 4096>}]} {
    %get3A = arith.constant 0 : index
    %get3A_0 = arith.constant 0 : index
    %get3A_1 = vector.load %arg1[%get3A, %get3A_0] : memref<4000x512xf32, #tpu.memory_space<vmem>>, vector<4000x512xf32>
    %swap3A = arith.constant 0 : index
    %swap3A_2 = arith.constant 0 : index
    %swap3A_3 = vector.load %arg6[%swap3A, %swap3A_2] : memref<4000x512xf32, #tpu.memory_space<vmem>>, vector<4000x512xf32>
    tpu.vector_store %arg6[%swap3A, %swap3A_2], %get3A_1 {strides = array<i32>} : memref<4000x512xf32, #tpu.memory_space<vmem>>, vector<4000x512xf32>,
    %get3A_4 = arith.constant 0 : index
    %get3A_5 = vector.load %arg2[%get3A_4] : memref<4096xi32, #tpu.memory_space<vmem>>, vector<4096xi32>
    %swap3A_6 = arith.constant 0 : index
    %swap3A_7 = vector.load %arg7[%swap3A_6] : memref<4096xi32, #tpu.memory_space<vmem>>, vector<4096xi32>
    tpu.vector_store %arg7[%swap3A_6], %get3A_5 {strides = array<i32>} : memref<4096xi32, #tpu.memory_space<vmem>>, vector<4096xi32>,
    %get3A_8 = arith.constant 0 : index
    %get3A_9 = vector.load %arg3[%get3A_8] : memref<4096xi32, #tpu.memory_space<vmem>>, vector<4096xi32>
    %swap3A_10 = arith.constant 0 : index
    %swap3A_11 = vector.load %arg8[%swap3A_10] : memref<4096xi32, #tpu.memory_space<vmem>>, vector<4096xi32>
    tpu.vector_store %arg8[%swap3A_10], %get3A_9 {strides = array<i32>} : memref<4096xi32, #tpu.memory_space<vmem>>, vector<4096xi32>,
    %get3A_12 = arith.constant 0 : index
    %get3A_13 = vector.load %arg4[%get3A_12] : memref<4096xi32, #tpu.memory_space<vmem>>, vector<4096xi32>
    %swap3A_14 = arith.constant 0 : index
    %swap3A_15 = vector.load %arg9[%swap3A_14] : memref<4096xi32, #tpu.memory_space<vmem>>, vector<4096xi32>
    tpu.vector_store %arg9[%swap3A_14], %get3A_13 {strides = array<i32>} : memref<4096xi32, #tpu.memory_space<vmem>>, vector<4096xi32>,
    %get3A_16 = arith.constant 0 : index
    %get3A_17 = vector.load %arg5[%get3A_16] : memref<4096xi32, #tpu.memory_space<vmem>>, vector<4096xi32>
    %swap3A_18 = arith.constant 0 : index
    %swap3A_19 = vector.load %arg10[%swap3A_18] : memref<4096xi32, #tpu.memory_space<vmem>>, vector<4096xi32>
    tpu.vector_store %arg10[%swap3A_18], %get3A_17 {strides = array<i32>} : memref<4096xi32, #tpu.memory_space<vmem>>, vector<4096xi32>,
    return
  }
  func.func @transform_0(%arg0: i32) -> (i32, i32) {
    %c0_i32 = arith.constant 0 : i32
    %c0_i32_0 = arith.constant 0 : i32
    return %arg0, %c0_i32 : i32, i32
  }
  func.func @transform_1(%arg0: i32) -> i32 {
    %c0_i32 = arith.constant 0 : i32
    return %arg0 : i32
  }
  func.func @transform_2(%arg0: i32) -> i32 {
    %c0_i32 = arith.constant 0 : i32
    return %arg0 : i32
  }
  func.func @transform_3(%arg0: i32) -> i32 {
    %c0_i32 = arith.constant 0 : i32
    return %arg0 : i32
  }
  func.func @transform_4(%arg0: i32) -> i32 {
    %c0_i32 = arith.constant 0 : i32
    return %arg0 : i32
  }
  func.func @transform_5(%arg0: i32) -> (i32, i32) {
    %c0_i32 = arith.constant 0 : i32
    %c0_i32_0 = arith.constant 0 : i32
    return %arg0, %c0_i32 : i32, i32
  }
  func.func @transform_6(%arg0: i32) -> i32 {
    %c0_i32 = arith.constant 0 : i32
    return %arg0 : i32
  }
  func.func @transform_7(%arg0: i32) -> i32 {
    %c0_i32 = arith.constant 0 : i32
    return %arg0 : i32
  }
  func.func @transform_8(%arg0: i32) -> i32 {
    %c0_i32 = arith.constant 0 : i32
    return %arg0 : i32
  }
  func.func @transform_9(%arg0: i32) -> i32 {
    %c0_i32 = arith.constant 0 : i32
    return %arg0 : i32
  }
}

</mosaic_0001>

<sc_bundles>
// kernel: kernel.4.cloned.1.call-start
scs
__scs_entry_jumppad:
0x0: {  	(pc) =	sbr.rel $0x88, $3  }
0x1: {  	(tag) =	ssettag $0x0;
	lr =	simm.s32 $0x1  }
0x2: {  	[smem:$0x3F96] =	sst lr;
	_ =	strace $0xD0000000  }
0x3: {  	_ = 	snop  }
0x4: {  	_ = 	snop  }
0x5: {  	_ = 	snop  }
0x6: {  	_ = 	snop  }
0x7: {  	_ = 	snop  }
__scs_overlays_trampoline_lowered:
0x8: {  	[smem:$0x3FA5] =	sst s0  }
0x9: {  	[smem:$0x3FA6] =	sst s1  }
0xa: {  	[smem:$0x3FA7] =	sst s2  }
0xb: {  	[smem:$0x3FA8] =	sst s3  }
0xc: {  	[smem:$0x3FA9] =	sst s4  }
0xd: {  	[smem:$0x3FAA] =	sst s5  }
0xe: {  	[smem:$0x3FAB] =	sst s6  }
0xf: {  	[smem:$0x3FAC] =	sst s7  }
0x10: {  	[smem:$0x3FAD] =	sst s8  }
0x11: {  	[smem:$0x3FAE] =	sst s9;
	s0 =	simm.s32 @!p0 $0x0  }
0x12: {  	s1 =	sld [smem:$0x3F94];
	s0 =	simm.s32 @p0 $0x1  }
0x13: {  	[smem:$0x3FAF] =	sst s0;
	s0 =	simm.s32 @!p1 $0x0  }
0x14: {  	s2 =	sld [smem:$0x3F93];
	s0 =	simm.s32 @p1 $0x1  }
0x15: {  	[smem:$0x3FB0] =	sst s0;
	s0 =	simm.s32 @!p2 $0x0  }
0x16: {  	s3 =	sld [smem:$0x3FDB];
	s0 =	simm.s32 @p2 $0x1  }
0x17: {  	s4 =	simm.s32 $0x1BF5;
	[smem:$0x3FB2] =	sst s0  }
0x18: {  	s0 =	sld [smem:$0x3F95];
	_ =	swait.ge [sflag:s4], $0x0  }
0x19: {  	s7 =	sld [smem:$0x3F96]  }
0x1a: {  	s8 =	sadd.s32 $0xFFFFE003, lr  }
0x1b: {  	s9 =	sadd.s32 $0xFFFFFEF7, lr;
	s5 =	simm.s32 $0xFFFFFFFF;
	p2 =	slt.u32 s8, $0xFFFFF086  }
0x1c: {  	p1 =	slt.u32 s9, $0xF7A;
	s5 =	simm.s32 @!p2 $0x0  }
0x1d: {  	s5 =	simm.s32 @p1 $0x1;
	p0 =	seq.s32 s7, s2  }
0x1e: {  	s7 =	smul.u32 @!p0 $0xF7A, s2;
	p2 =	seq.s32 @!p0 s5, $0x0  }
0x1f: {  	s9 =	smul.u32 $0xF7A, s1;
	s8 =	simm.s32 @!p0 $0x1BF5;
	p2 =	por !p2, p0  }
0x20: {  	[sflag:s8] =	ssyncset.s32 @!p0 $0xFFFFF086;
	s6 =	sadd.s32 @!p0 s3, s7;
	s7 =	simm.s32 @!p0 $0x108  }
0x21: {  	s3 =	sadd.s32 s3, s9;
	s6 =	sadd.s32 @!p0 $0x88, s6;
	s7 =	simm.s32 @p2 $0x1082  }
0x22: {  	[simem:s7], [sflag:s8] =	dma.local @!p0 [hbm:s6], $0xF7A  }
0x23: {  	s9 =	sor.u32 $0xD0000000, s2;
	s6 =	simm.s32 $0x108;
	_ =	swait.ge @!p0 [sflag:s8], $0x0  }
0x24: {  	s3 =	sadd.s32 $0x88, s3;
	s6 =	simm.s32 @!p1 $0x1082;
	[sflag:s4] =	ssyncset.s32 $0xFFFFF086  }
0x25: {  	[simem:s6], [sflag:s4] =	dma.local [hbm:s3], $0xF7A  }
0x26: {  	[smem:$0x3F96] =	sst s1;
	(tag) =	ssettag s2;
	_ =	strace s9  }
0x27: {  	s1 =	sld [smem:$0x3FA6]  }
0x28: {  	s2 =	sld [smem:$0x3FA7]  }
0x29: {  	s4 =	sld [smem:$0x3FA9]  }
0x2a: {  	p0 =	seq.s32 s5, $0x0;
	s5 =	sld [smem:$0x3FAA]  }
0x2b: {  	s6 =	sld [smem:$0x3FAB]  }
0x2c: {  	s7 =	sld [smem:$0x3FAC]  }
0x2d: {  	s3 =	simm.s32 $0x108;
	s8 =	sld [smem:$0x3FAD]  }
0x2e: {  	s3 =	simm.s32 @!p0 $0x1082;
	s9 =	sld [smem:$0x3FAE]  }
0x2f: {  	lr =	sadd.s32 s0, s3;
	s0 =	sld [smem:$0x3FA5]  }
0x30: {  	s3 =	sld [smem:$0x3FA8]  }
0x31: {  	[smem:$0x3FB1] =	sst s10  }
0x32: {  	s10 =	sld [smem:$0x3FAF];
	_ =	sdelay $0x3  }
0x33: {  	p0 =	seq.s32 s10, $0x1;
	s10 =	sld [smem:$0x3FB1];
	_ =	sdelay $0x3  }
0x34: {  	[smem:$0x3FB1] =	sst s10  }
0x35: {  	s10 =	sld [smem:$0x3FB0];
	_ =	sdelay $0x3  }
0x36: {  	p1 =	seq.s32 s10, $0x1;
	s10 =	sld [smem:$0x3FB1];
	_ =	sdelay $0x3  }
0x37: {  	[smem:$0x3FB1] =	sst s10  }
0x38: {  	s10 =	sld [smem:$0x3FB2]  }
0x39: {  	_ = 	snop;
	(pc) =	sbr.ind lr, $3  }
0x3a: {  	_ = 	snop  }
0x3b: {  	_ = 	snop  }
0x3c: {  	p2 =	seq.s32 s10, $0x1;
	s10 =	sld [smem:$0x3FB1]  }
0x3d: {  	_ =	shalt  }
0x3e: {  	_ =	shalt  }
0x3f: {  	_ =	shalt  }
0x40: {  	_ =	shalt  }
0x41: {  	_ =	shalt  }
0x42: {  	_ =	shalt  }
0x43: {  	_ =	shalt  }
0x44: {  	_ =	shalt  }
0x45: {  	_ =	shalt  }
0x46: {  	_ =	shalt  }
0x47: {  	_ =	shalt  }
0x48: {  	_ =	shalt  }
0x49: {  	_ =	shalt  }
0x4a: {  	_ =	shalt  }
0x4b: {  	_ =	shalt  }
0x4c: {  	_ =	shalt  }
0x4d: {  	_ =	shalt  }
0x4e: {  	_ =	shalt  }
0x4f: {  	_ =	shalt  }
0x50: {  	_ =	shalt  }
0x51: {  	_ =	shalt  }
0x52: {  	_ =	shalt  }
0x53: {  	_ =	shalt  }
0x54: {  	_ =	shalt  }
0x55: {  	_ =	shalt  }
0x56: {  	_ =	shalt  }
0x57: {  	_ =	shalt  }
0x58: {  	_ =	shalt  }
0x59: {  	_ =	shalt  }
0x5a: {  	_ =	shalt  }
0x5b: {  	_ =	shalt  }
0x5c: {  	_ =	shalt  }
0x5d: {  	_ =	shalt  }
0x5e: {  	_ =	shalt  }
0x5f: {  	_ =	shalt  }
0x60: {  	_ =	shalt  }
0x61: {  	_ =	shalt  }
0x62: {  	_ =	shalt  }
0x63: {  	_ =	shalt  }
0x64: {  	_ =	shalt  }
0x65: {  	_ =	shalt  }
0x66: {  	_ =	shalt  }
0x67: {  	_ =	shalt  }
0x68: {  	_ =	shalt  }
0x69: {  	_ =	shalt  }
0x6a: {  	_ =	shalt  }
0x6b: {  	_ =	shalt  }
0x6c: {  	_ =	shalt  }
0x6d: {  	_ =	shalt  }
0x6e: {  	_ =	shalt  }
0x6f: {  	_ =	shalt  }
0x70: {  	_ =	shalt  }
0x71: {  	_ =	shalt  }
0x72: {  	_ =	shalt  }
0x73: {  	_ =	shalt  }
0x74: {  	_ =	shalt  }
0x75: {  	_ =	shalt  }
0x76: {  	_ =	shalt  }
0x77: {  	_ =	shalt  }
0x78: {  	_ =	shalt  }
0x79: {  	_ =	shalt  }
0x7a: {  	_ =	shalt  }
0x7b: {  	_ =	shalt  }
0x7c: {  	_ =	shalt  }
0x7d: {  	_ =	shalt  }
0x7e: {  	_ =	shalt  }
0x7f: {  	_ =	shalt  }
0x80: {  	_ =	shalt  }
0x81: {  	_ =	shalt  }
0x82: {  	_ =	shalt  }
0x83: {  	_ =	shalt  }
0x84: {  	_ =	shalt  }
0x85: {  	_ =	shalt  }
0x86: {  	_ =	shalt  }
0x87: {  	_ =	shalt  }
.Lfunc_end0:
.L_simem_size_0:
called_computation_lowered:
.L_overlay_start_0:
0x88: {  	s2 =	sld [smem:$0x3FD9]  }
0x89: {  	s3 =	sld [smem:$0x3FFE];
	_ =	sdelay $0x1  }
0x8a: {  	s1 =	srdreg.scid  }
0x8b: {  	s0 =	sand.u32 $0x1, s1  }
0x8c: {  	s22 =	sshll.u32 s0, $0xA;
	s2 =	sadd.s32 s3, s2  }
0x8d: {  	s2 =	sadd.s32 s2, s22  }
0x8e: {  	[smem:$0x3FBD] =	sst s2  }
0x8f: {  	_ = 	snop  }
0x90: {  	s2 =	sld [smem:$0x3FC9]  }
0x91: {  	s3 =	sld [smem:$0x3FC8]  }
0x92: {  	s4 =	sld [smem:$0x3FC7]  }
0x93: {  	s5 =	sld [smem:$0x3FC6]  }
0x94: {  	s6 =	sld [smem:$0x3FC5]  }
0x95: {  	s7 =	sld [smem:$0x3FC4]  }
0x96: {  	s8 =	sld [smem:$0x3FC3]  }
0x97: {  	s9 =	sld [smem:$0x3FC2]  }
0x98: {  	s13 =	sld [smem:$0x3FD0]  }
0x99: {  	s10 =	sld [smem:$0x3FC1]  }
0x9a: {  	s11 =	sld [smem:$0x3FC0]  }
0x9b: {  	s16 =	simm.s32 $0xA;
	s14 =	simm.s32 $0x10;
	s12 =	sld [smem:$0x3FBF]  }
0x9c: {  	[smem:s14], [sflag:s16] =	dma.local [hbm:s13], $0x1  }
0x9d: {  	_ =	swait.eq [sflag:s16], $0x1  }
0x9e: {  	s13 =	sld [smem:$0x10]  }
0x9f: {  	s14 =	sld [smem:$0x11]  }
0xa0: {  	s15 =	sld [smem:$0x12];
	[sflag:s16] =	ssyncset.done $0x0  }
0xa1: {  	s17 =	sld [smem:$0x13];
	[sflag:s16] =	ssyncadd.s32 $0xFFFFFFFF  }
0xa2: {  	s18 =	sld [smem:$0x14];
	(tm) =	ssettm $0x1  }
0xa3: {  	s23 =	sld [smem:$0x3FFB];
	_ =	sdelay $0x3  }
0xa4: {  	_ =	strace s23  }
0xa5: {  	s16 =	sld [smem:$0x3FFC];
	_ =	sdelay $0x3  }
0xa6: {  	_ =	strace s16  }
0xa7: {  	s16 =	sld [smem:$0x3FFD];
	_ =	sdelay $0x3  }
0xa8: {  	_ =	strace s16  }
0xa9: {  	_ =	strace $0x8FFFFFFF  }
0xaa: {  	s24 =	sld [smem:$0x3FDB];
	_ =	sdelay $0x1  }
0xab: {  	s19 =	simm.s32 $_scs_section_size  }
0xac: {  	s20 =	simm.s32 $_size__tile_task_arg_handler_lowered;
	s21 =	simm.s32 $_tile_task_arg_handler_lowered  }
0xad: {  	s28 =	simm.s32 $0x1BFF;
	s26 =	sshll.u32 s21, $0x1;
	s19 =	sadd.s32 s19, s24  }
0xae: {  	s25 =	sshll.u32 s20, $0x1;
	s22 =	simm.s32 $0x60;
	s20 =	sadd.s32 s26, s19  }
0xaf: {  	[timem:s22], [sflag:s28] =	dma.local [hbm:s20], s25  }
0xb0: {  	_ =	swait.ge [sflag:s28], s25  }
0xb1: {  	s29 =	simm.s32 $_tile_overlayer_lowered;
	s16 =	ssub.s32 $0x0, s25;
	[sflag:s28] =	ssyncset.done $0x0  }
0xb2: {  	s30 =	simm.s32 $_size__tile_overlayer_lowered;
	s20 =	sshll.u32 s29, $0x1;
	[sflag:s28] =	ssyncadd.s32 s16  }
0xb3: {  	s31 =	sshll.u32 s30, $0x1;
	s20 =	sadd.s32 s20, s19;
	s16 =	simm.s32 $0x0  }
0xb4: {  	[timem:s16], [sflag:s28] =	dma.local [hbm:s20], s31  }
0xb5: {  	_ =	swait.ge [sflag:s28], s31  }
0xb6: {  	s23 =	ssub.s32 $0x0, s31;
	[sflag:s28] =	ssyncset.done $0x0  }
0xb7: {  	[sflag:s28] =	ssyncadd.s32 s23;
	_ =	sdelay $0x1  }
0xb8: {  	s24 =	simm.s32 $0x1B8B  }
0xb9: {  	_ =	swait.ge [sflag:s24], $0x1  }
0xba: {  	[sflag:s24] =	ssyncset.done $0x0  }
0xbb: {  	s25 =	simm.s32 $0x1B8E;
	[sflag:s24] =	ssyncadd.s32 $0xFFFFFFFF  }
0xbc: {  	s26 =	simm.s32 $execute0_lowered;
	[smem:$0x3FD2] =	sst s25  }
0xbd: {  	s20 =	sshll.u32 s26, $0x1;
	_ =	strace $0x80000046;
	[dreg:$0x1] =	wrdreg $0xFFFFFFFF  }
0xbe: {  	s19 =	sadd.s32 s19, s20;
	s28 =	simm.s32 $_size_execute0_lowered;
	[dreg:$0x0] =	wrdreg $0x0  }
0xbf: {  	s20 =	sshll.u32 s28, $0x1;
	[dreg:$0x2] =	wrdreg s19  }
0xc0: {  	[dreg:$0x3] =	wrdreg s20  }
0xc1: {  	[dreg:$0x4] =	wrdreg $0xC0  }
0xc2: {  	_ =	task [dreg:s16], $0x5FFFF  }
0xc3: {  	[dreg:$0x1] =	wrdreg $0xFFFFFFFF  }
0xc4: {  	[dreg:$0x0] =	wrdreg $0x30  }
0xc5: {  	[dreg:$0x2] =	wrdreg $0x0  }
0xc6: {  	[dreg:$0x3] =	wrdreg s17  }
0xc7: {  	[dreg:$0x4] =	wrdreg s18  }
0xc8: {  	[dreg:$0x5] =	wrdreg $0x9  }
0xc9: {  	_ =	task [dreg:s16], $0x6FFFF  }
0xca: {  	[dreg:$0x1] =	wrdreg $0xFFFFFFFF  }
0xcb: {  	[dreg:$0x0] =	wrdreg $0x60  }
0xcc: {  	[dreg:$0x2] =	wrdreg s2  }
0xcd: {  	[dreg:$0x3] =	wrdreg s3  }
0xce: {  	[dreg:$0x4] =	wrdreg s4  }
0xcf: {  	[dreg:$0x5] =	wrdreg s5  }
0xd0: {  	[dreg:$0x6] =	wrdreg s6  }
0xd1: {  	[dreg:$0x7] =	wrdreg s7  }
0xd2: {  	[dreg:$0x8] =	wrdreg s8  }
0xd3: {  	[dreg:$0x9] =	wrdreg s9  }
0xd4: {  	[dreg:$0xa] =	wrdreg s10  }
0xd5: {  	[dreg:$0xb] =	wrdreg s11  }
0xd6: {  	[dreg:$0xc] =	wrdreg s12  }
0xd7: {  	[dreg:$0xd] =	wrdreg s13  }
0xd8: {  	[dreg:$0xe] =	wrdreg s14  }
0xd9: {  	[dreg:$0xf] =	wrdreg s15  }
0xda: {  	_ =	task.clear_ibuf [dreg:s16], $0x10FFFF;
	_ =	strace $0x90000046  }
0xdb: {  	s29 =	simm.s32 $0x9;
	_ =	strace $0x80000048  }
0xdc: {  	_ =	swait.ge [sflag:s29], $0x1  }
0xdd: {  	[sflag:s29] =	ssyncadd.s32 $0xFFFFFFFF  }
0xde: {  	_ =	strace $0x90000048  }
0xdf: {  	_ =	sfence  }
0xe0: {  	s30 =	sld [smem:$0x0];
	_ =	sdelay $0x2  }
0xe1: {  	s31 =	sshll.u32 s1, $0xD;
	s1 =	sshrl.u32 s1, $0x2  }
0xe2: {  	s3 =	sand.u32 $0x4000, s31;
	s1 =	sadd.s32 s1, s30  }
0xe3: {  	s0 =	sor.u32 s3, s0;
	s1 =	sshll.u32 s1, $0x11  }
0xe4: {  	s0 =	sor.u32 s1, s0  }
0xe5: {  	s0 =	sadd.s32 $0x8F2B, s0  }
0xe6: {  	[sflag:s0] =	ssyncadd.remote.s32 $0x1  }
0xe7: {  	_ =	sfence.sel $0xFFFF  }
0xe8: {  	[dreg:$0x0] =	wrdreg $0xFFFFFFFF;
	(pc) =	sbr.abs _section_cstart, $3  }
0xe9: {  	[dreg:$0x1] =	wrdreg $0xFFFFFFFF  }
0xea: {  	_ =	task.clear_ibuf [dreg:s16], $0x2FFFF;
	_ =	strace $0x9FFFFFFF  }
0xeb: {  	(tm) =	ssettm $0x7FFFFFFF  }
tec
_tile_task_arg_handler_lowered:
.L_overlay_start_1:
0x0: {  	(tag) =	ssettag $0x1  }
0x1: {  	s0 =	rddreg [dreg:$0x0]  }
0x2: {  	s1 =	rddreg [dreg:$0x1]  }
0x3: {  	s2 =	rddreg [dreg:$0x2]  }
0x4: {  	s3 =	rddreg [dreg:$0x3]  }
0x5: {  	s4 =	rddreg [dreg:$0x4]  }
0x6: {  	s5 =	rddreg [dreg:$0x5]  }
0x7: {  	s6 =	rddreg [dreg:$0x6]  }
0x8: {  	s7 =	rddreg [dreg:$0x7]  }
0x9: {  	s8 =	rddreg [dreg:$0x8]  }
0xa: {  	s9 =	rddreg [dreg:$0x9]  }
0xb: {  	s10 =	rddreg [dreg:$0xa]  }
0xc: {  	s11 =	rddreg [dreg:$0xb]  }
0xd: {  	s12 =	rddreg [dreg:$0xc]  }
0xe: {  	s13 =	rddreg [dreg:$0xd]  }
0xf: {  	[smem:s0] =	sst s1  }
0x10: {  	[smem:s0+$0x1] =	sst s2  }
0x11: {  	[smem:s0+$0x2] =	sst s3  }
0x12: {  	[smem:s0+$0x3] =	sst s4  }
0x13: {  	[smem:s0+$0x4] =	sst s5  }
0x14: {  	[smem:s0+$0x5] =	sst s6  }
0x15: {  	[smem:s0+$0x6] =	sst s7  }
0x16: {  	[smem:s0+$0x7] =	sst s8  }
0x17: {  	[smem:s0+$0x8] =	sst s9  }
0x18: {  	[smem:s0+$0x9] =	sst s10  }
0x19: {  	[smem:s0+$0xA] =	sst s11  }
0x1a: {  	[smem:s0+$0xB] =	sst s12  }
0x1b: {  	[smem:s0+$0xC] =	sst s13;
	_ =	shalt  }
.Lfunc_end2:
execute0_lowered:
.L_overlay_start_2:
0x1c: {  	(tag) =	ssettag $0x2  }
0x1d: {  	s0 =	rddreg [dreg:$0x0]  }
0x1e: {  	s1 =	rddreg [dreg:$0x1]  }
0x1f: {  	s23 =	rddreg [dreg:$0x2]  }
0x20: {  	s24 =	rddreg [dreg:$0x3]  }
0x21: {  	s25 =	rddreg [dreg:$0x4]  }
0x22: {  	s3 =	rddreg [dreg:$0x5]  }
0x23: {  	s4 =	rddreg [dreg:$0x6]  }
0x24: {  	s6 =	rddreg [dreg:$0x7]  }
0x25: {  	s7 =	rddreg [dreg:$0x8]  }
0x26: {  	s8 =	rddreg [dreg:$0x9]  }
0x27: {  	s9 =	rddreg [dreg:$0xa]  }
0x28: {  	s12 =	rddreg [dreg:$0xc]  }
0x29: {  	s13 =	rddreg [dreg:$0xd]  }
0x2a: {  	[dreg:$0xe] =	wrdreg s1  }
0x2b: {  	[dreg:$0xf] =	wrdreg s23  }
0x2c: {  	[dreg:$0x10] =	wrdreg s24  }
0x2d: {  	[dreg:$0x11] =	wrdreg s25  }
0x2e: {  	s5 =	simm.s32 $0x0;
	s2 =	srdreg.scid;
	s1 =	rddreg [dreg:$0xb]  }
0x2f: {  	s10 =	stileid.u32;
	[smem:$0x7FF] =	sst s5;
	s2 =	sand.u32 $0x1, s2  }
0x30: {  	s10 =	sshll.u32 s10, $0xA;
	s11 =	sshll.u32 s2, $0x9;
	s26 =	sld [smem:$0x2]  }
0x31: {  	s14 =	sld [smem:$0x0];
	s10 =	sor.u32 s11, s10  }
0x32: {  	s15 =	sld [smem:$0x1];
	s28 =	sshrl.u32 s10, $0x3  }
0x33: {  	[smem:$0x7E0] =	sst s26;
	s9 =	sadd.s32 s9, s28  }
0x34: {  	s4 =	sadd.s32 s4, s28;
	_ =	strace $0x80000047;
	[dreg:$0x12] =	wrdreg s9  }
0x35: {  	s29 =	sadd.s32 s6, s28;
	[dreg:$0x13] =	wrdreg s4  }
0x36: {  	s30 =	sadd.s32 s7, s28;
	[dreg:$0x14] =	wrdreg s29  }
0x37: {  	s31 =	sshll.u32 s10, $0x6;
	s7 =	sadd.s32 s8, s28;
	[dreg:$0x15] =	wrdreg s30  }
0x38: {  	s8 =	sadd.s32 s3, s31;
	[dreg:$0x16] =	wrdreg s7  }
0x39: {  	[smem:$0x7F3] =	sst s8  }
0x3a: {  	[smem:$0x7FA] =	sst s14  }
0x3b: {  	s9 =	sadd.s32 $0x800, s8;
	[smem:$0x7FC] =	sst s15  }
0x3c: {  	s11 =	sadd.s32 $0x1000, s8;
	[dreg:$0x17] =	wrdreg s9  }
0x3d: {  	s6 =	sadd.s32 s1, s31;
	s18 =	sadd.s32 $0x1800, s8;
	[dreg:$0x18] =	wrdreg s11  }
0x3e: {  	s19 =	sadd.s32 $0x61B000, s6;
	[dreg:$0x1a] =	wrdreg s18  }
0x3f: {  	s20 =	sadd.s32 $0x2000, s8;
	[dreg:$0x1b] =	wrdreg s19  }
0x40: {  	s21 =	sadd.s32 $0x61B800, s6;
	[dreg:$0x1c] =	wrdreg s20  }
0x41: {  	s22 =	sadd.s32 $0x2800, s8;
	[dreg:$0x1d] =	wrdreg s21  }
0x42: {  	s23 =	sadd.s32 $0x61C000, s6;
	[dreg:$0x1e] =	wrdreg s22  }
0x43: {  	s24 =	sadd.s32 $0x3000, s8;
	[dreg:$0x1f] =	wrdreg s23  }
0x44: {  	s25 =	sadd.s32 $0x61C800, s6;
	[smem:$0x7E1] =	sst s24  }
0x45: {  	s26 =	sadd.s32 $0x3800, s8;
	[smem:$0x7E2] =	sst s25  }
0x46: {  	s28 =	sadd.s32 $0x61D000, s6;
	[smem:$0x7E3] =	sst s26  }
0x47: {  	s29 =	sadd.s32 $0x4000, s8;
	[smem:$0x7E4] =	sst s28  }
0x48: {  	s30 =	sadd.s32 $0x61D800, s6;
	[smem:$0x7E5] =	sst s29  }
0x49: {  	s31 =	sadd.s32 $0x4800, s8;
	[smem:$0x7E6] =	sst s30  }
0x4a: {  	s3 =	sadd.s32 $0x186A0, s10;
	s7 =	sadd.s32 $0x61E000, s6;
	[smem:$0x7E7] =	sst s31  }
0x4b: {  	s16 =	sshll.u32 s3, $0x6;
	s10 =	sadd.s32 $0x61E800, s6;
	[smem:$0x7E8] =	sst s7  }
0x4c: {  	s17 =	sadd.s32 s1, s16;
	[smem:$0x7EA] =	sst s10  }
0x4d: {  	s9 =	sadd.s32 $0x5000, s8;
	[dreg:$0x19] =	wrdreg s17  }
0x4e: {  	s11 =	sadd.s32 $0x5800, s8;
	[smem:$0x7E9] =	sst s9  }
0x4f: {  	s16 =	sadd.s32 $0x61F000, s6;
	[smem:$0x7EB] =	sst s11  }
0x50: {  	s18 =	sadd.s32 $0x61F800, s6;
	[smem:$0x7EC] =	sst s16  }
0x51: {  	s19 =	sadd.s32 $0x6800, s8;
	[smem:$0x7EE] =	sst s18  }
0x52: {  	s20 =	sadd.s32 $0x620000, s6;
	[smem:$0x7EF] =	sst s19  }
0x53: {  	s21 =	sadd.s32 $0x7000, s8;
	[smem:$0x7F0] =	sst s20  }
0x54: {  	s22 =	sadd.s32 $0x620800, s6;
	[smem:$0x7F1] =	sst s21  }
0x55: {  	s23 =	sadd.s32 $0x7800, s8;
	[smem:$0x7F2] =	sst s22  }
0x56: {  	s2 =	ssub.s32 $0x2, s2;
	s24 =	sadd.s32 $0x621000, s6;
	[smem:$0x7F4] =	sst s23  }
0x57: {  	s3 =	sshrl.u32 s3, $0x3;
	s25 =	sadd.s32 $0x621800, s6;
	[smem:$0x7F5] =	sst s24  }
0x58: {  	s4 =	simm.s32 $0x2;
	s26 =	sadd.s32 $0x622000, s6;
	[smem:$0x7F6] =	sst s25  }
0x59: {  	s28 =	sshrl.u32 s2, $0x1;
	s29 =	sadd.s32 s12, s3;
	[smem:$0x7F7] =	sst s26  }
0x5a: {  	s30 =	sadd.s32 s13, s3;
	s10 =	sadd.s32 $0x100, s0;
	[smem:$0x7F8] =	sst s29  }
0x5b: {  	s31 =	sadd.s32 s14, s3;
	s3 =	sadd.s32 s15, s3;
	[smem:$0x7F9] =	sst s30  }
0x5c: {  	s7 =	simm.s32 $0x4;
	s17 =	sadd.s32 $0x6000, s8;
	[smem:$0x7FB] =	sst s31  }
0x5d: {  	v2 =	vlaneseq.u32;
	s2 =	ssub.s32 s2, s28;
	s11 =	sadd.s32 $0x100, s1;
	[smem:$0x7FD] =	sst s3  }
0x5e: {  	vm0 =	vmmov $0xffff;
	v1 =	vshrl.u32 v2, $0x3;
	s18 =	simm.s32 $0x200;
	s19 =	simm.s32 $0x3;
	s20 =	simm.s32 $0x8  }
0x5f: {  	v0 =	vand.u32 $0x7, v2;
	v2 =	vor.u32 $0x8, v2;
	v1 =	vmul.u32 $0x8, v1;
	[smem:$0x7ED] =	sst s17;
	s3 =	smax.u32 s2, $0x1;
	s17 =	simm.s32 $0x1  }
.LBB3_1:
0x60: {  	[smem:$0x7DF] =	sst s3  }
0x61: {  	s26 =	rddreg [dreg:$0x12]  }
0x62: {  	[tilespmem:s5], [sflag:$0x8] =	stream.linear.gather [hbm4b:s26+s5], $0x200, $0x38;
	[tilespmem:$0x19200] =	vst v63  }
0x63: {  	_ =	swait.ge [sflag:s20], $0x200  }
0x64: {  	[sflag:s20] =	ssyncset.done $0x0  }
0x65: {  	s2 =	simm.s32 $0x18A00;
	s25 =	rddreg [dreg:$0x13];
	[sflag:s20] =	ssyncadd.s32 $0xFFFFFE00  }
0x66: {  	[tilespmem:s2], [sflag:$0x6] =	stream.linear.gather [hbm4b:s25+s5], $0x200, $0x38;
	[tilespmem:$0x19200] =	vst v63  }
0x67: {  	s30 =	simm.s32 $0x18C00;
	s28 =	rddreg [dreg:$0x14]  }
0x68: {  	[tilespmem:s30], [sflag:$0x6] =	stream.linear.gather [hbm4b:s28+s5], $0x200, $0x38;
	[tilespmem:$0x19200] =	vst v63  }
0x69: {  	s3 =	simm.s32 $0x18E00;
	s29 =	rddreg [dreg:$0x15]  }
0x6a: {  	[tilespmem:s3], [sflag:$0x6] =	stream.linear.gather [hbm4b:s29+s5], $0x200, $0x38;
	[tilespmem:$0x19200] =	vst v63  }
0x6b: {  	s8 =	simm.s32 $0x19000;
	s31 =	rddreg [dreg:$0x16]  }
0x6c: {  	[tilespmem:s8], [sflag:$0x6] =	stream.linear.gather [hbm4b:s31+s5], $0x200, $0x38;
	[tilespmem:$0x19200] =	vst v63  }
0x6d: {  	s12 =	simm.s32 $0x18200;
	s6 =	rddreg [dreg:$0xe]  }
0x6e: {  	[tilespmem:s12], [sflag:$0x5] =	stream.indirect.gather [hbm4b:s6+s18], $0x1, s5, s18, $0xb8;
	[tilespmem:$0x19200] =	vst v63  }
0x6f: {  	s14 =	simm.s32 $0x18400;
	s9 =	rddreg [dreg:$0xf]  }
0x70: {  	[tilespmem:s14], [sflag:$0x5] =	stream.indirect.gather [hbm4b:s9+s18], $0x1, s5, s18, $0xb8;
	[tilespmem:$0x19200] =	vst v63  }
0x71: {  	s16 =	simm.s32 $0x18600;
	s13 =	rddreg [dreg:$0x10]  }
0x72: {  	[tilespmem:s16], [sflag:$0x5] =	stream.indirect.gather [hbm4b:s13+s18], $0x1, s5, s18, $0xb8;
	[tilespmem:$0x19200] =	vst v63  }
0x73: {  	s21 =	simm.s32 $0x18800;
	s15 =	rddreg [dreg:$0x11]  }
0x74: {  	[tilespmem:s21], [sflag:$0x5] =	stream.indirect.gather [hbm4b:s15+s18], $0x1, s5, s18, $0xb8;
	[tilespmem:$0x19200] =	vst v63  }
0x75: {  	v3 =	vld [tilespmem:$0x0];
	_ =	sdelay $0x4  }
0x76: {  	v4 =	vshll.u32 v3, $0x2  }
0x77: {  	v3 =	vand.u32 $0x7, v3;
	v4 =	vand.u32 $0xFFFFFFE0, v4  }
0x78: {  	v3 =	vor.u32 v3, v4  }
0x79: {  	v4 =	vperm.xlane v3, v0;
	_ =	sdelay $0x1  }
0x7a: {  	v4 =	vadd.s32 v1, v4;
	_ =	sdelay $0x1  }
0x7b: {  	v3 =	vperm.xlane v3, v2;
	_ =	sdelay $0x1  }
0x7c: {  	v3 =	vadd.s32 v1, v3  }
0x7d: {  	[tilespmem:s18], [sflag:$0x1] =	stream.indirect_vreg.gather [hbm4b:s0+s5], $0x80, v4, vm0, $0xb8;
	[tilespmem:$0x19200] =	vst v63  }
0x7e: {  	s22 =	simm.s32 $0xA00  }
0x7f: {  	[tilespmem:s22], [sflag:$0x1] =	stream.indirect_vreg.gather [hbm4b:s10+s5], $0x80, v4, vm0, $0xb8;
	[tilespmem:$0x19200] =	vst v63  }
0x80: {  	s23 =	simm.s32 $0x1200  }
0x81: {  	[tilespmem:s23], [sflag:$0x1] =	stream.indirect_vreg.gather [hbm4b:s0+s5], $0x80, v3, vm0, $0xb8;
	[tilespmem:$0x19200] =	vst v63  }
0x82: {  	s24 =	simm.s32 $0x1A00  }
0x83: {  	[tilespmem:s24], [sflag:$0x1] =	stream.indirect_vreg.gather [hbm4b:s10+s5], $0x80, v3, vm0, $0xb8;
	[tilespmem:$0x19200] =	vst v63  }
0x84: {  	v3 =	vld [tilespmem:$0x10];
	_ =	sdelay $0x4  }
0x85: {  	v57 =	vshll.u32 v3, $0x2  }
0x86: {  	v3 =	vand.u32 $0x7, v3;
	v4 =	vand.u32 $0xFFFFFFE0, v57  }
0x87: {  	v3 =	vor.u32 v3, v4  }
0x88: {  	v4 =	vperm.xlane v3, v0;
	_ =	sdelay $0x1  }
0x89: {  	v4 =	vadd.s32 v1, v4;
	_ =	sdelay $0x1  }
0x8a: {  	v3 =	vperm.xlane v3, v2;
	_ =	sdelay $0x1  }
0x8b: {  	s25 =	simm.s32 $0x2200;
	v3 =	vadd.s32 v1, v3  }
0x8c: {  	[tilespmem:s25], [sflag:$0x1] =	stream.indirect_vreg.gather [hbm4b:s0+s5], $0x80, v4, vm0, $0xb8;
	[tilespmem:$0x19200] =	vst v63  }
0x8d: {  	s26 =	simm.s32 $0x2A00  }
0x8e: {  	[tilespmem:s26], [sflag:$0x1] =	stream.indirect_vreg.gather [hbm4b:s10+s5], $0x80, v4, vm0, $0xb8;
	[tilespmem:$0x19200] =	vst v63  }
0x8f: {  	s28 =	simm.s32 $0x3200  }
0x90: {  	[tilespmem:s28], [sflag:$0x1] =	stream.indirect_vreg.gather [hbm4b:s0+s5], $0x80, v3, vm0, $0xb8;
	[tilespmem:$0x19200] =	vst v63  }
0x91: {  	s29 =	simm.s32 $0x3A00;
	s6 =	sld [smem:$0x7F3]  }
0x92: {  	[tilespmem:s29], [sflag:$0x1] =	stream.indirect_vreg.gather [hbm4b:s10+s5], $0x80, v3, vm0, $0xb8;
	[tilespmem:$0x19200] =	vst v63  }
0x93: {  	s9 =	simm.s32 $0xC200  }
0x94: {  	[tilespmem:s9], [sflag:$0x3] =	stream.linear.gather [hbm4b:s6+s5], $0x4000, $0x38;
	[tilespmem:$0x19200] =	vst v63  }
0x95: {  	v3 =	vld [tilespmem:$0x20];
	_ =	sdelay $0x4  }
0x96: {  	v58 =	vshll.u32 v3, $0x2  }
0x97: {  	v3 =	vand.u32 $0x7, v3;
	v4 =	vand.u32 $0xFFFFFFE0, v58  }
0x98: {  	v3 =	vor.u32 v3, v4  }
0x99: {  	v4 =	vperm.xlane v3, v0;
	_ =	sdelay $0x1  }
0x9a: {  	v4 =	vadd.s32 v1, v4;
	_ =	sdelay $0x1  }
0x9b: {  	v3 =	vperm.xlane v3, v2;
	_ =	sdelay $0x1  }
0x9c: {  	s12 =	simm.s32 $0x4200;
	v3 =	vadd.s32 v1, v3  }
0x9d: {  	[tilespmem:s12], [sflag:$0x1] =	stream.indirect_vreg.gather [hbm4b:s0+s5], $0x80, v4, vm0, $0xb8;
	[tilespmem:$0x19200] =	vst v63  }
0x9e: {  	s14 =	simm.s32 $0x4A00  }
0x9f: {  	[tilespmem:s14], [sflag:$0x1] =	stream.indirect_vreg.gather [hbm4b:s10+s5], $0x80, v4, vm0, $0xb8;
	[tilespmem:$0x19200] =	vst v63  }
0xa0: {  	s15 =	simm.s32 $0x5200  }
0xa1: {  	[tilespmem:s15], [sflag:$0x1] =	stream.indirect_vreg.gather [hbm4b:s0+s5], $0x80, v3, vm0, $0xb8;
	[tilespmem:$0x19200] =	vst v63  }
0xa2: {  	s16 =	simm.s32 $0x5A00  }
0xa3: {  	[tilespmem:s16], [sflag:$0x1] =	stream.indirect_vreg.gather [hbm4b:s10+s5], $0x80, v3, vm0, $0xb8;
	[tilespmem:$0x19200] =	vst v63  }
0xa4: {  	v3 =	vld [tilespmem:$0x30];
	_ =	sdelay $0x4  }
0xa5: {  	v59 =	vshll.u32 v3, $0x2  }
0xa6: {  	v3 =	vand.u32 $0x7, v3;
	v4 =	vand.u32 $0xFFFFFFE0, v59  }
0xa7: {  	v3 =	vor.u32 v3, v4  }
0xa8: {  	v4 =	vperm.xlane v3, v0;
	_ =	sdelay $0x1  }
0xa9: {  	v4 =	vadd.s32 v1, v4;
	_ =	sdelay $0x1  }
0xaa: {  	v3 =	vperm.xlane v3, v2;
	_ =	sdelay $0x1  }
0xab: {  	s23 =	simm.s32 $0x6200;
	v3 =	vadd.s32 v1, v3  }
0xac: {  	[tilespmem:s23], [sflag:$0x1] =	stream.indirect_vreg.gather [hbm4b:s0+s5], $0x80, v4, vm0, $0xb8;
	[tilespmem:$0x19200] =	vst v63  }
0xad: {  	s24 =	simm.s32 $0x6A00  }
0xae: {  	[tilespmem:s24], [sflag:$0x1] =	stream.indirect_vreg.gather [hbm4b:s10+s5], $0x80, v4, vm0, $0xb8;
	[tilespmem:$0x19200] =	vst v63  }
0xaf: {  	s26 =	simm.s32 $0x7200  }
0xb0: {  	[tilespmem:s26], [sflag:$0x1] =	stream.indirect_vreg.gather [hbm4b:s0+s5], $0x80, v3, vm0, $0xb8;
	[tilespmem:$0x19200] =	vst v63  }
0xb1: {  	s9 =	simm.s32 $0x7A00  }
0xb2: {  	[tilespmem:s9], [sflag:$0x1] =	stream.indirect_vreg.gather [hbm4b:s10+s5], $0x80, v3, vm0, $0xb8;
	[tilespmem:$0x19200] =	vst v63  }
0xb3: {  	s28 =	rddreg [dreg:$0x17];
	s14 =	simm.s32 $0x10200  }
0xb4: {  	[tilespmem:s14], [sflag:$0x3] =	stream.linear.gather [hbm4b:s28+s5], $0x4000, $0x38;
	[tilespmem:$0x19200] =	vst v63  }
0xb5: {  	_ =	swait.ge [sflag:s17], $0x4000  }
0xb6: {  	[sflag:s17] =	ssyncset.done $0x0  }
0xb7: {  	[sflag:s17] =	ssyncadd.s32 $0xFFFFC000  }
0xb8: {  	_ =	swait.ge [sflag:s19], $0x4000  }
0xb9: {  	[sflag:s19] =	ssyncset.done $0x0  }
0xba: {  	[sflag:s19] =	ssyncadd.s32 $0xFFFFC000  }
0xbb: {  	v3 =	vld [tilespmem:$0x40];
	_ =	sdelay $0x4  }
0xbc: {  	v60 =	vshll.u32 v3, $0x2  }
0xbd: {  	v3 =	vand.u32 $0x7, v3;
	v4 =	vand.u32 $0xFFFFFFE0, v60  }
0xbe: {  	v3 =	vor.u32 v3, v4  }
0xbf: {  	v4 =	vperm.xlane v3, v0;
	_ =	sdelay $0x1  }
0xc0: {  	v4 =	vadd.s32 v1, v4;
	_ =	sdelay $0x1  }
0xc1: {  	v3 =	vperm.xlane v3, v2;
	_ =	sdelay $0x1  }
0xc2: {  	s26 =	simm.s32 $0x8200;
	v3 =	vadd.s32 v1, v3  }
0xc3: {  	[tilespmem:s26], [sflag:$0x1] =	stream.indirect_vreg.gather [hbm4b:s0+s5], $0x80, v4, vm0, $0xb8;
	[tilespmem:$0x19200] =	vst v63  }
0xc4: {  	s28 =	simm.s32 $0x8A00  }
0xc5: {  	[tilespmem:s28], [sflag:$0x1] =	stream.indirect_vreg.gather [hbm4b:s10+s5], $0x80, v4, vm0, $0xb8;
	[tilespmem:$0x19200] =	vst v63  }
0xc6: {  	s14 =	simm.s32 $0x9200  }
0xc7: {  	[tilespmem:s14], [sflag:$0x1] =	stream.indirect_vreg.gather [hbm4b:s0+s5], $0x80, v3, vm0, $0xb8;
	[tilespmem:$0x19200] =	vst v63  }
0xc8: {  	s26 =	simm.s32 $0x9A00  }
0xc9: {  	[tilespmem:s26], [sflag:$0x1] =	stream.indirect_vreg.gather [hbm4b:s10+s5], $0x80, v3, vm0, $0xb8;
	[tilespmem:$0x19200] =	vst v63  }
0xca: {  	v3 =	vld [tilespmem:$0x50];
	_ =	sdelay $0x4  }
0xcb: {  	v61 =	vshll.u32 v3, $0x2  }
0xcc: {  	v3 =	vand.u32 $0x7, v3;
	v4 =	vand.u32 $0xFFFFFFE0, v61  }
0xcd: {  	v3 =	vor.u32 v3, v4  }
0xce: {  	v4 =	vperm.xlane v3, v0;
	_ =	sdelay $0x1  }
0xcf: {  	v4 =	vadd.s32 v1, v4;
	_ =	sdelay $0x1  }
0xd0: {  	v3 =	vperm.xlane v3, v2;
	_ =	sdelay $0x1  }
0xd1: {  	s28 =	simm.s32 $0xA200;
	v3 =	vadd.s32 v1, v3  }
0xd2: {  	[tilespmem:s28], [sflag:$0x1] =	stream.indirect_vreg.gather [hbm4b:s0+s5], $0x80, v4, vm0, $0xb8;
	[tilespmem:$0x19200] =	vst v63  }
0xd3: {  	s14 =	simm.s32 $0xAA00  }
0xd4: {  	[tilespmem:s14], [sflag:$0x1] =	stream.indirect_vreg.gather [hbm4b:s10+s5], $0x80, v4, vm0, $0xb8;
	[tilespmem:$0x19200] =	vst v63  }
0xd5: {  	s26 =	simm.s32 $0xB200  }
0xd6: {  	[tilespmem:s26], [sflag:$0x1] =	stream.indirect_vreg.gather [hbm4b:s0+s5], $0x80, v3, vm0, $0xb8;
	[tilespmem:$0x19200] =	vst v63  }
0xd7: {  	s28 =	simm.s32 $0xBA00  }
0xd8: {  	[tilespmem:s28], [sflag:$0x1] =	stream.indirect_vreg.gather [hbm4b:s10+s5], $0x80, v3, vm0, $0xb8;
	[tilespmem:$0x19200] =	vst v63  }
0xd9: {  	s14 =	simm.s32 $0x14200;
	s26 =	rddreg [dreg:$0x18]  }
0xda: {  	[tilespmem:s14], [sflag:$0x3] =	stream.linear.gather [hbm4b:s26+s5], $0x4000, $0x38;
	[tilespmem:$0x19200] =	vst v63  }
0xdb: {  	s28 =	rddreg [dreg:$0x19]  }
0xdc: {  	[hbm4b:s28+s5] =	stream.linear.scatter [tilespmem:s18], [sflag:$0x2], $0x4000, $0x38;
	[tilespmem:$0x19200] =	vst v63  }
0xdd: {  	v3 =	vld [tilespmem:$0x0];
	_ =	sdelay $0x4  }
0xde: {  	v62 =	vshll.u32 v3, $0x2  }
0xdf: {  	v3 =	vand.u32 $0x7, v3;
	v4 =	vand.u32 $0xFFFFFFE0, v62  }
0xe0: {  	v3 =	vor.u32 v3, v4  }
0xe1: {  	v4 =	vperm.xlane v3, v0;
	_ =	sdelay $0x1  }
0xe2: {  	v4 =	vadd.s32 v1, v4;
	_ =	sdelay $0x1  }
0xe3: {  	v3 =	vperm.xlane v3, v2;
	_ =	sdelay $0x1  }
0xe4: {  	s14 =	simm.s32 $0xC200;
	v3 =	vadd.s32 v1, v3  }
0xe5: {  	[hbm4b:s1+s5] =	stream.indirect_vreg.scatter [tilespmem:s14], [sflag:$0x4], $0x80, v4, vm0, $0xb8;
	[tilespmem:$0x19200] =	vst v63  }
0xe6: {  	s2 =	simm.s32 $0xCA00  }
0xe7: {  	[hbm4b:s11+s5] =	stream.indirect_vreg.scatter [tilespmem:s2], [sflag:$0x4], $0x80, v4, vm0, $0xb8;
	[tilespmem:$0x19200] =	vst v63  }
0xe8: {  	s28 =	simm.s32 $0xD200  }
0xe9: {  	[hbm4b:s1+s5] =	stream.indirect_vreg.scatter [tilespmem:s28], [sflag:$0x4], $0x80, v3, vm0, $0xb8;
	[tilespmem:$0x19200] =	vst v63  }
0xea: {  	s2 =	simm.s32 $0xDA00  }
0xeb: {  	[hbm4b:s11+s5] =	stream.indirect_vreg.scatter [tilespmem:s2], [sflag:$0x4], $0x80, v3, vm0, $0xb8;
	[tilespmem:$0x19200] =	vst v63  }
0xec: {  	v3 =	vld [tilespmem:$0x10];
	_ =	sdelay $0x4  }
0xed: {  	v63 =	vshll.u32 v3, $0x2  }
0xee: {  	v3 =	vand.u32 $0x7, v3;
	v4 =	vand.u32 $0xFFFFFFE0, v63  }
0xef: {  	v3 =	vor.u32 v3, v4  }
0xf0: {  	v4 =	vperm.xlane v3, v0;
	_ =	sdelay $0x1  }
0xf1: {  	v4 =	vadd.s32 v1, v4;
	_ =	sdelay $0x1  }
0xf2: {  	v3 =	vperm.xlane v3, v2;
	_ =	sdelay $0x1  }
0xf3: {  	s28 =	simm.s32 $0xE200;
	v3 =	vadd.s32 v1, v3  }
0xf4: {  	[hbm4b:s1+s5] =	stream.indirect_vreg.scatter [tilespmem:s28], [sflag:$0x4], $0x80, v4, vm0, $0xb8;
	[tilespmem:$0x19200] =	vst v63  }
0xf5: {  	s2 =	simm.s32 $0xEA00  }
0xf6: {  	[hbm4b:s11+s5] =	stream.indirect_vreg.scatter [tilespmem:s2], [sflag:$0x4], $0x80, v4, vm0, $0xb8;
	[tilespmem:$0x19200] =	vst v63  }
0xf7: {  	s28 =	simm.s32 $0xF200  }
0xf8: {  	[hbm4b:s1+s5] =	stream.indirect_vreg.scatter [tilespmem:s28], [sflag:$0x4], $0x80, v3, vm0, $0xb8;
	[tilespmem:$0x19200] =	vst v63  }
0xf9: {  	s2 =	simm.s32 $0xFA00  }
0xfa: {  	[hbm4b:s11+s5] =	stream.indirect_vreg.scatter [tilespmem:s2], [sflag:$0x4], $0x80, v3, vm0, $0xb8;
	[tilespmem:$0x19200] =	vst v63  }
0xfb: {  	_ =	swait.ge [sflag:s17], $0x4000  }
0xfc: {  	[sflag:s17] =	ssyncset.done $0x0  }
0xfd: {  	[sflag:s17] =	ssyncadd.s32 $0xFFFFC000  }
0xfe: {  	_ =	swait.ge [sflag:s19], $0x4000  }
0xff: {  	[sflag:s19] =	ssyncset.done $0x0  }
0x100: {  	[sflag:s19] =	ssyncadd.s32 $0xFFFFC000  }
0x101: {  	_ =	swait.ge [sflag:s4], $0x4000  }
0x102: {  	[sflag:s4] =	ssyncset.done $0x0  }
0x103: {  	[sflag:s4] =	ssyncadd.s32 $0xFFFFC000  }
0x104: {  	_ =	swait.ge [sflag:s7], $0x4000  }
0x105: {  	[sflag:s7] =	ssyncset.done $0x0  }
0x106: {  	[sflag:s7] =	ssyncadd.s32 $0xFFFFC000  }
0x107: {  	v3 =	vld [tilespmem:$0x60];
	_ =	sdelay $0x4  }
0x108: {  	v8 =	vshll.u32 v3, $0x2  }
0x109: {  	v3 =	vand.u32 $0x7, v3;
	v4 =	vand.u32 $0xFFFFFFE0, v8  }
0x10a: {  	v3 =	vor.u32 v3, v4  }
0x10b: {  	v4 =	vperm.xlane v3, v0;
	_ =	sdelay $0x1  }
0x10c: {  	v4 =	vadd.s32 v1, v4;
	_ =	sdelay $0x1  }
0x10d: {  	v3 =	vperm.xlane v3, v2;
	_ =	sdelay $0x1  }
0x10e: {  	v3 =	vadd.s32 v1, v3  }
0x10f: {  	[tilespmem:s18], [sflag:$0x1] =	stream.indirect_vreg.gather [hbm4b:s0+s5], $0x80, v4, vm0, $0xb8;
	[tilespmem:$0x19200] =	vst v63  }
0x110: {  	s30 =	simm.s32 $0xA00  }
0x111: {  	[tilespmem:s30], [sflag:$0x1] =	stream.indirect_vreg.gather [hbm4b:s10+s5], $0x80, v4, vm0, $0xb8;
	[tilespmem:$0x19200] =	vst v63  }
0x112: {  	s22 =	simm.s32 $0x1200  }
0x113: {  	[tilespmem:s22], [sflag:$0x1] =	stream.indirect_vreg.gather [hbm4b:s0+s5], $0x80, v3, vm0, $0xb8;
	[tilespmem:$0x19200] =	vst v63  }
0x114: {  	s3 =	simm.s32 $0x1A00  }
0x115: {  	[tilespmem:s3], [sflag:$0x1] =	stream.indirect_vreg.gather [hbm4b:s10+s5], $0x80, v3, vm0, $0xb8;
	[tilespmem:$0x19200] =	vst v63  }
0x116: {  	v3 =	vld [tilespmem:$0x70];
	_ =	sdelay $0x4  }
0x117: {  	v9 =	vshll.u32 v3, $0x2  }
0x118: {  	v3 =	vand.u32 $0x7, v3;
	v4 =	vand.u32 $0xFFFFFFE0, v9  }
0x119: {  	v3 =	vor.u32 v3, v4  }
0x11a: {  	v4 =	vperm.xlane v3, v0;
	_ =	sdelay $0x1  }
0x11b: {  	v4 =	vadd.s32 v1, v4;
	_ =	sdelay $0x1  }
0x11c: {  	v3 =	vperm.xlane v3, v2;
	_ =	sdelay $0x1  }
0x11d: {  	s13 =	simm.s32 $0x2200;
	v3 =	vadd.s32 v1, v3  }
0x11e: {  	[tilespmem:s13], [sflag:$0x1] =	stream.indirect_vreg.gather [hbm4b:s0+s5], $0x80, v4, vm0, $0xb8;
	[tilespmem:$0x19200] =	vst v63  }
0x11f: {  	s8 =	simm.s32 $0x2A00  }
0x120: {  	[tilespmem:s8], [sflag:$0x1] =	stream.indirect_vreg.gather [hbm4b:s10+s5], $0x80, v4, vm0, $0xb8;
	[tilespmem:$0x19200] =	vst v63  }
0x121: {  	s31 =	simm.s32 $0x3200  }
0x122: {  	[tilespmem:s31], [sflag:$0x1] =	stream.indirect_vreg.gather [hbm4b:s0+s5], $0x80, v3, vm0, $0xb8;
	[tilespmem:$0x19200] =	vst v63  }
0x123: {  	s29 =	simm.s32 $0x3A00  }
0x124: {  	[tilespmem:s29], [sflag:$0x1] =	stream.indirect_vreg.gather [hbm4b:s10+s5], $0x80, v3, vm0, $0xb8;
	[tilespmem:$0x19200] =	vst v63  }
0x125: {  	s22 =	rddreg [dreg:$0x1a]  }
0x126: {  	[tilespmem:s14], [sflag:$0x3] =	stream.linear.gather [hbm4b:s22+s5], $0x4000, $0x38;
	[tilespmem:$0x19200] =	vst v63  }
0x127: {  	s6 =	simm.s32 $0x4200;
	s29 =	rddreg [dreg:$0x1b]  }
0x128: {  	[hbm4b:s29+s5] =	stream.linear.scatter [tilespmem:s6], [sflag:$0x2], $0x4000, $0x38;
	[tilespmem:$0x19200] =	vst v63  }
0x129: {  	v3 =	vld [tilespmem:$0x20];
	_ =	sdelay $0x4  }
0x12a: {  	v10 =	vshll.u32 v3, $0x2  }
0x12b: {  	v3 =	vand.u32 $0x7, v3;
	v4 =	vand.u32 $0xFFFFFFE0, v10  }
0x12c: {  	v3 =	vor.u32 v3, v4  }
0x12d: {  	v4 =	vperm.xlane v3, v0;
	_ =	sdelay $0x1  }
0x12e: {  	v4 =	vadd.s32 v1, v4;
	_ =	sdelay $0x1  }
0x12f: {  	v3 =	vperm.xlane v3, v2;
	_ =	sdelay $0x1  }
0x130: {  	s8 =	simm.s32 $0x10200;
	v3 =	vadd.s32 v1, v3  }
0x131: {  	[hbm4b:s1+s5] =	stream.indirect_vreg.scatter [tilespmem:s8], [sflag:$0x4], $0x80, v4, vm0, $0xb8;
	[tilespmem:$0x19200] =	vst v63  }
0x132: {  	s31 =	simm.s32 $0x10A00  }
0x133: {  	[hbm4b:s11+s5] =	stream.indirect_vreg.scatter [tilespmem:s31], [sflag:$0x4], $0x80, v4, vm0, $0xb8;
	[tilespmem:$0x19200] =	vst v63  }
0x134: {  	s14 =	simm.s32 $0x11200  }
0x135: {  	[hbm4b:s1+s5] =	stream.indirect_vreg.scatter [tilespmem:s14], [sflag:$0x4], $0x80, v3, vm0, $0xb8;
	[tilespmem:$0x19200] =	vst v63  }
0x136: {  	s22 =	simm.s32 $0x11A00  }
0x137: {  	[hbm4b:s11+s5] =	stream.indirect_vreg.scatter [tilespmem:s22], [sflag:$0x4], $0x80, v3, vm0, $0xb8;
	[tilespmem:$0x19200] =	vst v63  }
0x138: {  	v3 =	vld [tilespmem:$0x30];
	_ =	sdelay $0x4  }
0x139: {  	v11 =	vshll.u32 v3, $0x2  }
0x13a: {  	v3 =	vand.u32 $0x7, v3;
	v4 =	vand.u32 $0xFFFFFFE0, v11  }
0x13b: {  	v3 =	vor.u32 v3, v4  }
0x13c: {  	v4 =	vperm.xlane v3, v0;
	_ =	sdelay $0x1  }
0x13d: {  	v4 =	vadd.s32 v1, v4;
	_ =	sdelay $0x1  }
0x13e: {  	v3 =	vperm.xlane v3, v2;
	_ =	sdelay $0x1  }
0x13f: {  	s26 =	simm.s32 $0x12200;
	v3 =	vadd.s32 v1, v3  }
0x140: {  	[hbm4b:s1+s5] =	stream.indirect_vreg.scatter [tilespmem:s26], [sflag:$0x4], $0x80, v4, vm0, $0xb8;
	[tilespmem:$0x19200] =	vst v63  }
0x141: {  	s28 =	simm.s32 $0x12A00  }
0x142: {  	[hbm4b:s11+s5] =	stream.indirect_vreg.scatter [tilespmem:s28], [sflag:$0x4], $0x80, v4, vm0, $0xb8;
	[tilespmem:$0x19200] =	vst v63  }
0x143: {  	s29 =	simm.s32 $0x13200  }
0x144: {  	[hbm4b:s1+s5] =	stream.indirect_vreg.scatter [tilespmem:s29], [sflag:$0x4], $0x80, v3, vm0, $0xb8;
	[tilespmem:$0x19200] =	vst v63  }
0x145: {  	s31 =	simm.s32 $0x13A00  }
0x146: {  	[hbm4b:s11+s5] =	stream.indirect_vreg.scatter [tilespmem:s31], [sflag:$0x4], $0x80, v3, vm0, $0xb8;
	[tilespmem:$0x19200] =	vst v63  }
0x147: {  	_ =	swait.ge [sflag:s17], $0x4000  }
0x148: {  	[sflag:s17] =	ssyncset.done $0x0  }
0x149: {  	[sflag:s17] =	ssyncadd.s32 $0xFFFFC000  }
0x14a: {  	_ =	swait.ge [sflag:s19], $0x4000  }
0x14b: {  	[sflag:s19] =	ssyncset.done $0x0  }
0x14c: {  	[sflag:s19] =	ssyncadd.s32 $0xFFFFC000  }
0x14d: {  	_ =	swait.ge [sflag:s4], $0x4000  }
0x14e: {  	[sflag:s4] =	ssyncset.done $0x0  }
0x14f: {  	[sflag:s4] =	ssyncadd.s32 $0xFFFFC000  }
0x150: {  	_ =	swait.ge [sflag:s7], $0x4000  }
0x151: {  	[sflag:s7] =	ssyncset.done $0x0  }
0x152: {  	[sflag:s7] =	ssyncadd.s32 $0xFFFFC000  }
0x153: {  	v3 =	vld [tilespmem:$0x80];
	_ =	sdelay $0x4  }
0x154: {  	v12 =	vshll.u32 v3, $0x2  }
0x155: {  	v3 =	vand.u32 $0x7, v3;
	v4 =	vand.u32 $0xFFFFFFE0, v12  }
0x156: {  	v3 =	vor.u32 v3, v4  }
0x157: {  	v4 =	vperm.xlane v3, v0;
	_ =	sdelay $0x1  }
0x158: {  	v4 =	vadd.s32 v1, v4;
	_ =	sdelay $0x1  }
0x159: {  	v3 =	vperm.xlane v3, v2;
	_ =	sdelay $0x1  }
0x15a: {  	v3 =	vadd.s32 v1, v3  }
0x15b: {  	[tilespmem:s6], [sflag:$0x1] =	stream.indirect_vreg.gather [hbm4b:s0+s5], $0x80, v4, vm0, $0xb8;
	[tilespmem:$0x19200] =	vst v63  }
0x15c: {  	s21 =	simm.s32 $0x4A00  }
0x15d: {  	[tilespmem:s21], [sflag:$0x1] =	stream.indirect_vreg.gather [hbm4b:s10+s5], $0x80, v4, vm0, $0xb8;
	[tilespmem:$0x19200] =	vst v63  }
0x15e: {  	s25 =	simm.s32 $0x5200  }
0x15f: {  	[tilespmem:s25], [sflag:$0x1] =	stream.indirect_vreg.gather [hbm4b:s0+s5], $0x80, v3, vm0, $0xb8;
	[tilespmem:$0x19200] =	vst v63  }
0x160: {  	s15 =	simm.s32 $0x5A00  }
0x161: {  	[tilespmem:s15], [sflag:$0x1] =	stream.indirect_vreg.gather [hbm4b:s10+s5], $0x80, v3, vm0, $0xb8;
	[tilespmem:$0x19200] =	vst v63  }
0x162: {  	v3 =	vld [tilespmem:$0x90];
	_ =	sdelay $0x4  }
0x163: {  	v13 =	vshll.u32 v3, $0x2  }
0x164: {  	v3 =	vand.u32 $0x7, v3;
	v4 =	vand.u32 $0xFFFFFFE0, v13  }
0x165: {  	v3 =	vor.u32 v3, v4  }
0x166: {  	v4 =	vperm.xlane v3, v0;
	_ =	sdelay $0x1  }
0x167: {  	v4 =	vadd.s32 v1, v4;
	_ =	sdelay $0x1  }
0x168: {  	v3 =	vperm.xlane v3, v2;
	_ =	sdelay $0x1  }
0x169: {  	s12 =	simm.s32 $0x6200;
	v3 =	vadd.s32 v1, v3  }
0x16a: {  	[tilespmem:s12], [sflag:$0x1] =	stream.indirect_vreg.gather [hbm4b:s0+s5], $0x80, v4, vm0, $0xb8;
	[tilespmem:$0x19200] =	vst v63  }
0x16b: {  	s23 =	simm.s32 $0x6A00  }
0x16c: {  	[tilespmem:s23], [sflag:$0x1] =	stream.indirect_vreg.gather [hbm4b:s10+s5], $0x80, v4, vm0, $0xb8;
	[tilespmem:$0x19200] =	vst v63  }
0x16d: {  	s16 =	simm.s32 $0x7200  }
0x16e: {  	[tilespmem:s16], [sflag:$0x1] =	stream.indirect_vreg.gather [hbm4b:s0+s5], $0x80, v3, vm0, $0xb8;
	[tilespmem:$0x19200] =	vst v63  }
0x16f: {  	s24 =	simm.s32 $0x7A00  }
0x170: {  	[tilespmem:s24], [sflag:$0x1] =	stream.indirect_vreg.gather [hbm4b:s10+s5], $0x80, v3, vm0, $0xb8;
	[tilespmem:$0x19200] =	vst v63  }
0x171: {  	s14 =	rddreg [dreg:$0x1c]  }
0x172: {  	[tilespmem:s8], [sflag:$0x3] =	stream.linear.gather [hbm4b:s14+s5], $0x4000, $0x38;
	[tilespmem:$0x19200] =	vst v63  }
0x173: {  	s9 =	simm.s32 $0x8200;
	s15 =	rddreg [dreg:$0x1d]  }
0x174: {  	[hbm4b:s15+s5] =	stream.linear.scatter [tilespmem:s9], [sflag:$0x2], $0x4000, $0x38;
	[tilespmem:$0x19200] =	vst v63  }
0x175: {  	v3 =	vld [tilespmem:$0x40];
	_ =	sdelay $0x4  }
0x176: {  	v14 =	vshll.u32 v3, $0x2  }
0x177: {  	v3 =	vand.u32 $0x7, v3;
	v4 =	vand.u32 $0xFFFFFFE0, v14  }
0x178: {  	v3 =	vor.u32 v3, v4  }
0x179: {  	v4 =	vperm.xlane v3, v0;
	_ =	sdelay $0x1  }
0x17a: {  	v4 =	vadd.s32 v1, v4;
	_ =	sdelay $0x1  }
0x17b: {  	v3 =	vperm.xlane v3, v2;
	_ =	sdelay $0x1  }
0x17c: {  	s3 =	simm.s32 $0x14200;
	v3 =	vadd.s32 v1, v3  }
0x17d: {  	[hbm4b:s1+s5] =	stream.indirect_vreg.scatter [tilespmem:s3], [sflag:$0x4], $0x80, v4, vm0, $0xb8;
	[tilespmem:$0x19200] =	vst v63  }
0x17e: {  	s16 =	simm.s32 $0x14A00  }
0x17f: {  	[hbm4b:s11+s5] =	stream.indirect_vreg.scatter [tilespmem:s16], [sflag:$0x4], $0x80, v4, vm0, $0xb8;
	[tilespmem:$0x19200] =	vst v63  }
0x180: {  	s21 =	simm.s32 $0x15200  }
0x181: {  	[hbm4b:s1+s5] =	stream.indirect_vreg.scatter [tilespmem:s21], [sflag:$0x4], $0x80, v3, vm0, $0xb8;
	[tilespmem:$0x19200] =	vst v63  }
0x182: {  	s22 =	simm.s32 $0x15A00  }
0x183: {  	[hbm4b:s11+s5] =	stream.indirect_vreg.scatter [tilespmem:s22], [sflag:$0x4], $0x80, v3, vm0, $0xb8;
	[tilespmem:$0x19200] =	vst v63  }
0x184: {  	v3 =	vld [tilespmem:$0x50];
	_ =	sdelay $0x4  }
0x185: {  	v15 =	vshll.u32 v3, $0x2  }
0x186: {  	v3 =	vand.u32 $0x7, v3;
	v4 =	vand.u32 $0xFFFFFFE0, v15  }
0x187: {  	v3 =	vor.u32 v3, v4  }
0x188: {  	v4 =	vperm.xlane v3, v0;
	_ =	sdelay $0x1  }
0x189: {  	v4 =	vadd.s32 v1, v4;
	_ =	sdelay $0x1  }
0x18a: {  	v3 =	vperm.xlane v3, v2;
	_ =	sdelay $0x1  }
0x18b: {  	s23 =	simm.s32 $0x16200;
	v3 =	vadd.s32 v1, v3  }
0x18c: {  	[hbm4b:s1+s5] =	stream.indirect_vreg.scatter [tilespmem:s23], [sflag:$0x4], $0x80, v4, vm0, $0xb8;
	[tilespmem:$0x19200] =	vst v63  }
0x18d: {  	s24 =	simm.s32 $0x16A00  }
0x18e: {  	[hbm4b:s11+s5] =	stream.indirect_vreg.scatter [tilespmem:s24], [sflag:$0x4], $0x80, v4, vm0, $0xb8;
	[tilespmem:$0x19200] =	vst v63  }
0x18f: {  	s25 =	simm.s32 $0x17200  }
0x190: {  	[hbm4b:s1+s5] =	stream.indirect_vreg.scatter [tilespmem:s25], [sflag:$0x4], $0x80, v3, vm0, $0xb8;
	[tilespmem:$0x19200] =	vst v63  }
0x191: {  	s26 =	simm.s32 $0x17A00  }
0x192: {  	[hbm4b:s11+s5] =	stream.indirect_vreg.scatter [tilespmem:s26], [sflag:$0x4], $0x80, v3, vm0, $0xb8;
	[tilespmem:$0x19200] =	vst v63  }
0x193: {  	_ =	swait.ge [sflag:s17], $0x4000  }
0x194: {  	[sflag:s17] =	ssyncset.done $0x0  }
0x195: {  	[sflag:s17] =	ssyncadd.s32 $0xFFFFC000  }
0x196: {  	_ =	swait.ge [sflag:s19], $0x4000  }
0x197: {  	[sflag:s19] =	ssyncset.done $0x0  }
0x198: {  	[sflag:s19] =	ssyncadd.s32 $0xFFFFC000  }
0x199: {  	_ =	swait.ge [sflag:s4], $0x4000  }
0x19a: {  	[sflag:s4] =	ssyncset.done $0x0  }
0x19b: {  	[sflag:s4] =	ssyncadd.s32 $0xFFFFC000  }
0x19c: {  	_ =	swait.ge [sflag:s7], $0x4000  }
0x19d: {  	[sflag:s7] =	ssyncset.done $0x0  }
0x19e: {  	[sflag:s7] =	ssyncadd.s32 $0xFFFFC000  }
0x19f: {  	v3 =	vld [tilespmem:$0xA0];
	_ =	sdelay $0x4  }
0x1a0: {  	v16 =	vshll.u32 v3, $0x2  }
0x1a1: {  	v3 =	vand.u32 $0x7, v3;
	v4 =	vand.u32 $0xFFFFFFE0, v16  }
0x1a2: {  	v3 =	vor.u32 v3, v4  }
0x1a3: {  	v4 =	vperm.xlane v3, v0;
	_ =	sdelay $0x1  }
0x1a4: {  	v4 =	vadd.s32 v1, v4;
	_ =	sdelay $0x1  }
0x1a5: {  	v3 =	vperm.xlane v3, v2;
	_ =	sdelay $0x1  }
0x1a6: {  	v3 =	vadd.s32 v1, v3  }
0x1a7: {  	[tilespmem:s9], [sflag:$0x1] =	stream.indirect_vreg.gather [hbm4b:s0+s5], $0x80, v4, vm0, $0xb8;
	[tilespmem:$0x19200] =	vst v63  }
0x1a8: {  	s14 =	simm.s32 $0x8A00  }
0x1a9: {  	[tilespmem:s14], [sflag:$0x1] =	stream.indirect_vreg.gather [hbm4b:s10+s5], $0x80, v4, vm0, $0xb8;
	[tilespmem:$0x19200] =	vst v63  }
0x1aa: {  	s15 =	simm.s32 $0x9200  }
0x1ab: {  	[tilespmem:s15], [sflag:$0x1] =	stream.indirect_vreg.gather [hbm4b:s0+s5], $0x80, v3, vm0, $0xb8;
	[tilespmem:$0x19200] =	vst v63  }
0x1ac: {  	s28 =	simm.s32 $0x9A00  }
0x1ad: {  	[tilespmem:s28], [sflag:$0x1] =	stream.indirect_vreg.gather [hbm4b:s10+s5], $0x80, v3, vm0, $0xb8;
	[tilespmem:$0x19200] =	vst v63  }
0x1ae: {  	v3 =	vld [tilespmem:$0xB0];
	_ =	sdelay $0x4  }
0x1af: {  	v17 =	vshll.u32 v3, $0x2  }
0x1b0: {  	v3 =	vand.u32 $0x7, v3;
	v4 =	vand.u32 $0xFFFFFFE0, v17  }
0x1b1: {  	v3 =	vor.u32 v3, v4  }
0x1b2: {  	v4 =	vperm.xlane v3, v0;
	_ =	sdelay $0x1  }
0x1b3: {  	v4 =	vadd.s32 v1, v4;
	_ =	sdelay $0x1  }
0x1b4: {  	v3 =	vperm.xlane v3, v2;
	_ =	sdelay $0x1  }
0x1b5: {  	s21 =	simm.s32 $0xA200;
	v3 =	vadd.s32 v1, v3  }
0x1b6: {  	[tilespmem:s21], [sflag:$0x1] =	stream.indirect_vreg.gather [hbm4b:s0+s5], $0x80, v4, vm0, $0xb8;
	[tilespmem:$0x19200] =	vst v63  }
0x1b7: {  	s24 =	simm.s32 $0xAA00  }
0x1b8: {  	[tilespmem:s24], [sflag:$0x1] =	stream.indirect_vreg.gather [hbm4b:s10+s5], $0x80, v4, vm0, $0xb8;
	[tilespmem:$0x19200] =	vst v63  }
0x1b9: {  	s29 =	simm.s32 $0xB200  }
0x1ba: {  	[tilespmem:s29], [sflag:$0x1] =	stream.indirect_vreg.gather [hbm4b:s0+s5], $0x80, v3, vm0, $0xb8;
	[tilespmem:$0x19200] =	vst v63  }
0x1bb: {  	s12 =	simm.s32 $0xBA00  }
0x1bc: {  	[tilespmem:s12], [sflag:$0x1] =	stream.indirect_vreg.gather [hbm4b:s10+s5], $0x80, v3, vm0, $0xb8;
	[tilespmem:$0x19200] =	vst v63  }
0x1bd: {  	s9 =	rddreg [dreg:$0x1e]  }
0x1be: {  	[tilespmem:s3], [sflag:$0x3] =	stream.linear.gather [hbm4b:s9+s5], $0x4000, $0x38;
	[tilespmem:$0x19200] =	vst v63  }
0x1bf: {  	s16 =	rddreg [dreg:$0x1f]  }
0x1c0: {  	[hbm4b:s16+s5] =	stream.linear.scatter [tilespmem:s18], [sflag:$0x2], $0x4000, $0x38;
	[tilespmem:$0x19200] =	vst v63  }
0x1c1: {  	v3 =	vld [tilespmem:$0x60];
	_ =	sdelay $0x4  }
0x1c2: {  	v18 =	vshll.u32 v3, $0x2  }
0x1c3: {  	v3 =	vand.u32 $0x7, v3;
	v4 =	vand.u32 $0xFFFFFFE0, v18  }
0x1c4: {  	v3 =	vor.u32 v3, v4  }
0x1c5: {  	v4 =	vperm.xlane v3, v0;
	_ =	sdelay $0x1  }
0x1c6: {  	v4 =	vadd.s32 v1, v4;
	_ =	sdelay $0x1  }
0x1c7: {  	v3 =	vperm.xlane v3, v2;
	_ =	sdelay $0x1  }
0x1c8: {  	s16 =	simm.s32 $0xC200;
	v3 =	vadd.s32 v1, v3  }
0x1c9: {  	[hbm4b:s1+s5] =	stream.indirect_vreg.scatter [tilespmem:s16], [sflag:$0x4], $0x80, v4, vm0, $0xb8;
	[tilespmem:$0x19200] =	vst v63  }
0x1ca: {  	s22 =	simm.s32 $0xCA00  }
0x1cb: {  	[hbm4b:s11+s5] =	stream.indirect_vreg.scatter [tilespmem:s22], [sflag:$0x4], $0x80, v4, vm0, $0xb8;
	[tilespmem:$0x19200] =	vst v63  }
0x1cc: {  	s23 =	simm.s32 $0xD200  }
0x1cd: {  	[hbm4b:s1+s5] =	stream.indirect_vreg.scatter [tilespmem:s23], [sflag:$0x4], $0x80, v3, vm0, $0xb8;
	[tilespmem:$0x19200] =	vst v63  }
0x1ce: {  	s25 =	simm.s32 $0xDA00  }
0x1cf: {  	[hbm4b:s11+s5] =	stream.indirect_vreg.scatter [tilespmem:s25], [sflag:$0x4], $0x80, v3, vm0, $0xb8;
	[tilespmem:$0x19200] =	vst v63  }
0x1d0: {  	v3 =	vld [tilespmem:$0x70];
	_ =	sdelay $0x4  }
0x1d1: {  	v19 =	vshll.u32 v3, $0x2  }
0x1d2: {  	v3 =	vand.u32 $0x7, v3;
	v4 =	vand.u32 $0xFFFFFFE0, v19  }
0x1d3: {  	v3 =	vor.u32 v3, v4  }
0x1d4: {  	v4 =	vperm.xlane v3, v0;
	_ =	sdelay $0x1  }
0x1d5: {  	v4 =	vadd.s32 v1, v4;
	_ =	sdelay $0x1  }
0x1d6: {  	v3 =	vperm.xlane v3, v2;
	_ =	sdelay $0x1  }
0x1d7: {  	s26 =	simm.s32 $0xE200;
	v3 =	vadd.s32 v1, v3  }
0x1d8: {  	[hbm4b:s1+s5] =	stream.indirect_vreg.scatter [tilespmem:s26], [sflag:$0x4], $0x80, v4, vm0, $0xb8;
	[tilespmem:$0x19200] =	vst v63  }
0x1d9: {  	s28 =	simm.s32 $0xEA00  }
0x1da: {  	[hbm4b:s11+s5] =	stream.indirect_vreg.scatter [tilespmem:s28], [sflag:$0x4], $0x80, v4, vm0, $0xb8;
	[tilespmem:$0x19200] =	vst v63  }
0x1db: {  	s29 =	simm.s32 $0xF200  }
0x1dc: {  	[hbm4b:s1+s5] =	stream.indirect_vreg.scatter [tilespmem:s29], [sflag:$0x4], $0x80, v3, vm0, $0xb8;
	[tilespmem:$0x19200] =	vst v63  }
0x1dd: {  	s8 =	simm.s32 $0xFA00  }
0x1de: {  	[hbm4b:s11+s5] =	stream.indirect_vreg.scatter [tilespmem:s8], [sflag:$0x4], $0x80, v3, vm0, $0xb8;
	[tilespmem:$0x19200] =	vst v63  }
0x1df: {  	_ =	swait.ge [sflag:s17], $0x4000  }
0x1e0: {  	[sflag:s17] =	ssyncset.done $0x0  }
0x1e1: {  	[sflag:s17] =	ssyncadd.s32 $0xFFFFC000  }
0x1e2: {  	_ =	swait.ge [sflag:s19], $0x4000  }
0x1e3: {  	[sflag:s19] =	ssyncset.done $0x0  }
0x1e4: {  	[sflag:s19] =	ssyncadd.s32 $0xFFFFC000  }
0x1e5: {  	_ =	swait.ge [sflag:s4], $0x4000  }
0x1e6: {  	[sflag:s4] =	ssyncset.done $0x0  }
0x1e7: {  	[sflag:s4] =	ssyncadd.s32 $0xFFFFC000  }
0x1e8: {  	_ =	swait.ge [sflag:s7], $0x4000  }
0x1e9: {  	[sflag:s7] =	ssyncset.done $0x0  }
0x1ea: {  	[sflag:s7] =	ssyncadd.s32 $0xFFFFC000  }
0x1eb: {  	v3 =	vld [tilespmem:$0xC0];
	_ =	sdelay $0x4  }
0x1ec: {  	v20 =	vshll.u32 v3, $0x2  }
0x1ed: {  	v3 =	vand.u32 $0x7, v3;
	v4 =	vand.u32 $0xFFFFFFE0, v20  }
0x1ee: {  	v3 =	vor.u32 v3, v4  }
0x1ef: {  	v4 =	vperm.xlane v3, v0;
	_ =	sdelay $0x1  }
0x1f0: {  	v4 =	vadd.s32 v1, v4;
	_ =	sdelay $0x1  }
0x1f1: {  	v3 =	vperm.xlane v3, v2;
	_ =	sdelay $0x1  }
0x1f2: {  	v3 =	vadd.s32 v1, v3  }
0x1f3: {  	[tilespmem:s18], [sflag:$0x1] =	stream.indirect_vreg.gather [hbm4b:s0+s5], $0x80, v4, vm0, $0xb8;
	[tilespmem:$0x19200] =	vst v63  }
0x1f4: {  	s22 =	simm.s32 $0xA00  }
0x1f5: {  	[tilespmem:s22], [sflag:$0x1] =	stream.indirect_vreg.gather [hbm4b:s10+s5], $0x80, v4, vm0, $0xb8;
	[tilespmem:$0x19200] =	vst v63  }
0x1f6: {  	s9 =	simm.s32 $0x1200  }
0x1f7: {  	[tilespmem:s9], [sflag:$0x1] =	stream.indirect_vreg.gather [hbm4b:s0+s5], $0x80, v3, vm0, $0xb8;
	[tilespmem:$0x19200] =	vst v63  }
0x1f8: {  	s30 =	simm.s32 $0x1A00  }
0x1f9: {  	[tilespmem:s30], [sflag:$0x1] =	stream.indirect_vreg.gather [hbm4b:s10+s5], $0x80, v3, vm0, $0xb8;
	[tilespmem:$0x19200] =	vst v63  }
0x1fa: {  	v3 =	vld [tilespmem:$0xD0];
	_ =	sdelay $0x4  }
0x1fb: {  	v21 =	vshll.u32 v3, $0x2  }
0x1fc: {  	v3 =	vand.u32 $0x7, v3;
	v4 =	vand.u32 $0xFFFFFFE0, v21  }
0x1fd: {  	v3 =	vor.u32 v3, v4  }
0x1fe: {  	v4 =	vperm.xlane v3, v0;
	_ =	sdelay $0x1  }
0x1ff: {  	v4 =	vadd.s32 v1, v4;
	_ =	sdelay $0x1  }
0x200: {  	v3 =	vperm.xlane v3, v2;
	_ =	sdelay $0x1  }
0x201: {  	s2 =	simm.s32 $0x2200;
	v3 =	vadd.s32 v1, v3  }
0x202: {  	[tilespmem:s2], [sflag:$0x1] =	stream.indirect_vreg.gather [hbm4b:s0+s5], $0x80, v4, vm0, $0xb8;
	[tilespmem:$0x19200] =	vst v63  }
0x203: {  	s13 =	simm.s32 $0x2A00  }
0x204: {  	[tilespmem:s13], [sflag:$0x1] =	stream.indirect_vreg.gather [hbm4b:s10+s5], $0x80, v4, vm0, $0xb8;
	[tilespmem:$0x19200] =	vst v63  }
0x205: {  	s12 =	simm.s32 $0x3200  }
0x206: {  	[tilespmem:s12], [sflag:$0x1] =	stream.indirect_vreg.gather [hbm4b:s0+s5], $0x80, v3, vm0, $0xb8;
	[tilespmem:$0x19200] =	vst v63  }
0x207: {  	s23 =	simm.s32 $0x3A00;
	s13 =	sld [smem:$0x7E1]  }
0x208: {  	[tilespmem:s23], [sflag:$0x1] =	stream.indirect_vreg.gather [hbm4b:s10+s5], $0x80, v3, vm0, $0xb8;
	[tilespmem:$0x19200] =	vst v63  }
0x209: {  	s25 =	sld [smem:$0x7E2]  }
0x20a: {  	[tilespmem:s16], [sflag:$0x3] =	stream.linear.gather [hbm4b:s13+s5], $0x4000, $0x38;
	[tilespmem:$0x19200] =	vst v63  }
0x20b: {  	s26 =	simm.s32 $0x4200  }
0x20c: {  	[hbm4b:s25+s5] =	stream.linear.scatter [tilespmem:s26], [sflag:$0x2], $0x4000, $0x38;
	[tilespmem:$0x19200] =	vst v63  }
0x20d: {  	v3 =	vld [tilespmem:$0x80];
	_ =	sdelay $0x4  }
0x20e: {  	v22 =	vshll.u32 v3, $0x2  }
0x20f: {  	v3 =	vand.u32 $0x7, v3;
	v4 =	vand.u32 $0xFFFFFFE0, v22  }
0x210: {  	v3 =	vor.u32 v3, v4  }
0x211: {  	v4 =	vperm.xlane v3, v0;
	_ =	sdelay $0x1  }
0x212: {  	v4 =	vadd.s32 v1, v4;
	_ =	sdelay $0x1  }
0x213: {  	v3 =	vperm.xlane v3, v2;
	_ =	sdelay $0x1  }
0x214: {  	s29 =	simm.s32 $0x10200;
	v3 =	vadd.s32 v1, v3  }
0x215: {  	[hbm4b:s1+s5] =	stream.indirect_vreg.scatter [tilespmem:s29], [sflag:$0x4], $0x80, v4, vm0, $0xb8;
	[tilespmem:$0x19200] =	vst v63  }
0x216: {  	s28 =	simm.s32 $0x10A00  }
0x217: {  	[hbm4b:s11+s5] =	stream.indirect_vreg.scatter [tilespmem:s28], [sflag:$0x4], $0x80, v4, vm0, $0xb8;
	[tilespmem:$0x19200] =	vst v63  }
0x218: {  	s25 =	simm.s32 $0x11200  }
0x219: {  	[hbm4b:s1+s5] =	stream.indirect_vreg.scatter [tilespmem:s25], [sflag:$0x4], $0x80, v3, vm0, $0xb8;
	[tilespmem:$0x19200] =	vst v63  }
0x21a: {  	s16 =	simm.s32 $0x11A00  }
0x21b: {  	[hbm4b:s11+s5] =	stream.indirect_vreg.scatter [tilespmem:s16], [sflag:$0x4], $0x80, v3, vm0, $0xb8;
	[tilespmem:$0x19200] =	vst v63  }
0x21c: {  	v3 =	vld [tilespmem:$0x90];
	_ =	sdelay $0x4  }
0x21d: {  	v23 =	vshll.u32 v3, $0x2  }
0x21e: {  	v3 =	vand.u32 $0x7, v3;
	v4 =	vand.u32 $0xFFFFFFE0, v23  }
0x21f: {  	v3 =	vor.u32 v3, v4  }
0x220: {  	v4 =	vperm.xlane v3, v0;
	_ =	sdelay $0x1  }
0x221: {  	v4 =	vadd.s32 v1, v4;
	_ =	sdelay $0x1  }
0x222: {  	v3 =	vperm.xlane v3, v2;
	_ =	sdelay $0x1  }
0x223: {  	s30 =	simm.s32 $0x12200;
	v3 =	vadd.s32 v1, v3  }
0x224: {  	[hbm4b:s1+s5] =	stream.indirect_vreg.scatter [tilespmem:s30], [sflag:$0x4], $0x80, v4, vm0, $0xb8;
	[tilespmem:$0x19200] =	vst v63  }
0x225: {  	s8 =	simm.s32 $0x12A00  }
0x226: {  	[hbm4b:s11+s5] =	stream.indirect_vreg.scatter [tilespmem:s8], [sflag:$0x4], $0x80, v4, vm0, $0xb8;
	[tilespmem:$0x19200] =	vst v63  }
0x227: {  	s23 =	simm.s32 $0x13200  }
0x228: {  	[hbm4b:s1+s5] =	stream.indirect_vreg.scatter [tilespmem:s23], [sflag:$0x4], $0x80, v3, vm0, $0xb8;
	[tilespmem:$0x19200] =	vst v63  }
0x229: {  	s12 =	simm.s32 $0x13A00  }
0x22a: {  	[hbm4b:s11+s5] =	stream.indirect_vreg.scatter [tilespmem:s12], [sflag:$0x4], $0x80, v3, vm0, $0xb8;
	[tilespmem:$0x19200] =	vst v63  }
0x22b: {  	_ =	swait.ge [sflag:s17], $0x4000  }
0x22c: {  	[sflag:s17] =	ssyncset.done $0x0  }
0x22d: {  	[sflag:s17] =	ssyncadd.s32 $0xFFFFC000  }
0x22e: {  	_ =	swait.ge [sflag:s19], $0x4000  }
0x22f: {  	[sflag:s19] =	ssyncset.done $0x0  }
0x230: {  	[sflag:s19] =	ssyncadd.s32 $0xFFFFC000  }
0x231: {  	_ =	swait.ge [sflag:s4], $0x4000  }
0x232: {  	[sflag:s4] =	ssyncset.done $0x0  }
0x233: {  	[sflag:s4] =	ssyncadd.s32 $0xFFFFC000  }
0x234: {  	_ =	swait.ge [sflag:s7], $0x4000  }
0x235: {  	[sflag:s7] =	ssyncset.done $0x0  }
0x236: {  	[sflag:s7] =	ssyncadd.s32 $0xFFFFC000  }
0x237: {  	v3 =	vld [tilespmem:$0xE0];
	_ =	sdelay $0x4  }
0x238: {  	v24 =	vshll.u32 v3, $0x2  }
0x239: {  	v3 =	vand.u32 $0x7, v3;
	v4 =	vand.u32 $0xFFFFFFE0, v24  }
0x23a: {  	v3 =	vor.u32 v3, v4  }
0x23b: {  	v4 =	vperm.xlane v3, v0;
	_ =	sdelay $0x1  }
0x23c: {  	v4 =	vadd.s32 v1, v4;
	_ =	sdelay $0x1  }
0x23d: {  	v3 =	vperm.xlane v3, v2;
	_ =	sdelay $0x1  }
0x23e: {  	v3 =	vadd.s32 v1, v3  }
0x23f: {  	[tilespmem:s26], [sflag:$0x1] =	stream.indirect_vreg.gather [hbm4b:s0+s5], $0x80, v4, vm0, $0xb8;
	[tilespmem:$0x19200] =	vst v63  }
0x240: {  	s6 =	simm.s32 $0x4A00  }
0x241: {  	[tilespmem:s6], [sflag:$0x1] =	stream.indirect_vreg.gather [hbm4b:s10+s5], $0x80, v4, vm0, $0xb8;
	[tilespmem:$0x19200] =	vst v63  }
0x242: {  	s13 =	simm.s32 $0x5200  }
0x243: {  	[tilespmem:s13], [sflag:$0x1] =	stream.indirect_vreg.gather [hbm4b:s0+s5], $0x80, v3, vm0, $0xb8;
	[tilespmem:$0x19200] =	vst v63  }
0x244: {  	s9 =	simm.s32 $0x5A00  }
0x245: {  	[tilespmem:s9], [sflag:$0x1] =	stream.indirect_vreg.gather [hbm4b:s10+s5], $0x80, v3, vm0, $0xb8;
	[tilespmem:$0x19200] =	vst v63  }
0x246: {  	v3 =	vld [tilespmem:$0xF0];
	_ =	sdelay $0x4  }
0x247: {  	v25 =	vshll.u32 v3, $0x2  }
0x248: {  	v3 =	vand.u32 $0x7, v3;
	v4 =	vand.u32 $0xFFFFFFE0, v25  }
0x249: {  	v3 =	vor.u32 v3, v4  }
0x24a: {  	v4 =	vperm.xlane v3, v0;
	_ =	sdelay $0x1  }
0x24b: {  	v4 =	vadd.s32 v1, v4;
	_ =	sdelay $0x1  }
0x24c: {  	v3 =	vperm.xlane v3, v2;
	_ =	sdelay $0x1  }
0x24d: {  	s26 =	simm.s32 $0x6200;
	v3 =	vadd.s32 v1, v3  }
0x24e: {  	[tilespmem:s26], [sflag:$0x1] =	stream.indirect_vreg.gather [hbm4b:s0+s5], $0x80, v4, vm0, $0xb8;
	[tilespmem:$0x19200] =	vst v63  }
0x24f: {  	s28 =	simm.s32 $0x6A00  }
0x250: {  	[tilespmem:s28], [sflag:$0x1] =	stream.indirect_vreg.gather [hbm4b:s10+s5], $0x80, v4, vm0, $0xb8;
	[tilespmem:$0x19200] =	vst v63  }
0x251: {  	s30 =	simm.s32 $0x7200  }
0x252: {  	[tilespmem:s30], [sflag:$0x1] =	stream.indirect_vreg.gather [hbm4b:s0+s5], $0x80, v3, vm0, $0xb8;
	[tilespmem:$0x19200] =	vst v63  }
0x253: {  	s3 =	sld [smem:$0x7E3];
	s6 =	simm.s32 $0x7A00  }
0x254: {  	[tilespmem:s6], [sflag:$0x1] =	stream.indirect_vreg.gather [hbm4b:s10+s5], $0x80, v3, vm0, $0xb8;
	[tilespmem:$0x19200] =	vst v63  }
0x255: {  	s9 =	sld [smem:$0x7E4]  }
0x256: {  	[tilespmem:s29], [sflag:$0x3] =	stream.linear.gather [hbm4b:s3+s5], $0x4000, $0x38;
	[tilespmem:$0x19200] =	vst v63  }
0x257: {  	s3 =	simm.s32 $0x8200  }
0x258: {  	[hbm4b:s9+s5] =	stream.linear.scatter [tilespmem:s3], [sflag:$0x2], $0x4000, $0x38;
	[tilespmem:$0x19200] =	vst v63  }
0x259: {  	v3 =	vld [tilespmem:$0xA0];
	_ =	sdelay $0x4  }
0x25a: {  	v26 =	vshll.u32 v3, $0x2  }
0x25b: {  	v3 =	vand.u32 $0x7, v3;
	v4 =	vand.u32 $0xFFFFFFE0, v26  }
0x25c: {  	v3 =	vor.u32 v3, v4  }
0x25d: {  	v4 =	vperm.xlane v3, v0;
	_ =	sdelay $0x1  }
0x25e: {  	v4 =	vadd.s32 v1, v4;
	_ =	sdelay $0x1  }
0x25f: {  	v3 =	vperm.xlane v3, v2;
	_ =	sdelay $0x1  }
0x260: {  	s2 =	simm.s32 $0x14200;
	v3 =	vadd.s32 v1, v3  }
0x261: {  	[hbm4b:s1+s5] =	stream.indirect_vreg.scatter [tilespmem:s2], [sflag:$0x4], $0x80, v4, vm0, $0xb8;
	[tilespmem:$0x19200] =	vst v63  }
0x262: {  	s29 =	simm.s32 $0x14A00  }
0x263: {  	[hbm4b:s11+s5] =	stream.indirect_vreg.scatter [tilespmem:s29], [sflag:$0x4], $0x80, v4, vm0, $0xb8;
	[tilespmem:$0x19200] =	vst v63  }
0x264: {  	s30 =	simm.s32 $0x15200  }
0x265: {  	[hbm4b:s1+s5] =	stream.indirect_vreg.scatter [tilespmem:s30], [sflag:$0x4], $0x80, v3, vm0, $0xb8;
	[tilespmem:$0x19200] =	vst v63  }
0x266: {  	s31 =	simm.s32 $0x15A00  }
0x267: {  	[hbm4b:s11+s5] =	stream.indirect_vreg.scatter [tilespmem:s31], [sflag:$0x4], $0x80, v3, vm0, $0xb8;
	[tilespmem:$0x19200] =	vst v63  }
0x268: {  	v3 =	vld [tilespmem:$0xB0];
	_ =	sdelay $0x4  }
0x269: {  	v27 =	vshll.u32 v3, $0x2  }
0x26a: {  	v3 =	vand.u32 $0x7, v3;
	v4 =	vand.u32 $0xFFFFFFE0, v27  }
0x26b: {  	v3 =	vor.u32 v3, v4  }
0x26c: {  	v4 =	vperm.xlane v3, v0;
	_ =	sdelay $0x1  }
0x26d: {  	v4 =	vadd.s32 v1, v4;
	_ =	sdelay $0x1  }
0x26e: {  	v3 =	vperm.xlane v3, v2;
	_ =	sdelay $0x1  }
0x26f: {  	s31 =	simm.s32 $0x16200;
	v3 =	vadd.s32 v1, v3  }
0x270: {  	[hbm4b:s1+s5] =	stream.indirect_vreg.scatter [tilespmem:s31], [sflag:$0x4], $0x80, v4, vm0, $0xb8;
	[tilespmem:$0x19200] =	vst v63  }
0x271: {  	s26 =	simm.s32 $0x16A00  }
0x272: {  	[hbm4b:s11+s5] =	stream.indirect_vreg.scatter [tilespmem:s26], [sflag:$0x4], $0x80, v4, vm0, $0xb8;
	[tilespmem:$0x19200] =	vst v63  }
0x273: {  	s28 =	simm.s32 $0x17200  }
0x274: {  	[hbm4b:s1+s5] =	stream.indirect_vreg.scatter [tilespmem:s28], [sflag:$0x4], $0x80, v3, vm0, $0xb8;
	[tilespmem:$0x19200] =	vst v63  }
0x275: {  	s9 =	simm.s32 $0x17A00  }
0x276: {  	[hbm4b:s11+s5] =	stream.indirect_vreg.scatter [tilespmem:s9], [sflag:$0x4], $0x80, v3, vm0, $0xb8;
	[tilespmem:$0x19200] =	vst v63  }
0x277: {  	_ =	swait.ge [sflag:s17], $0x4000  }
0x278: {  	[sflag:s17] =	ssyncset.done $0x0  }
0x279: {  	[sflag:s17] =	ssyncadd.s32 $0xFFFFC000  }
0x27a: {  	_ =	swait.ge [sflag:s19], $0x4000  }
0x27b: {  	[sflag:s19] =	ssyncset.done $0x0  }
0x27c: {  	[sflag:s19] =	ssyncadd.s32 $0xFFFFC000  }
0x27d: {  	_ =	swait.ge [sflag:s4], $0x4000  }
0x27e: {  	[sflag:s4] =	ssyncset.done $0x0  }
0x27f: {  	[sflag:s4] =	ssyncadd.s32 $0xFFFFC000  }
0x280: {  	_ =	swait.ge [sflag:s7], $0x4000  }
0x281: {  	[sflag:s7] =	ssyncset.done $0x0  }
0x282: {  	[sflag:s7] =	ssyncadd.s32 $0xFFFFC000  }
0x283: {  	v3 =	vld [tilespmem:$0x100];
	_ =	sdelay $0x4  }
0x284: {  	v28 =	vshll.u32 v3, $0x2  }
0x285: {  	v3 =	vand.u32 $0x7, v3;
	v4 =	vand.u32 $0xFFFFFFE0, v28  }
0x286: {  	v3 =	vor.u32 v3, v4  }
0x287: {  	v4 =	vperm.xlane v3, v0;
	_ =	sdelay $0x1  }
0x288: {  	v4 =	vadd.s32 v1, v4;
	_ =	sdelay $0x1  }
0x289: {  	v3 =	vperm.xlane v3, v2;
	_ =	sdelay $0x1  }
0x28a: {  	v3 =	vadd.s32 v1, v3  }
0x28b: {  	[tilespmem:s3], [sflag:$0x1] =	stream.indirect_vreg.gather [hbm4b:s0+s5], $0x80, v4, vm0, $0xb8;
	[tilespmem:$0x19200] =	vst v63  }
0x28c: {  	_ = 	snop  }
0x28d: {  	[tilespmem:s14], [sflag:$0x1] =	stream.indirect_vreg.gather [hbm4b:s10+s5], $0x80, v4, vm0, $0xb8;
	[tilespmem:$0x19200] =	vst v63  }
0x28e: {  	_ = 	snop  }
0x28f: {  	[tilespmem:s15], [sflag:$0x1] =	stream.indirect_vreg.gather [hbm4b:s0+s5], $0x80, v3, vm0, $0xb8;
	[tilespmem:$0x19200] =	vst v63  }
0x290: {  	s15 =	simm.s32 $0x9A00  }
0x291: {  	[tilespmem:s15], [sflag:$0x1] =	stream.indirect_vreg.gather [hbm4b:s10+s5], $0x80, v3, vm0, $0xb8;
	[tilespmem:$0x19200] =	vst v63  }
0x292: {  	v3 =	vld [tilespmem:$0x110];
	_ =	sdelay $0x4  }
0x293: {  	v29 =	vshll.u32 v3, $0x2  }
0x294: {  	v3 =	vand.u32 $0x7, v3;
	v4 =	vand.u32 $0xFFFFFFE0, v29  }
0x295: {  	v3 =	vor.u32 v3, v4  }
0x296: {  	v4 =	vperm.xlane v3, v0;
	_ =	sdelay $0x1  }
0x297: {  	v4 =	vadd.s32 v1, v4;
	_ =	sdelay $0x1  }
0x298: {  	v3 =	vperm.xlane v3, v2;
	_ =	sdelay $0x1  }
0x299: {  	v3 =	vadd.s32 v1, v3  }
0x29a: {  	[tilespmem:s21], [sflag:$0x1] =	stream.indirect_vreg.gather [hbm4b:s0+s5], $0x80, v4, vm0, $0xb8;
	[tilespmem:$0x19200] =	vst v63  }
0x29b: {  	_ = 	snop  }
0x29c: {  	[tilespmem:s24], [sflag:$0x1] =	stream.indirect_vreg.gather [hbm4b:s10+s5], $0x80, v4, vm0, $0xb8;
	[tilespmem:$0x19200] =	vst v63  }
0x29d: {  	s9 =	simm.s32 $0xB200  }
0x29e: {  	[tilespmem:s9], [sflag:$0x1] =	stream.indirect_vreg.gather [hbm4b:s0+s5], $0x80, v3, vm0, $0xb8;
	[tilespmem:$0x19200] =	vst v63  }
0x29f: {  	s28 =	simm.s32 $0xBA00;
	s24 =	sld [smem:$0x7E5]  }
0x2a0: {  	[tilespmem:s28], [sflag:$0x1] =	stream.indirect_vreg.gather [hbm4b:s10+s5], $0x80, v3, vm0, $0xb8;
	[tilespmem:$0x19200] =	vst v63  }
0x2a1: {  	s14 =	sld [smem:$0x7E6]  }
0x2a2: {  	[tilespmem:s2], [sflag:$0x3] =	stream.linear.gather [hbm4b:s24+s5], $0x4000, $0x38;
	[tilespmem:$0x19200] =	vst v63  }
0x2a3: {  	_ = 	snop  }
0x2a4: {  	[hbm4b:s14+s5] =	stream.linear.scatter [tilespmem:s18], [sflag:$0x2], $0x4000, $0x38;
	[tilespmem:$0x19200] =	vst v63  }
0x2a5: {  	v3 =	vld [tilespmem:$0xC0];
	_ =	sdelay $0x4  }
0x2a6: {  	v30 =	vshll.u32 v3, $0x2  }
0x2a7: {  	v3 =	vand.u32 $0x7, v3;
	v4 =	vand.u32 $0xFFFFFFE0, v30  }
0x2a8: {  	v3 =	vor.u32 v3, v4  }
0x2a9: {  	v4 =	vperm.xlane v3, v0;
	_ =	sdelay $0x1  }
0x2aa: {  	v4 =	vadd.s32 v1, v4;
	_ =	sdelay $0x1  }
0x2ab: {  	v3 =	vperm.xlane v3, v2;
	_ =	sdelay $0x1  }
0x2ac: {  	s2 =	simm.s32 $0xC200;
	v3 =	vadd.s32 v1, v3  }
0x2ad: {  	[hbm4b:s1+s5] =	stream.indirect_vreg.scatter [tilespmem:s2], [sflag:$0x4], $0x80, v4, vm0, $0xb8;
	[tilespmem:$0x19200] =	vst v63  }
0x2ae: {  	s21 =	simm.s32 $0xCA00  }
0x2af: {  	[hbm4b:s11+s5] =	stream.indirect_vreg.scatter [tilespmem:s21], [sflag:$0x4], $0x80, v4, vm0, $0xb8;
	[tilespmem:$0x19200] =	vst v63  }
0x2b0: {  	s24 =	simm.s32 $0xD200  }
0x2b1: {  	[hbm4b:s1+s5] =	stream.indirect_vreg.scatter [tilespmem:s24], [sflag:$0x4], $0x80, v3, vm0, $0xb8;
	[tilespmem:$0x19200] =	vst v63  }
0x2b2: {  	s26 =	simm.s32 $0xDA00  }
0x2b3: {  	[hbm4b:s11+s5] =	stream.indirect_vreg.scatter [tilespmem:s26], [sflag:$0x4], $0x80, v3, vm0, $0xb8;
	[tilespmem:$0x19200] =	vst v63  }
0x2b4: {  	v3 =	vld [tilespmem:$0xD0];
	_ =	sdelay $0x4  }
0x2b5: {  	v31 =	vshll.u32 v3, $0x2  }
0x2b6: {  	v3 =	vand.u32 $0x7, v3;
	v4 =	vand.u32 $0xFFFFFFE0, v31  }
0x2b7: {  	v3 =	vor.u32 v3, v4  }
0x2b8: {  	v4 =	vperm.xlane v3, v0;
	_ =	sdelay $0x1  }
0x2b9: {  	v4 =	vadd.s32 v1, v4;
	_ =	sdelay $0x1  }
0x2ba: {  	v3 =	vperm.xlane v3, v2;
	_ =	sdelay $0x1  }
0x2bb: {  	s28 =	simm.s32 $0xE200;
	v3 =	vadd.s32 v1, v3  }
0x2bc: {  	[hbm4b:s1+s5] =	stream.indirect_vreg.scatter [tilespmem:s28], [sflag:$0x4], $0x80, v4, vm0, $0xb8;
	[tilespmem:$0x19200] =	vst v63  }
0x2bd: {  	s14 =	simm.s32 $0xEA00  }
0x2be: {  	[hbm4b:s11+s5] =	stream.indirect_vreg.scatter [tilespmem:s14], [sflag:$0x4], $0x80, v4, vm0, $0xb8;
	[tilespmem:$0x19200] =	vst v63  }
0x2bf: {  	s21 =	simm.s32 $0xF200  }
0x2c0: {  	[hbm4b:s1+s5] =	stream.indirect_vreg.scatter [tilespmem:s21], [sflag:$0x4], $0x80, v3, vm0, $0xb8;
	[tilespmem:$0x19200] =	vst v63  }
0x2c1: {  	s24 =	simm.s32 $0xFA00  }
0x2c2: {  	[hbm4b:s11+s5] =	stream.indirect_vreg.scatter [tilespmem:s24], [sflag:$0x4], $0x80, v3, vm0, $0xb8;
	[tilespmem:$0x19200] =	vst v63  }
0x2c3: {  	_ =	swait.ge [sflag:s17], $0x4000  }
0x2c4: {  	[sflag:s17] =	ssyncset.done $0x0  }
0x2c5: {  	[sflag:s17] =	ssyncadd.s32 $0xFFFFC000  }
0x2c6: {  	_ =	swait.ge [sflag:s19], $0x4000  }
0x2c7: {  	[sflag:s19] =	ssyncset.done $0x0  }
0x2c8: {  	[sflag:s19] =	ssyncadd.s32 $0xFFFFC000  }
0x2c9: {  	_ =	swait.ge [sflag:s4], $0x4000  }
0x2ca: {  	[sflag:s4] =	ssyncset.done $0x0  }
0x2cb: {  	[sflag:s4] =	ssyncadd.s32 $0xFFFFC000  }
0x2cc: {  	_ =	swait.ge [sflag:s7], $0x4000  }
0x2cd: {  	[sflag:s7] =	ssyncset.done $0x0  }
0x2ce: {  	[sflag:s7] =	ssyncadd.s32 $0xFFFFC000  }
0x2cf: {  	v3 =	vld [tilespmem:$0x120];
	_ =	sdelay $0x4  }
0x2d0: {  	v32 =	vshll.u32 v3, $0x2  }
0x2d1: {  	v3 =	vand.u32 $0x7, v3;
	v4 =	vand.u32 $0xFFFFFFE0, v32  }
0x2d2: {  	v3 =	vor.u32 v3, v4  }
0x2d3: {  	v4 =	vperm.xlane v3, v0;
	_ =	sdelay $0x1  }
0x2d4: {  	v4 =	vadd.s32 v1, v4;
	_ =	sdelay $0x1  }
0x2d5: {  	v3 =	vperm.xlane v3, v2;
	_ =	sdelay $0x1  }
0x2d6: {  	v3 =	vadd.s32 v1, v3  }
0x2d7: {  	[tilespmem:s18], [sflag:$0x1] =	stream.indirect_vreg.gather [hbm4b:s0+s5], $0x80, v4, vm0, $0xb8;
	[tilespmem:$0x19200] =	vst v63  }
0x2d8: {  	_ = 	snop  }
0x2d9: {  	[tilespmem:s22], [sflag:$0x1] =	stream.indirect_vreg.gather [hbm4b:s10+s5], $0x80, v4, vm0, $0xb8;
	[tilespmem:$0x19200] =	vst v63  }
0x2da: {  	s26 =	simm.s32 $0x1200  }
0x2db: {  	[tilespmem:s26], [sflag:$0x1] =	stream.indirect_vreg.gather [hbm4b:s0+s5], $0x80, v3, vm0, $0xb8;
	[tilespmem:$0x19200] =	vst v63  }
0x2dc: {  	s14 =	simm.s32 $0x1A00  }
0x2dd: {  	[tilespmem:s14], [sflag:$0x1] =	stream.indirect_vreg.gather [hbm4b:s10+s5], $0x80, v3, vm0, $0xb8;
	[tilespmem:$0x19200] =	vst v63  }
0x2de: {  	v3 =	vld [tilespmem:$0x130];
	_ =	sdelay $0x4  }
0x2df: {  	v33 =	vshll.u32 v3, $0x2  }
0x2e0: {  	v3 =	vand.u32 $0x7, v3;
	v4 =	vand.u32 $0xFFFFFFE0, v33  }
0x2e1: {  	v3 =	vor.u32 v3, v4  }
0x2e2: {  	v4 =	vperm.xlane v3, v0;
	_ =	sdelay $0x1  }
0x2e3: {  	v4 =	vadd.s32 v1, v4;
	_ =	sdelay $0x1  }
0x2e4: {  	v3 =	vperm.xlane v3, v2;
	_ =	sdelay $0x1  }
0x2e5: {  	s21 =	simm.s32 $0x2200;
	v3 =	vadd.s32 v1, v3  }
0x2e6: {  	[tilespmem:s21], [sflag:$0x1] =	stream.indirect_vreg.gather [hbm4b:s0+s5], $0x80, v4, vm0, $0xb8;
	[tilespmem:$0x19200] =	vst v63  }
0x2e7: {  	s22 =	simm.s32 $0x2A00  }
0x2e8: {  	[tilespmem:s22], [sflag:$0x1] =	stream.indirect_vreg.gather [hbm4b:s10+s5], $0x80, v4, vm0, $0xb8;
	[tilespmem:$0x19200] =	vst v63  }
0x2e9: {  	s24 =	simm.s32 $0x3200  }
0x2ea: {  	[tilespmem:s24], [sflag:$0x1] =	stream.indirect_vreg.gather [hbm4b:s0+s5], $0x80, v3, vm0, $0xb8;
	[tilespmem:$0x19200] =	vst v63  }
0x2eb: {  	s28 =	simm.s32 $0x3A00;
	s26 =	sld [smem:$0x7E7]  }
0x2ec: {  	[tilespmem:s28], [sflag:$0x1] =	stream.indirect_vreg.gather [hbm4b:s10+s5], $0x80, v3, vm0, $0xb8;
	[tilespmem:$0x19200] =	vst v63  }
0x2ed: {  	s3 =	sld [smem:$0x7E8]  }
0x2ee: {  	[tilespmem:s2], [sflag:$0x3] =	stream.linear.gather [hbm4b:s26+s5], $0x4000, $0x38;
	[tilespmem:$0x19200] =	vst v63  }
0x2ef: {  	s8 =	simm.s32 $0x4200  }
0x2f0: {  	[hbm4b:s3+s5] =	stream.linear.scatter [tilespmem:s8], [sflag:$0x2], $0x4000, $0x38;
	[tilespmem:$0x19200] =	vst v63  }
0x2f1: {  	v3 =	vld [tilespmem:$0xE0];
	_ =	sdelay $0x4  }
0x2f2: {  	v34 =	vshll.u32 v3, $0x2  }
0x2f3: {  	v3 =	vand.u32 $0x7, v3;
	v4 =	vand.u32 $0xFFFFFFE0, v34  }
0x2f4: {  	v3 =	vor.u32 v3, v4  }
0x2f5: {  	v4 =	vperm.xlane v3, v0;
	_ =	sdelay $0x1  }
0x2f6: {  	v4 =	vadd.s32 v1, v4;
	_ =	sdelay $0x1  }
0x2f7: {  	v3 =	vperm.xlane v3, v2;
	_ =	sdelay $0x1  }
0x2f8: {  	s3 =	simm.s32 $0x10200;
	v3 =	vadd.s32 v1, v3  }
0x2f9: {  	[hbm4b:s1+s5] =	stream.indirect_vreg.scatter [tilespmem:s3], [sflag:$0x4], $0x80, v4, vm0, $0xb8;
	[tilespmem:$0x19200] =	vst v63  }
0x2fa: {  	s28 =	simm.s32 $0x10A00  }
0x2fb: {  	[hbm4b:s11+s5] =	stream.indirect_vreg.scatter [tilespmem:s28], [sflag:$0x4], $0x80, v4, vm0, $0xb8;
	[tilespmem:$0x19200] =	vst v63  }
0x2fc: {  	_ = 	snop  }
0x2fd: {  	[hbm4b:s1+s5] =	stream.indirect_vreg.scatter [tilespmem:s25], [sflag:$0x4], $0x80, v3, vm0, $0xb8;
	[tilespmem:$0x19200] =	vst v63  }
0x2fe: {  	_ = 	snop  }
0x2ff: {  	[hbm4b:s11+s5] =	stream.indirect_vreg.scatter [tilespmem:s16], [sflag:$0x4], $0x80, v3, vm0, $0xb8;
	[tilespmem:$0x19200] =	vst v63  }
0x300: {  	v3 =	vld [tilespmem:$0xF0];
	_ =	sdelay $0x4  }
0x301: {  	v35 =	vshll.u32 v3, $0x2  }
0x302: {  	v3 =	vand.u32 $0x7, v3;
	v4 =	vand.u32 $0xFFFFFFE0, v35  }
0x303: {  	v3 =	vor.u32 v3, v4  }
0x304: {  	v4 =	vperm.xlane v3, v0;
	_ =	sdelay $0x1  }
0x305: {  	v4 =	vadd.s32 v1, v4;
	_ =	sdelay $0x1  }
0x306: {  	v3 =	vperm.xlane v3, v2;
	_ =	sdelay $0x1  }
0x307: {  	s26 =	simm.s32 $0x12200;
	v3 =	vadd.s32 v1, v3  }
0x308: {  	[hbm4b:s1+s5] =	stream.indirect_vreg.scatter [tilespmem:s26], [sflag:$0x4], $0x80, v4, vm0, $0xb8;
	[tilespmem:$0x19200] =	vst v63  }
0x309: {  	s28 =	simm.s32 $0x12A00  }
0x30a: {  	[hbm4b:s11+s5] =	stream.indirect_vreg.scatter [tilespmem:s28], [sflag:$0x4], $0x80, v4, vm0, $0xb8;
	[tilespmem:$0x19200] =	vst v63  }
0x30b: {  	_ = 	snop  }
0x30c: {  	[hbm4b:s1+s5] =	stream.indirect_vreg.scatter [tilespmem:s23], [sflag:$0x4], $0x80, v3, vm0, $0xb8;
	[tilespmem:$0x19200] =	vst v63  }
0x30d: {  	_ = 	snop  }
0x30e: {  	[hbm4b:s11+s5] =	stream.indirect_vreg.scatter [tilespmem:s12], [sflag:$0x4], $0x80, v3, vm0, $0xb8;
	[tilespmem:$0x19200] =	vst v63  }
0x30f: {  	_ =	swait.ge [sflag:s17], $0x4000  }
0x310: {  	[sflag:s17] =	ssyncset.done $0x0  }
0x311: {  	[sflag:s17] =	ssyncadd.s32 $0xFFFFC000  }
0x312: {  	_ =	swait.ge [sflag:s19], $0x4000  }
0x313: {  	[sflag:s19] =	ssyncset.done $0x0  }
0x314: {  	[sflag:s19] =	ssyncadd.s32 $0xFFFFC000  }
0x315: {  	_ =	swait.ge [sflag:s4], $0x4000  }
0x316: {  	[sflag:s4] =	ssyncset.done $0x0  }
0x317: {  	[sflag:s4] =	ssyncadd.s32 $0xFFFFC000  }
0x318: {  	_ =	swait.ge [sflag:s7], $0x4000  }
0x319: {  	[sflag:s7] =	ssyncset.done $0x0  }
0x31a: {  	[sflag:s7] =	ssyncadd.s32 $0xFFFFC000  }
0x31b: {  	v3 =	vld [tilespmem:$0x140];
	_ =	sdelay $0x4  }
0x31c: {  	v36 =	vshll.u32 v3, $0x2  }
0x31d: {  	v3 =	vand.u32 $0x7, v3;
	v4 =	vand.u32 $0xFFFFFFE0, v36  }
0x31e: {  	v3 =	vor.u32 v3, v4  }
0x31f: {  	v4 =	vperm.xlane v3, v0;
	_ =	sdelay $0x1  }
0x320: {  	v4 =	vadd.s32 v1, v4;
	_ =	sdelay $0x1  }
0x321: {  	v3 =	vperm.xlane v3, v2;
	_ =	sdelay $0x1  }
0x322: {  	v3 =	vadd.s32 v1, v3  }
0x323: {  	[tilespmem:s8], [sflag:$0x1] =	stream.indirect_vreg.gather [hbm4b:s0+s5], $0x80, v4, vm0, $0xb8;
	[tilespmem:$0x19200] =	vst v63  }
0x324: {  	s16 =	simm.s32 $0x4A00  }
0x325: {  	[tilespmem:s16], [sflag:$0x1] =	stream.indirect_vreg.gather [hbm4b:s10+s5], $0x80, v4, vm0, $0xb8;
	[tilespmem:$0x19200] =	vst v63  }
0x326: {  	_ = 	snop  }
0x327: {  	[tilespmem:s13], [sflag:$0x1] =	stream.indirect_vreg.gather [hbm4b:s0+s5], $0x80, v3, vm0, $0xb8;
	[tilespmem:$0x19200] =	vst v63  }
0x328: {  	s23 =	simm.s32 $0x5A00  }
0x329: {  	[tilespmem:s23], [sflag:$0x1] =	stream.indirect_vreg.gather [hbm4b:s10+s5], $0x80, v3, vm0, $0xb8;
	[tilespmem:$0x19200] =	vst v63  }
0x32a: {  	v3 =	vld [tilespmem:$0x150];
	_ =	sdelay $0x4  }
0x32b: {  	v37 =	vshll.u32 v3, $0x2  }
0x32c: {  	v3 =	vand.u32 $0x7, v3;
	v4 =	vand.u32 $0xFFFFFFE0, v37  }
0x32d: {  	v3 =	vor.u32 v3, v4  }
0x32e: {  	v4 =	vperm.xlane v3, v0;
	_ =	sdelay $0x1  }
0x32f: {  	v4 =	vadd.s32 v1, v4;
	_ =	sdelay $0x1  }
0x330: {  	v3 =	vperm.xlane v3, v2;
	_ =	sdelay $0x1  }
0x331: {  	s25 =	simm.s32 $0x6200;
	v3 =	vadd.s32 v1, v3  }
0x332: {  	[tilespmem:s25], [sflag:$0x1] =	stream.indirect_vreg.gather [hbm4b:s0+s5], $0x80, v4, vm0, $0xb8;
	[tilespmem:$0x19200] =	vst v63  }
0x333: {  	s26 =	simm.s32 $0x6A00  }
0x334: {  	[tilespmem:s26], [sflag:$0x1] =	stream.indirect_vreg.gather [hbm4b:s10+s5], $0x80, v4, vm0, $0xb8;
	[tilespmem:$0x19200] =	vst v63  }
0x335: {  	s28 =	simm.s32 $0x7200  }
0x336: {  	[tilespmem:s28], [sflag:$0x1] =	stream.indirect_vreg.gather [hbm4b:s0+s5], $0x80, v3, vm0, $0xb8;
	[tilespmem:$0x19200] =	vst v63  }
0x337: {  	s8 =	sld [smem:$0x7E9];
	s13 =	simm.s32 $0x7A00  }
0x338: {  	[tilespmem:s13], [sflag:$0x1] =	stream.indirect_vreg.gather [hbm4b:s10+s5], $0x80, v3, vm0, $0xb8;
	[tilespmem:$0x19200] =	vst v63  }
0x339: {  	s23 =	sld [smem:$0x7EA]  }
0x33a: {  	[tilespmem:s3], [sflag:$0x3] =	stream.linear.gather [hbm4b:s8+s5], $0x4000, $0x38;
	[tilespmem:$0x19200] =	vst v63  }
0x33b: {  	s6 =	simm.s32 $0x8200  }
0x33c: {  	[hbm4b:s23+s5] =	stream.linear.scatter [tilespmem:s6], [sflag:$0x2], $0x4000, $0x38;
	[tilespmem:$0x19200] =	vst v63  }
0x33d: {  	v3 =	vld [tilespmem:$0x100];
	_ =	sdelay $0x4  }
0x33e: {  	v38 =	vshll.u32 v3, $0x2  }
0x33f: {  	v3 =	vand.u32 $0x7, v3;
	v4 =	vand.u32 $0xFFFFFFE0, v38  }
0x340: {  	v3 =	vor.u32 v3, v4  }
0x341: {  	v4 =	vperm.xlane v3, v0;
	_ =	sdelay $0x1  }
0x342: {  	v4 =	vadd.s32 v1, v4;
	_ =	sdelay $0x1  }
0x343: {  	v3 =	vperm.xlane v3, v2;
	_ =	sdelay $0x1  }
0x344: {  	s2 =	simm.s32 $0x14200;
	v3 =	vadd.s32 v1, v3  }
0x345: {  	[hbm4b:s1+s5] =	stream.indirect_vreg.scatter [tilespmem:s2], [sflag:$0x4], $0x80, v4, vm0, $0xb8;
	[tilespmem:$0x19200] =	vst v63  }
0x346: {  	_ = 	snop  }
0x347: {  	[hbm4b:s11+s5] =	stream.indirect_vreg.scatter [tilespmem:s29], [sflag:$0x4], $0x80, v4, vm0, $0xb8;
	[tilespmem:$0x19200] =	vst v63  }
0x348: {  	_ = 	snop  }
0x349: {  	[hbm4b:s1+s5] =	stream.indirect_vreg.scatter [tilespmem:s30], [sflag:$0x4], $0x80, v3, vm0, $0xb8;
	[tilespmem:$0x19200] =	vst v63  }
0x34a: {  	s8 =	simm.s32 $0x15A00  }
0x34b: {  	[hbm4b:s11+s5] =	stream.indirect_vreg.scatter [tilespmem:s8], [sflag:$0x4], $0x80, v3, vm0, $0xb8;
	[tilespmem:$0x19200] =	vst v63  }
0x34c: {  	v3 =	vld [tilespmem:$0x110];
	_ =	sdelay $0x4  }
0x34d: {  	v39 =	vshll.u32 v3, $0x2  }
0x34e: {  	v3 =	vand.u32 $0x7, v3;
	v4 =	vand.u32 $0xFFFFFFE0, v39  }
0x34f: {  	v3 =	vor.u32 v3, v4  }
0x350: {  	v4 =	vperm.xlane v3, v0;
	_ =	sdelay $0x1  }
0x351: {  	v4 =	vadd.s32 v1, v4;
	_ =	sdelay $0x1  }
0x352: {  	v3 =	vperm.xlane v3, v2;
	_ =	sdelay $0x1  }
0x353: {  	v3 =	vadd.s32 v1, v3  }
0x354: {  	[hbm4b:s1+s5] =	stream.indirect_vreg.scatter [tilespmem:s31], [sflag:$0x4], $0x80, v4, vm0, $0xb8;
	[tilespmem:$0x19200] =	vst v63  }
0x355: {  	s31 =	simm.s32 $0x16A00  }
0x356: {  	[hbm4b:s11+s5] =	stream.indirect_vreg.scatter [tilespmem:s31], [sflag:$0x4], $0x80, v4, vm0, $0xb8;
	[tilespmem:$0x19200] =	vst v63  }
0x357: {  	s13 =	simm.s32 $0x17200  }
0x358: {  	[hbm4b:s1+s5] =	stream.indirect_vreg.scatter [tilespmem:s13], [sflag:$0x4], $0x80, v3, vm0, $0xb8;
	[tilespmem:$0x19200] =	vst v63  }
0x359: {  	s23 =	simm.s32 $0x17A00  }
0x35a: {  	[hbm4b:s11+s5] =	stream.indirect_vreg.scatter [tilespmem:s23], [sflag:$0x4], $0x80, v3, vm0, $0xb8;
	[tilespmem:$0x19200] =	vst v63  }
0x35b: {  	_ =	swait.ge [sflag:s17], $0x4000  }
0x35c: {  	[sflag:s17] =	ssyncset.done $0x0  }
0x35d: {  	[sflag:s17] =	ssyncadd.s32 $0xFFFFC000  }
0x35e: {  	_ =	swait.ge [sflag:s19], $0x4000  }
0x35f: {  	[sflag:s19] =	ssyncset.done $0x0  }
0x360: {  	[sflag:s19] =	ssyncadd.s32 $0xFFFFC000  }
0x361: {  	_ =	swait.ge [sflag:s4], $0x4000  }
0x362: {  	[sflag:s4] =	ssyncset.done $0x0  }
0x363: {  	[sflag:s4] =	ssyncadd.s32 $0xFFFFC000  }
0x364: {  	_ =	swait.ge [sflag:s7], $0x4000  }
0x365: {  	[sflag:s7] =	ssyncset.done $0x0  }
0x366: {  	[sflag:s7] =	ssyncadd.s32 $0xFFFFC000  }
0x367: {  	v3 =	vld [tilespmem:$0x160];
	_ =	sdelay $0x4  }
0x368: {  	v40 =	vshll.u32 v3, $0x2  }
0x369: {  	v3 =	vand.u32 $0x7, v3;
	v4 =	vand.u32 $0xFFFFFFE0, v40  }
0x36a: {  	v3 =	vor.u32 v3, v4  }
0x36b: {  	v4 =	vperm.xlane v3, v0;
	_ =	sdelay $0x1  }
0x36c: {  	v4 =	vadd.s32 v1, v4;
	_ =	sdelay $0x1  }
0x36d: {  	v3 =	vperm.xlane v3, v2;
	_ =	sdelay $0x1  }
0x36e: {  	v3 =	vadd.s32 v1, v3  }
0x36f: {  	[tilespmem:s6], [sflag:$0x1] =	stream.indirect_vreg.gather [hbm4b:s0+s5], $0x80, v4, vm0, $0xb8;
	[tilespmem:$0x19200] =	vst v63  }
0x370: {  	s3 =	simm.s32 $0x8A00  }
0x371: {  	[tilespmem:s3], [sflag:$0x1] =	stream.indirect_vreg.gather [hbm4b:s10+s5], $0x80, v4, vm0, $0xb8;
	[tilespmem:$0x19200] =	vst v63  }
0x372: {  	s26 =	simm.s32 $0x9200  }
0x373: {  	[tilespmem:s26], [sflag:$0x1] =	stream.indirect_vreg.gather [hbm4b:s0+s5], $0x80, v3, vm0, $0xb8;
	[tilespmem:$0x19200] =	vst v63  }
0x374: {  	_ = 	snop  }
0x375: {  	[tilespmem:s15], [sflag:$0x1] =	stream.indirect_vreg.gather [hbm4b:s10+s5], $0x80, v3, vm0, $0xb8;
	[tilespmem:$0x19200] =	vst v63  }
0x376: {  	v3 =	vld [tilespmem:$0x170];
	_ =	sdelay $0x4  }
0x377: {  	v41 =	vshll.u32 v3, $0x2  }
0x378: {  	v3 =	vand.u32 $0x7, v3;
	v4 =	vand.u32 $0xFFFFFFE0, v41  }
0x379: {  	v3 =	vor.u32 v3, v4  }
0x37a: {  	v4 =	vperm.xlane v3, v0;
	_ =	sdelay $0x1  }
0x37b: {  	v4 =	vadd.s32 v1, v4;
	_ =	sdelay $0x1  }
0x37c: {  	v3 =	vperm.xlane v3, v2;
	_ =	sdelay $0x1  }
0x37d: {  	s28 =	simm.s32 $0xA200;
	v3 =	vadd.s32 v1, v3  }
0x37e: {  	[tilespmem:s28], [sflag:$0x1] =	stream.indirect_vreg.gather [hbm4b:s0+s5], $0x80, v4, vm0, $0xb8;
	[tilespmem:$0x19200] =	vst v63  }
0x37f: {  	s29 =	simm.s32 $0xAA00  }
0x380: {  	[tilespmem:s29], [sflag:$0x1] =	stream.indirect_vreg.gather [hbm4b:s10+s5], $0x80, v4, vm0, $0xb8;
	[tilespmem:$0x19200] =	vst v63  }
0x381: {  	_ = 	snop  }
0x382: {  	[tilespmem:s9], [sflag:$0x1] =	stream.indirect_vreg.gather [hbm4b:s0+s5], $0x80, v3, vm0, $0xb8;
	[tilespmem:$0x19200] =	vst v63  }
0x383: {  	s30 =	sld [smem:$0x7EB];
	s9 =	simm.s32 $0xBA00  }
0x384: {  	[tilespmem:s9], [sflag:$0x1] =	stream.indirect_vreg.gather [hbm4b:s10+s5], $0x80, v3, vm0, $0xb8;
	[tilespmem:$0x19200] =	vst v63  }
0x385: {  	s13 =	sld [smem:$0x7EC]  }
0x386: {  	[tilespmem:s2], [sflag:$0x3] =	stream.linear.gather [hbm4b:s30+s5], $0x4000, $0x38;
	[tilespmem:$0x19200] =	vst v63  }
0x387: {  	_ = 	snop  }
0x388: {  	[hbm4b:s13+s5] =	stream.linear.scatter [tilespmem:s18], [sflag:$0x2], $0x4000, $0x38;
	[tilespmem:$0x19200] =	vst v63  }
0x389: {  	v3 =	vld [tilespmem:$0x120];
	_ =	sdelay $0x4  }
0x38a: {  	v42 =	vshll.u32 v3, $0x2  }
0x38b: {  	v3 =	vand.u32 $0x7, v3;
	v4 =	vand.u32 $0xFFFFFFE0, v42  }
0x38c: {  	v3 =	vor.u32 v3, v4  }
0x38d: {  	v4 =	vperm.xlane v3, v0;
	_ =	sdelay $0x1  }
0x38e: {  	v4 =	vadd.s32 v1, v4;
	_ =	sdelay $0x1  }
0x38f: {  	v3 =	vperm.xlane v3, v2;
	_ =	sdelay $0x1  }
0x390: {  	s2 =	simm.s32 $0xC200;
	v3 =	vadd.s32 v1, v3  }
0x391: {  	[hbm4b:s1+s5] =	stream.indirect_vreg.scatter [tilespmem:s2], [sflag:$0x4], $0x80, v4, vm0, $0xb8;
	[tilespmem:$0x19200] =	vst v63  }
0x392: {  	s26 =	simm.s32 $0xCA00  }
0x393: {  	[hbm4b:s11+s5] =	stream.indirect_vreg.scatter [tilespmem:s26], [sflag:$0x4], $0x80, v4, vm0, $0xb8;
	[tilespmem:$0x19200] =	vst v63  }
0x394: {  	s28 =	simm.s32 $0xD200  }
0x395: {  	[hbm4b:s1+s5] =	stream.indirect_vreg.scatter [tilespmem:s28], [sflag:$0x4], $0x80, v3, vm0, $0xb8;
	[tilespmem:$0x19200] =	vst v63  }
0x396: {  	s29 =	simm.s32 $0xDA00  }
0x397: {  	[hbm4b:s11+s5] =	stream.indirect_vreg.scatter [tilespmem:s29], [sflag:$0x4], $0x80, v3, vm0, $0xb8;
	[tilespmem:$0x19200] =	vst v63  }
0x398: {  	v3 =	vld [tilespmem:$0x130];
	_ =	sdelay $0x4  }
0x399: {  	v43 =	vshll.u32 v3, $0x2  }
0x39a: {  	v3 =	vand.u32 $0x7, v3;
	v4 =	vand.u32 $0xFFFFFFE0, v43  }
0x39b: {  	v3 =	vor.u32 v3, v4  }
0x39c: {  	v4 =	vperm.xlane v3, v0;
	_ =	sdelay $0x1  }
0x39d: {  	v4 =	vadd.s32 v1, v4;
	_ =	sdelay $0x1  }
0x39e: {  	v3 =	vperm.xlane v3, v2;
	_ =	sdelay $0x1  }
0x39f: {  	s30 =	simm.s32 $0xE200;
	v3 =	vadd.s32 v1, v3  }
0x3a0: {  	[hbm4b:s1+s5] =	stream.indirect_vreg.scatter [tilespmem:s30], [sflag:$0x4], $0x80, v4, vm0, $0xb8;
	[tilespmem:$0x19200] =	vst v63  }
0x3a1: {  	s9 =	simm.s32 $0xEA00  }
0x3a2: {  	[hbm4b:s11+s5] =	stream.indirect_vreg.scatter [tilespmem:s9], [sflag:$0x4], $0x80, v4, vm0, $0xb8;
	[tilespmem:$0x19200] =	vst v63  }
0x3a3: {  	s13 =	simm.s32 $0xF200  }
0x3a4: {  	[hbm4b:s1+s5] =	stream.indirect_vreg.scatter [tilespmem:s13], [sflag:$0x4], $0x80, v3, vm0, $0xb8;
	[tilespmem:$0x19200] =	vst v63  }
0x3a5: {  	s26 =	simm.s32 $0xFA00  }
0x3a6: {  	[hbm4b:s11+s5] =	stream.indirect_vreg.scatter [tilespmem:s26], [sflag:$0x4], $0x80, v3, vm0, $0xb8;
	[tilespmem:$0x19200] =	vst v63  }
0x3a7: {  	_ =	swait.ge [sflag:s17], $0x4000  }
0x3a8: {  	[sflag:s17] =	ssyncset.done $0x0  }
0x3a9: {  	[sflag:s17] =	ssyncadd.s32 $0xFFFFC000  }
0x3aa: {  	_ =	swait.ge [sflag:s19], $0x4000  }
0x3ab: {  	[sflag:s19] =	ssyncset.done $0x0  }
0x3ac: {  	[sflag:s19] =	ssyncadd.s32 $0xFFFFC000  }
0x3ad: {  	_ =	swait.ge [sflag:s4], $0x4000  }
0x3ae: {  	[sflag:s4] =	ssyncset.done $0x0  }
0x3af: {  	[sflag:s4] =	ssyncadd.s32 $0xFFFFC000  }
0x3b0: {  	_ =	swait.ge [sflag:s7], $0x4000  }
0x3b1: {  	[sflag:s7] =	ssyncset.done $0x0  }
0x3b2: {  	[sflag:s7] =	ssyncadd.s32 $0xFFFFC000  }
0x3b3: {  	v3 =	vld [tilespmem:$0x180];
	_ =	sdelay $0x4  }
0x3b4: {  	v44 =	vshll.u32 v3, $0x2  }
0x3b5: {  	v3 =	vand.u32 $0x7, v3;
	v4 =	vand.u32 $0xFFFFFFE0, v44  }
0x3b6: {  	v3 =	vor.u32 v3, v4  }
0x3b7: {  	v4 =	vperm.xlane v3, v0;
	_ =	sdelay $0x1  }
0x3b8: {  	v4 =	vadd.s32 v1, v4;
	_ =	sdelay $0x1  }
0x3b9: {  	v3 =	vperm.xlane v3, v2;
	_ =	sdelay $0x1  }
0x3ba: {  	v3 =	vadd.s32 v1, v3  }
0x3bb: {  	[tilespmem:s18], [sflag:$0x1] =	stream.indirect_vreg.gather [hbm4b:s0+s5], $0x80, v4, vm0, $0xb8;
	[tilespmem:$0x19200] =	vst v63  }
0x3bc: {  	s28 =	simm.s32 $0xA00  }
0x3bd: {  	[tilespmem:s28], [sflag:$0x1] =	stream.indirect_vreg.gather [hbm4b:s10+s5], $0x80, v4, vm0, $0xb8;
	[tilespmem:$0x19200] =	vst v63  }
0x3be: {  	s29 =	simm.s32 $0x1200  }
0x3bf: {  	[tilespmem:s29], [sflag:$0x1] =	stream.indirect_vreg.gather [hbm4b:s0+s5], $0x80, v3, vm0, $0xb8;
	[tilespmem:$0x19200] =	vst v63  }
0x3c0: {  	_ = 	snop  }
0x3c1: {  	[tilespmem:s14], [sflag:$0x1] =	stream.indirect_vreg.gather [hbm4b:s10+s5], $0x80, v3, vm0, $0xb8;
	[tilespmem:$0x19200] =	vst v63  }
0x3c2: {  	v3 =	vld [tilespmem:$0x190];
	_ =	sdelay $0x4  }
0x3c3: {  	v45 =	vshll.u32 v3, $0x2  }
0x3c4: {  	v3 =	vand.u32 $0x7, v3;
	v4 =	vand.u32 $0xFFFFFFE0, v45  }
0x3c5: {  	v3 =	vor.u32 v3, v4  }
0x3c6: {  	v4 =	vperm.xlane v3, v0;
	_ =	sdelay $0x1  }
0x3c7: {  	v4 =	vadd.s32 v1, v4;
	_ =	sdelay $0x1  }
0x3c8: {  	v3 =	vperm.xlane v3, v2;
	_ =	sdelay $0x1  }
0x3c9: {  	v3 =	vadd.s32 v1, v3  }
0x3ca: {  	[tilespmem:s21], [sflag:$0x1] =	stream.indirect_vreg.gather [hbm4b:s0+s5], $0x80, v4, vm0, $0xb8;
	[tilespmem:$0x19200] =	vst v63  }
0x3cb: {  	_ = 	snop  }
0x3cc: {  	[tilespmem:s22], [sflag:$0x1] =	stream.indirect_vreg.gather [hbm4b:s10+s5], $0x80, v4, vm0, $0xb8;
	[tilespmem:$0x19200] =	vst v63  }
0x3cd: {  	_ = 	snop  }
0x3ce: {  	[tilespmem:s24], [sflag:$0x1] =	stream.indirect_vreg.gather [hbm4b:s0+s5], $0x80, v3, vm0, $0xb8;
	[tilespmem:$0x19200] =	vst v63  }
0x3cf: {  	s9 =	simm.s32 $0x3A00;
	s30 =	sld [smem:$0x7ED]  }
0x3d0: {  	[tilespmem:s9], [sflag:$0x1] =	stream.indirect_vreg.gather [hbm4b:s10+s5], $0x80, v3, vm0, $0xb8;
	[tilespmem:$0x19200] =	vst v63  }
0x3d1: {  	s13 =	sld [smem:$0x7EE]  }
0x3d2: {  	[tilespmem:s2], [sflag:$0x3] =	stream.linear.gather [hbm4b:s30+s5], $0x4000, $0x38;
	[tilespmem:$0x19200] =	vst v63  }
0x3d3: {  	s14 =	simm.s32 $0x4200  }
0x3d4: {  	[hbm4b:s13+s5] =	stream.linear.scatter [tilespmem:s14], [sflag:$0x2], $0x4000, $0x38;
	[tilespmem:$0x19200] =	vst v63  }
0x3d5: {  	v3 =	vld [tilespmem:$0x140];
	_ =	sdelay $0x4  }
0x3d6: {  	v46 =	vshll.u32 v3, $0x2  }
0x3d7: {  	v3 =	vand.u32 $0x7, v3;
	v4 =	vand.u32 $0xFFFFFFE0, v46  }
0x3d8: {  	v3 =	vor.u32 v3, v4  }
0x3d9: {  	v4 =	vperm.xlane v3, v0;
	_ =	sdelay $0x1  }
0x3da: {  	v4 =	vadd.s32 v1, v4;
	_ =	sdelay $0x1  }
0x3db: {  	v3 =	vperm.xlane v3, v2;
	_ =	sdelay $0x1  }
0x3dc: {  	s6 =	simm.s32 $0x10200;
	v3 =	vadd.s32 v1, v3  }
0x3dd: {  	[hbm4b:s1+s5] =	stream.indirect_vreg.scatter [tilespmem:s6], [sflag:$0x4], $0x80, v4, vm0, $0xb8;
	[tilespmem:$0x19200] =	vst v63  }
0x3de: {  	s21 =	simm.s32 $0x10A00  }
0x3df: {  	[hbm4b:s11+s5] =	stream.indirect_vreg.scatter [tilespmem:s21], [sflag:$0x4], $0x80, v4, vm0, $0xb8;
	[tilespmem:$0x19200] =	vst v63  }
0x3e0: {  	s24 =	simm.s32 $0x11200  }
0x3e1: {  	[hbm4b:s1+s5] =	stream.indirect_vreg.scatter [tilespmem:s24], [sflag:$0x4], $0x80, v3, vm0, $0xb8;
	[tilespmem:$0x19200] =	vst v63  }
0x3e2: {  	s26 =	simm.s32 $0x11A00  }
0x3e3: {  	[hbm4b:s11+s5] =	stream.indirect_vreg.scatter [tilespmem:s26], [sflag:$0x4], $0x80, v3, vm0, $0xb8;
	[tilespmem:$0x19200] =	vst v63  }
0x3e4: {  	v3 =	vld [tilespmem:$0x150];
	_ =	sdelay $0x4  }
0x3e5: {  	v47 =	vshll.u32 v3, $0x2  }
0x3e6: {  	v3 =	vand.u32 $0x7, v3;
	v4 =	vand.u32 $0xFFFFFFE0, v47  }
0x3e7: {  	v3 =	vor.u32 v3, v4  }
0x3e8: {  	v4 =	vperm.xlane v3, v0;
	_ =	sdelay $0x1  }
0x3e9: {  	v4 =	vadd.s32 v1, v4;
	_ =	sdelay $0x1  }
0x3ea: {  	v3 =	vperm.xlane v3, v2;
	_ =	sdelay $0x1  }
0x3eb: {  	s28 =	simm.s32 $0x12200;
	v3 =	vadd.s32 v1, v3  }
0x3ec: {  	[hbm4b:s1+s5] =	stream.indirect_vreg.scatter [tilespmem:s28], [sflag:$0x4], $0x80, v4, vm0, $0xb8;
	[tilespmem:$0x19200] =	vst v63  }
0x3ed: {  	s29 =	simm.s32 $0x12A00  }
0x3ee: {  	[hbm4b:s11+s5] =	stream.indirect_vreg.scatter [tilespmem:s29], [sflag:$0x4], $0x80, v4, vm0, $0xb8;
	[tilespmem:$0x19200] =	vst v63  }
0x3ef: {  	s30 =	simm.s32 $0x13200  }
0x3f0: {  	[hbm4b:s1+s5] =	stream.indirect_vreg.scatter [tilespmem:s30], [sflag:$0x4], $0x80, v3, vm0, $0xb8;
	[tilespmem:$0x19200] =	vst v63  }
0x3f1: {  	s9 =	simm.s32 $0x13A00  }
0x3f2: {  	[hbm4b:s11+s5] =	stream.indirect_vreg.scatter [tilespmem:s9], [sflag:$0x4], $0x80, v3, vm0, $0xb8;
	[tilespmem:$0x19200] =	vst v63  }
0x3f3: {  	_ =	swait.ge [sflag:s17], $0x4000  }
0x3f4: {  	[sflag:s17] =	ssyncset.done $0x0  }
0x3f5: {  	[sflag:s17] =	ssyncadd.s32 $0xFFFFC000  }
0x3f6: {  	_ =	swait.ge [sflag:s19], $0x4000  }
0x3f7: {  	[sflag:s19] =	ssyncset.done $0x0  }
0x3f8: {  	[sflag:s19] =	ssyncadd.s32 $0xFFFFC000  }
0x3f9: {  	_ =	swait.ge [sflag:s4], $0x4000  }
0x3fa: {  	[sflag:s4] =	ssyncset.done $0x0  }
0x3fb: {  	[sflag:s4] =	ssyncadd.s32 $0xFFFFC000  }
0x3fc: {  	_ =	swait.ge [sflag:s7], $0x4000  }
0x3fd: {  	[sflag:s7] =	ssyncset.done $0x0  }
0x3fe: {  	[sflag:s7] =	ssyncadd.s32 $0xFFFFC000  }
0x3ff: {  	v3 =	vld [tilespmem:$0x1A0];
	_ =	sdelay $0x4  }
0x400: {  	v48 =	vshll.u32 v3, $0x2  }
0x401: {  	v3 =	vand.u32 $0x7, v3;
	v4 =	vand.u32 $0xFFFFFFE0, v48  }
0x402: {  	v3 =	vor.u32 v3, v4  }
0x403: {  	v4 =	vperm.xlane v3, v0;
	_ =	sdelay $0x1  }
0x404: {  	v4 =	vadd.s32 v1, v4;
	_ =	sdelay $0x1  }
0x405: {  	v3 =	vperm.xlane v3, v2;
	_ =	sdelay $0x1  }
0x406: {  	v3 =	vadd.s32 v1, v3  }
0x407: {  	[tilespmem:s14], [sflag:$0x1] =	stream.indirect_vreg.gather [hbm4b:s0+s5], $0x80, v4, vm0, $0xb8;
	[tilespmem:$0x19200] =	vst v63  }
0x408: {  	s13 =	simm.s32 $0x4A00  }
0x409: {  	[tilespmem:s13], [sflag:$0x1] =	stream.indirect_vreg.gather [hbm4b:s10+s5], $0x80, v4, vm0, $0xb8;
	[tilespmem:$0x19200] =	vst v63  }
0x40a: {  	s12 =	simm.s32 $0x5200  }
0x40b: {  	[tilespmem:s12], [sflag:$0x1] =	stream.indirect_vreg.gather [hbm4b:s0+s5], $0x80, v3, vm0, $0xb8;
	[tilespmem:$0x19200] =	vst v63  }
0x40c: {  	s14 =	simm.s32 $0x5A00  }
0x40d: {  	[tilespmem:s14], [sflag:$0x1] =	stream.indirect_vreg.gather [hbm4b:s10+s5], $0x80, v3, vm0, $0xb8;
	[tilespmem:$0x19200] =	vst v63  }
0x40e: {  	v3 =	vld [tilespmem:$0x1B0];
	_ =	sdelay $0x4  }
0x40f: {  	v49 =	vshll.u32 v3, $0x2  }
0x410: {  	v3 =	vand.u32 $0x7, v3;
	v4 =	vand.u32 $0xFFFFFFE0, v49  }
0x411: {  	v3 =	vor.u32 v3, v4  }
0x412: {  	v4 =	vperm.xlane v3, v0;
	_ =	sdelay $0x1  }
0x413: {  	v4 =	vadd.s32 v1, v4;
	_ =	sdelay $0x1  }
0x414: {  	v3 =	vperm.xlane v3, v2;
	_ =	sdelay $0x1  }
0x415: {  	s25 =	simm.s32 $0x6200;
	v3 =	vadd.s32 v1, v3  }
0x416: {  	[tilespmem:s25], [sflag:$0x1] =	stream.indirect_vreg.gather [hbm4b:s0+s5], $0x80, v4, vm0, $0xb8;
	[tilespmem:$0x19200] =	vst v63  }
0x417: {  	s16 =	simm.s32 $0x6A00  }
0x418: {  	[tilespmem:s16], [sflag:$0x1] =	stream.indirect_vreg.gather [hbm4b:s10+s5], $0x80, v4, vm0, $0xb8;
	[tilespmem:$0x19200] =	vst v63  }
0x419: {  	s16 =	simm.s32 $0x7200  }
0x41a: {  	[tilespmem:s16], [sflag:$0x1] =	stream.indirect_vreg.gather [hbm4b:s0+s5], $0x80, v3, vm0, $0xb8;
	[tilespmem:$0x19200] =	vst v63  }
0x41b: {  	s24 =	simm.s32 $0x7A00;
	s21 =	sld [smem:$0x7EF]  }
0x41c: {  	[tilespmem:s24], [sflag:$0x1] =	stream.indirect_vreg.gather [hbm4b:s10+s5], $0x80, v3, vm0, $0xb8;
	[tilespmem:$0x19200] =	vst v63  }
0x41d: {  	s25 =	sld [smem:$0x7F0]  }
0x41e: {  	[tilespmem:s6], [sflag:$0x3] =	stream.linear.gather [hbm4b:s21+s5], $0x4000, $0x38;
	[tilespmem:$0x19200] =	vst v63  }
0x41f: {  	s26 =	simm.s32 $0x8200  }
0x420: {  	[hbm4b:s25+s5] =	stream.linear.scatter [tilespmem:s26], [sflag:$0x2], $0x4000, $0x38;
	[tilespmem:$0x19200] =	vst v63  }
0x421: {  	v3 =	vld [tilespmem:$0x160];
	_ =	sdelay $0x4  }
0x422: {  	v50 =	vshll.u32 v3, $0x2  }
0x423: {  	v3 =	vand.u32 $0x7, v3;
	v4 =	vand.u32 $0xFFFFFFE0, v50  }
0x424: {  	v3 =	vor.u32 v3, v4  }
0x425: {  	v4 =	vperm.xlane v3, v0;
	_ =	sdelay $0x1  }
0x426: {  	v4 =	vadd.s32 v1, v4;
	_ =	sdelay $0x1  }
0x427: {  	v3 =	vperm.xlane v3, v2;
	_ =	sdelay $0x1  }
0x428: {  	s23 =	simm.s32 $0x14200;
	v3 =	vadd.s32 v1, v3  }
0x429: {  	[hbm4b:s1+s5] =	stream.indirect_vreg.scatter [tilespmem:s23], [sflag:$0x4], $0x80, v4, vm0, $0xb8;
	[tilespmem:$0x19200] =	vst v63  }
0x42a: {  	s25 =	simm.s32 $0x14A00  }
0x42b: {  	[hbm4b:s11+s5] =	stream.indirect_vreg.scatter [tilespmem:s25], [sflag:$0x4], $0x80, v4, vm0, $0xb8;
	[tilespmem:$0x19200] =	vst v63  }
0x42c: {  	s12 =	simm.s32 $0x15200  }
0x42d: {  	[hbm4b:s1+s5] =	stream.indirect_vreg.scatter [tilespmem:s12], [sflag:$0x4], $0x80, v3, vm0, $0xb8;
	[tilespmem:$0x19200] =	vst v63  }
0x42e: {  	_ = 	snop  }
0x42f: {  	[hbm4b:s11+s5] =	stream.indirect_vreg.scatter [tilespmem:s8], [sflag:$0x4], $0x80, v3, vm0, $0xb8;
	[tilespmem:$0x19200] =	vst v63  }
0x430: {  	v3 =	vld [tilespmem:$0x170];
	_ =	sdelay $0x4  }
0x431: {  	v51 =	vshll.u32 v3, $0x2  }
0x432: {  	v3 =	vand.u32 $0x7, v3;
	v4 =	vand.u32 $0xFFFFFFE0, v51  }
0x433: {  	v3 =	vor.u32 v3, v4  }
0x434: {  	v4 =	vperm.xlane v3, v0;
	_ =	sdelay $0x1  }
0x435: {  	v4 =	vadd.s32 v1, v4;
	_ =	sdelay $0x1  }
0x436: {  	v3 =	vperm.xlane v3, v2;
	_ =	sdelay $0x1  }
0x437: {  	s16 =	simm.s32 $0x16200;
	v3 =	vadd.s32 v1, v3  }
0x438: {  	[hbm4b:s1+s5] =	stream.indirect_vreg.scatter [tilespmem:s16], [sflag:$0x4], $0x80, v4, vm0, $0xb8;
	[tilespmem:$0x19200] =	vst v63  }
0x439: {  	s9 =	simm.s32 $0x16A00  }
0x43a: {  	[hbm4b:s11+s5] =	stream.indirect_vreg.scatter [tilespmem:s9], [sflag:$0x4], $0x80, v4, vm0, $0xb8;
	[tilespmem:$0x19200] =	vst v63  }
0x43b: {  	s28 =	simm.s32 $0x17200  }
0x43c: {  	[hbm4b:s1+s5] =	stream.indirect_vreg.scatter [tilespmem:s28], [sflag:$0x4], $0x80, v3, vm0, $0xb8;
	[tilespmem:$0x19200] =	vst v63  }
0x43d: {  	s30 =	simm.s32 $0x17A00  }
0x43e: {  	[hbm4b:s11+s5] =	stream.indirect_vreg.scatter [tilespmem:s30], [sflag:$0x4], $0x80, v3, vm0, $0xb8;
	[tilespmem:$0x19200] =	vst v63  }
0x43f: {  	_ =	swait.ge [sflag:s17], $0x4000  }
0x440: {  	[sflag:s17] =	ssyncset.done $0x0  }
0x441: {  	[sflag:s17] =	ssyncadd.s32 $0xFFFFC000  }
0x442: {  	_ =	swait.ge [sflag:s19], $0x4000  }
0x443: {  	[sflag:s19] =	ssyncset.done $0x0  }
0x444: {  	[sflag:s19] =	ssyncadd.s32 $0xFFFFC000  }
0x445: {  	_ =	swait.ge [sflag:s4], $0x4000  }
0x446: {  	[sflag:s4] =	ssyncset.done $0x0  }
0x447: {  	[sflag:s4] =	ssyncadd.s32 $0xFFFFC000  }
0x448: {  	_ =	swait.ge [sflag:s7], $0x4000  }
0x449: {  	[sflag:s7] =	ssyncset.done $0x0  }
0x44a: {  	[sflag:s7] =	ssyncadd.s32 $0xFFFFC000  }
0x44b: {  	v3 =	vld [tilespmem:$0x1C0];
	_ =	sdelay $0x4  }
0x44c: {  	v52 =	vshll.u32 v3, $0x2  }
0x44d: {  	v3 =	vand.u32 $0x7, v3;
	v4 =	vand.u32 $0xFFFFFFE0, v52  }
0x44e: {  	v3 =	vor.u32 v3, v4  }
0x44f: {  	v4 =	vperm.xlane v3, v0;
	_ =	sdelay $0x1  }
0x450: {  	v4 =	vadd.s32 v1, v4;
	_ =	sdelay $0x1  }
0x451: {  	v3 =	vperm.xlane v3, v2;
	_ =	sdelay $0x1  }
0x452: {  	v3 =	vadd.s32 v1, v3  }
0x453: {  	[tilespmem:s26], [sflag:$0x1] =	stream.indirect_vreg.gather [hbm4b:s0+s5], $0x80, v4, vm0, $0xb8;
	[tilespmem:$0x19200] =	vst v63  }
0x454: {  	_ = 	snop  }
0x455: {  	[tilespmem:s3], [sflag:$0x1] =	stream.indirect_vreg.gather [hbm4b:s10+s5], $0x80, v4, vm0, $0xb8;
	[tilespmem:$0x19200] =	vst v63  }
0x456: {  	s31 =	simm.s32 $0x9200  }
0x457: {  	[tilespmem:s31], [sflag:$0x1] =	stream.indirect_vreg.gather [hbm4b:s0+s5], $0x80, v3, vm0, $0xb8;
	[tilespmem:$0x19200] =	vst v63  }
0x458: {  	s15 =	simm.s32 $0x9A00  }
0x459: {  	[tilespmem:s15], [sflag:$0x1] =	stream.indirect_vreg.gather [hbm4b:s10+s5], $0x80, v3, vm0, $0xb8;
	[tilespmem:$0x19200] =	vst v63  }
0x45a: {  	v3 =	vld [tilespmem:$0x1D0];
	_ =	sdelay $0x4  }
0x45b: {  	v53 =	vshll.u32 v3, $0x2  }
0x45c: {  	v3 =	vand.u32 $0x7, v3;
	v4 =	vand.u32 $0xFFFFFFE0, v53  }
0x45d: {  	v3 =	vor.u32 v3, v4  }
0x45e: {  	v4 =	vperm.xlane v3, v0;
	_ =	sdelay $0x1  }
0x45f: {  	v4 =	vadd.s32 v1, v4;
	_ =	sdelay $0x1  }
0x460: {  	v3 =	vperm.xlane v3, v2;
	_ =	sdelay $0x1  }
0x461: {  	s31 =	simm.s32 $0xA200;
	v3 =	vadd.s32 v1, v3  }
0x462: {  	[tilespmem:s31], [sflag:$0x1] =	stream.indirect_vreg.gather [hbm4b:s0+s5], $0x80, v4, vm0, $0xb8;
	[tilespmem:$0x19200] =	vst v63  }
0x463: {  	s6 =	simm.s32 $0xAA00  }
0x464: {  	[tilespmem:s6], [sflag:$0x1] =	stream.indirect_vreg.gather [hbm4b:s10+s5], $0x80, v4, vm0, $0xb8;
	[tilespmem:$0x19200] =	vst v63  }
0x465: {  	s8 =	simm.s32 $0xB200  }
0x466: {  	[tilespmem:s8], [sflag:$0x1] =	stream.indirect_vreg.gather [hbm4b:s0+s5], $0x80, v3, vm0, $0xb8;
	[tilespmem:$0x19200] =	vst v63  }
0x467: {  	s14 =	sld [smem:$0x7F1];
	s15 =	simm.s32 $0xBA00  }
0x468: {  	[tilespmem:s15], [sflag:$0x1] =	stream.indirect_vreg.gather [hbm4b:s10+s5], $0x80, v3, vm0, $0xb8;
	[tilespmem:$0x19200] =	vst v63  }
0x469: {  	s21 =	sld [smem:$0x7F2]  }
0x46a: {  	[tilespmem:s23], [sflag:$0x3] =	stream.linear.gather [hbm4b:s14+s5], $0x4000, $0x38;
	[tilespmem:$0x19200] =	vst v63  }
0x46b: {  	_ = 	snop  }
0x46c: {  	[hbm4b:s21+s5] =	stream.linear.scatter [tilespmem:s18], [sflag:$0x2], $0x4000, $0x38;
	[tilespmem:$0x19200] =	vst v63  }
0x46d: {  	v3 =	vld [tilespmem:$0x180];
	_ =	sdelay $0x4  }
0x46e: {  	v54 =	vshll.u32 v3, $0x2  }
0x46f: {  	v3 =	vand.u32 $0x7, v3;
	v4 =	vand.u32 $0xFFFFFFE0, v54  }
0x470: {  	v3 =	vor.u32 v3, v4  }
0x471: {  	v4 =	vperm.xlane v3, v0;
	_ =	sdelay $0x1  }
0x472: {  	v4 =	vadd.s32 v1, v4;
	_ =	sdelay $0x1  }
0x473: {  	v3 =	vperm.xlane v3, v2;
	_ =	sdelay $0x1  }
0x474: {  	s22 =	simm.s32 $0xC200;
	v3 =	vadd.s32 v1, v3  }
0x475: {  	[hbm4b:s1+s5] =	stream.indirect_vreg.scatter [tilespmem:s22], [sflag:$0x4], $0x80, v4, vm0, $0xb8;
	[tilespmem:$0x19200] =	vst v63  }
0x476: {  	s14 =	simm.s32 $0xCA00  }
0x477: {  	[hbm4b:s11+s5] =	stream.indirect_vreg.scatter [tilespmem:s14], [sflag:$0x4], $0x80, v4, vm0, $0xb8;
	[tilespmem:$0x19200] =	vst v63  }
0x478: {  	s15 =	simm.s32 $0xD200  }
0x479: {  	[hbm4b:s1+s5] =	stream.indirect_vreg.scatter [tilespmem:s15], [sflag:$0x4], $0x80, v3, vm0, $0xb8;
	[tilespmem:$0x19200] =	vst v63  }
0x47a: {  	s6 =	simm.s32 $0xDA00  }
0x47b: {  	[hbm4b:s11+s5] =	stream.indirect_vreg.scatter [tilespmem:s6], [sflag:$0x4], $0x80, v3, vm0, $0xb8;
	[tilespmem:$0x19200] =	vst v63  }
0x47c: {  	v3 =	vld [tilespmem:$0x190];
	_ =	sdelay $0x4  }
0x47d: {  	v55 =	vshll.u32 v3, $0x2  }
0x47e: {  	v3 =	vand.u32 $0x7, v3;
	v4 =	vand.u32 $0xFFFFFFE0, v55  }
0x47f: {  	v3 =	vor.u32 v3, v4  }
0x480: {  	v4 =	vperm.xlane v3, v0;
	_ =	sdelay $0x1  }
0x481: {  	v4 =	vadd.s32 v1, v4;
	_ =	sdelay $0x1  }
0x482: {  	v3 =	vperm.xlane v3, v2;
	_ =	sdelay $0x1  }
0x483: {  	s21 =	simm.s32 $0xE200;
	v3 =	vadd.s32 v1, v3  }
0x484: {  	[hbm4b:s1+s5] =	stream.indirect_vreg.scatter [tilespmem:s21], [sflag:$0x4], $0x80, v4, vm0, $0xb8;
	[tilespmem:$0x19200] =	vst v63  }
0x485: {  	s2 =	simm.s32 $0xEA00  }
0x486: {  	[hbm4b:s11+s5] =	stream.indirect_vreg.scatter [tilespmem:s2], [sflag:$0x4], $0x80, v4, vm0, $0xb8;
	[tilespmem:$0x19200] =	vst v63  }
0x487: {  	s31 =	simm.s32 $0xF200  }
0x488: {  	[hbm4b:s1+s5] =	stream.indirect_vreg.scatter [tilespmem:s31], [sflag:$0x4], $0x80, v3, vm0, $0xb8;
	[tilespmem:$0x19200] =	vst v63  }
0x489: {  	s8 =	simm.s32 $0xFA00  }
0x48a: {  	[hbm4b:s11+s5] =	stream.indirect_vreg.scatter [tilespmem:s8], [sflag:$0x4], $0x80, v3, vm0, $0xb8;
	[tilespmem:$0x19200] =	vst v63  }
0x48b: {  	s3 =	sld [smem:$0x7DF];
	_ =	swait.ge [sflag:s17], $0x4000  }
0x48c: {  	[sflag:s17] =	ssyncset.done $0x0  }
0x48d: {  	[sflag:s17] =	ssyncadd.s32 $0xFFFFC000  }
0x48e: {  	_ =	swait.ge [sflag:s19], $0x4000  }
0x48f: {  	[sflag:s19] =	ssyncset.done $0x0  }
0x490: {  	[sflag:s19] =	ssyncadd.s32 $0xFFFFC000  }
0x491: {  	_ =	swait.ge [sflag:s4], $0x4000  }
0x492: {  	[sflag:s4] =	ssyncset.done $0x0  }
0x493: {  	[sflag:s4] =	ssyncadd.s32 $0xFFFFC000  }
0x494: {  	_ =	swait.ge [sflag:s7], $0x4000  }
0x495: {  	[sflag:s7] =	ssyncset.done $0x0  }
0x496: {  	[sflag:s7] =	ssyncadd.s32 $0xFFFFC000  }
0x497: {  	v3 =	vld [tilespmem:$0x1E0];
	_ =	sdelay $0x4  }
0x498: {  	v56 =	vshll.u32 v3, $0x2  }
0x499: {  	v3 =	vand.u32 $0x7, v3;
	v4 =	vand.u32 $0xFFFFFFE0, v56  }
0x49a: {  	v3 =	vor.u32 v3, v4  }
0x49b: {  	v4 =	vperm.xlane v3, v0;
	_ =	sdelay $0x1  }
0x49c: {  	v4 =	vadd.s32 v1, v4;
	_ =	sdelay $0x1  }
0x49d: {  	v3 =	vperm.xlane v3, v2;
	_ =	sdelay $0x1  }
0x49e: {  	v3 =	vadd.s32 v1, v3  }
0x49f: {  	[tilespmem:s18], [sflag:$0x1] =	stream.indirect_vreg.gather [hbm4b:s0+s5], $0x80, v4, vm0, $0xb8;
	[tilespmem:$0x19200] =	vst v63  }
0x4a0: {  	s28 =	simm.s32 $0xA00  }
0x4a1: {  	[tilespmem:s28], [sflag:$0x1] =	stream.indirect_vreg.gather [hbm4b:s10+s5], $0x80, v4, vm0, $0xb8;
	[tilespmem:$0x19200] =	vst v63  }
0x4a2: {  	s28 =	simm.s32 $0x1200  }
0x4a3: {  	[tilespmem:s28], [sflag:$0x1] =	stream.indirect_vreg.gather [hbm4b:s0+s5], $0x80, v3, vm0, $0xb8;
	[tilespmem:$0x19200] =	vst v63  }
0x4a4: {  	s28 =	simm.s32 $0x1A00  }
0x4a5: {  	[tilespmem:s28], [sflag:$0x1] =	stream.indirect_vreg.gather [hbm4b:s10+s5], $0x80, v3, vm0, $0xb8;
	[tilespmem:$0x19200] =	vst v63  }
0x4a6: {  	v3 =	vld [tilespmem:$0x1F0];
	_ =	sdelay $0x4  }
0x4a7: {  	v57 =	vshll.u32 v3, $0x2  }
0x4a8: {  	v3 =	vand.u32 $0x7, v3;
	v4 =	vand.u32 $0xFFFFFFE0, v57  }
0x4a9: {  	v3 =	vor.u32 v3, v4  }
0x4aa: {  	v4 =	vperm.xlane v3, v0;
	_ =	sdelay $0x1  }
0x4ab: {  	v4 =	vadd.s32 v1, v4;
	_ =	sdelay $0x1  }
0x4ac: {  	v3 =	vperm.xlane v3, v2;
	_ =	sdelay $0x1  }
0x4ad: {  	s28 =	simm.s32 $0x2200;
	v3 =	vadd.s32 v1, v3  }
0x4ae: {  	[tilespmem:s28], [sflag:$0x1] =	stream.indirect_vreg.gather [hbm4b:s0+s5], $0x80, v4, vm0, $0xb8;
	[tilespmem:$0x19200] =	vst v63  }
0x4af: {  	s28 =	simm.s32 $0x2A00  }
0x4b0: {  	[tilespmem:s28], [sflag:$0x1] =	stream.indirect_vreg.gather [hbm4b:s10+s5], $0x80, v4, vm0, $0xb8;
	[tilespmem:$0x19200] =	vst v63  }
0x4b1: {  	s28 =	simm.s32 $0x3200  }
0x4b2: {  	[tilespmem:s28], [sflag:$0x1] =	stream.indirect_vreg.gather [hbm4b:s0+s5], $0x80, v3, vm0, $0xb8;
	[tilespmem:$0x19200] =	vst v63  }
0x4b3: {  	s26 =	sld [smem:$0x7F4];
	s28 =	simm.s32 $0x3A00  }
0x4b4: {  	[tilespmem:s28], [sflag:$0x1] =	stream.indirect_vreg.gather [hbm4b:s10+s5], $0x80, v3, vm0, $0xb8;
	[tilespmem:$0x19200] =	vst v63  }
0x4b5: {  	s28 =	sld [smem:$0x7F5]  }
0x4b6: {  	[tilespmem:s22], [sflag:$0x3] =	stream.linear.gather [hbm4b:s26+s5], $0x4000, $0x38;
	[tilespmem:$0x19200] =	vst v63  }
0x4b7: {  	s29 =	simm.s32 $0x4200  }
0x4b8: {  	[hbm4b:s28+s5] =	stream.linear.scatter [tilespmem:s29], [sflag:$0x2], $0x4000, $0x38;
	[tilespmem:$0x19200] =	vst v63  }
0x4b9: {  	v3 =	vld [tilespmem:$0x1A0];
	_ =	sdelay $0x4  }
0x4ba: {  	v58 =	vshll.u32 v3, $0x2  }
0x4bb: {  	v3 =	vand.u32 $0x7, v3;
	v4 =	vand.u32 $0xFFFFFFE0, v58  }
0x4bc: {  	v3 =	vor.u32 v3, v4  }
0x4bd: {  	v4 =	vperm.xlane v3, v0;
	_ =	sdelay $0x1  }
0x4be: {  	v4 =	vadd.s32 v1, v4;
	_ =	sdelay $0x1  }
0x4bf: {  	v3 =	vperm.xlane v3, v2;
	_ =	sdelay $0x1  }
0x4c0: {  	s24 =	simm.s32 $0x10200;
	v3 =	vadd.s32 v1, v3  }
0x4c1: {  	[hbm4b:s1+s5] =	stream.indirect_vreg.scatter [tilespmem:s24], [sflag:$0x4], $0x80, v4, vm0, $0xb8;
	[tilespmem:$0x19200] =	vst v63  }
0x4c2: {  	s29 =	simm.s32 $0x10A00  }
0x4c3: {  	[hbm4b:s11+s5] =	stream.indirect_vreg.scatter [tilespmem:s29], [sflag:$0x4], $0x80, v4, vm0, $0xb8;
	[tilespmem:$0x19200] =	vst v63  }
0x4c4: {  	s26 =	simm.s32 $0x11200  }
0x4c5: {  	[hbm4b:s1+s5] =	stream.indirect_vreg.scatter [tilespmem:s26], [sflag:$0x4], $0x80, v3, vm0, $0xb8;
	[tilespmem:$0x19200] =	vst v63  }
0x4c6: {  	s28 =	simm.s32 $0x11A00  }
0x4c7: {  	[hbm4b:s11+s5] =	stream.indirect_vreg.scatter [tilespmem:s28], [sflag:$0x4], $0x80, v3, vm0, $0xb8;
	[tilespmem:$0x19200] =	vst v63  }
0x4c8: {  	v3 =	vld [tilespmem:$0x1B0];
	_ =	sdelay $0x4  }
0x4c9: {  	v59 =	vshll.u32 v3, $0x2  }
0x4ca: {  	v3 =	vand.u32 $0x7, v3;
	v4 =	vand.u32 $0xFFFFFFE0, v59  }
0x4cb: {  	v3 =	vor.u32 v3, v4  }
0x4cc: {  	v4 =	vperm.xlane v3, v0;
	_ =	sdelay $0x1  }
0x4cd: {  	v4 =	vadd.s32 v1, v4;
	_ =	sdelay $0x1  }
0x4ce: {  	v3 =	vperm.xlane v3, v2;
	_ =	sdelay $0x1  }
0x4cf: {  	s29 =	simm.s32 $0x12200;
	v3 =	vadd.s32 v1, v3  }
0x4d0: {  	[hbm4b:s1+s5] =	stream.indirect_vreg.scatter [tilespmem:s29], [sflag:$0x4], $0x80, v4, vm0, $0xb8;
	[tilespmem:$0x19200] =	vst v63  }
0x4d1: {  	s26 =	simm.s32 $0x12A00  }
0x4d2: {  	[hbm4b:s11+s5] =	stream.indirect_vreg.scatter [tilespmem:s26], [sflag:$0x4], $0x80, v4, vm0, $0xb8;
	[tilespmem:$0x19200] =	vst v63  }
0x4d3: {  	s28 =	simm.s32 $0x13200  }
0x4d4: {  	[hbm4b:s1+s5] =	stream.indirect_vreg.scatter [tilespmem:s28], [sflag:$0x4], $0x80, v3, vm0, $0xb8;
	[tilespmem:$0x19200] =	vst v63  }
0x4d5: {  	s29 =	simm.s32 $0x13A00  }
0x4d6: {  	[hbm4b:s11+s5] =	stream.indirect_vreg.scatter [tilespmem:s29], [sflag:$0x4], $0x80, v3, vm0, $0xb8;
	[tilespmem:$0x19200] =	vst v63  }
0x4d7: {  	_ =	swait.ge [sflag:s17], $0x4000  }
0x4d8: {  	[sflag:s17] =	ssyncset.done $0x0  }
0x4d9: {  	[sflag:s17] =	ssyncadd.s32 $0xFFFFC000  }
0x4da: {  	_ =	swait.ge [sflag:s19], $0x4000  }
0x4db: {  	s24 =	sld [smem:$0x7F6]  }
0x4dc: {  	[sflag:s19] =	ssyncset.done $0x0  }
0x4dd: {  	s13 =	simm.s32 $0x8200;
	[sflag:s19] =	ssyncadd.s32 $0xFFFFC000  }
0x4de: {  	[hbm4b:s24+s5] =	stream.linear.scatter [tilespmem:s13], [sflag:$0x2], $0x4000, $0x38;
	[tilespmem:$0x19200] =	vst v63  }
0x4df: {  	v3 =	vld [tilespmem:$0x1C0];
	_ =	sdelay $0x4  }
0x4e0: {  	v60 =	vshll.u32 v3, $0x2  }
0x4e1: {  	v3 =	vand.u32 $0x7, v3;
	v4 =	vand.u32 $0xFFFFFFE0, v60  }
0x4e2: {  	v3 =	vor.u32 v3, v4  }
0x4e3: {  	v4 =	vperm.xlane v3, v0;
	_ =	sdelay $0x1  }
0x4e4: {  	v4 =	vadd.s32 v1, v4;
	_ =	sdelay $0x1  }
0x4e5: {  	v3 =	vperm.xlane v3, v2;
	_ =	sdelay $0x1  }
0x4e6: {  	v3 =	vadd.s32 v1, v3  }
0x4e7: {  	[hbm4b:s1+s5] =	stream.indirect_vreg.scatter [tilespmem:s23], [sflag:$0x4], $0x80, v4, vm0, $0xb8;
	[tilespmem:$0x19200] =	vst v63  }
0x4e8: {  	_ = 	snop  }
0x4e9: {  	[hbm4b:s11+s5] =	stream.indirect_vreg.scatter [tilespmem:s25], [sflag:$0x4], $0x80, v4, vm0, $0xb8;
	[tilespmem:$0x19200] =	vst v63  }
0x4ea: {  	_ = 	snop  }
0x4eb: {  	[hbm4b:s1+s5] =	stream.indirect_vreg.scatter [tilespmem:s12], [sflag:$0x4], $0x80, v3, vm0, $0xb8;
	[tilespmem:$0x19200] =	vst v63  }
0x4ec: {  	s26 =	simm.s32 $0x15A00  }
0x4ed: {  	[hbm4b:s11+s5] =	stream.indirect_vreg.scatter [tilespmem:s26], [sflag:$0x4], $0x80, v3, vm0, $0xb8;
	[tilespmem:$0x19200] =	vst v63  }
0x4ee: {  	v3 =	vld [tilespmem:$0x1D0];
	_ =	sdelay $0x4  }
0x4ef: {  	v61 =	vshll.u32 v3, $0x2  }
0x4f0: {  	v3 =	vand.u32 $0x7, v3;
	v4 =	vand.u32 $0xFFFFFFE0, v61  }
0x4f1: {  	v3 =	vor.u32 v3, v4  }
0x4f2: {  	v4 =	vperm.xlane v3, v0;
	_ =	sdelay $0x1  }
0x4f3: {  	v4 =	vadd.s32 v1, v4;
	_ =	sdelay $0x1  }
0x4f4: {  	v3 =	vperm.xlane v3, v2;
	_ =	sdelay $0x1  }
0x4f5: {  	v3 =	vadd.s32 v1, v3  }
0x4f6: {  	[hbm4b:s1+s5] =	stream.indirect_vreg.scatter [tilespmem:s16], [sflag:$0x4], $0x80, v4, vm0, $0xb8;
	[tilespmem:$0x19200] =	vst v63  }
0x4f7: {  	_ = 	snop  }
0x4f8: {  	[hbm4b:s11+s5] =	stream.indirect_vreg.scatter [tilespmem:s9], [sflag:$0x4], $0x80, v4, vm0, $0xb8;
	[tilespmem:$0x19200] =	vst v63  }
0x4f9: {  	s28 =	simm.s32 $0x17200  }
0x4fa: {  	[hbm4b:s1+s5] =	stream.indirect_vreg.scatter [tilespmem:s28], [sflag:$0x4], $0x80, v3, vm0, $0xb8;
	[tilespmem:$0x19200] =	vst v63  }
0x4fb: {  	s30 =	simm.s32 $0x17A00  }
0x4fc: {  	[hbm4b:s11+s5] =	stream.indirect_vreg.scatter [tilespmem:s30], [sflag:$0x4], $0x80, v3, vm0, $0xb8;
	[tilespmem:$0x19200] =	vst v63  }
0x4fd: {  	_ =	swait.ge [sflag:s17], $0x4000  }
0x4fe: {  	[sflag:s17] =	ssyncset.done $0x0  }
0x4ff: {  	[sflag:s17] =	ssyncadd.s32 $0xFFFFC000  }
0x500: {  	_ =	swait.ge [sflag:s19], $0x4000  }
0x501: {  	s29 =	sld [smem:$0x7F7]  }
0x502: {  	[sflag:s19] =	ssyncset.done $0x0  }
0x503: {  	[sflag:s19] =	ssyncadd.s32 $0xFFFFC000  }
0x504: {  	[hbm4b:s29+s5] =	stream.linear.scatter [tilespmem:s18], [sflag:$0x2], $0x4000, $0x38;
	[tilespmem:$0x19200] =	vst v63  }
0x505: {  	v3 =	vld [tilespmem:$0x1E0];
	_ =	sdelay $0x4  }
0x506: {  	v62 =	vshll.u32 v3, $0x2  }
0x507: {  	v3 =	vand.u32 $0x7, v3;
	v4 =	vand.u32 $0xFFFFFFE0, v62  }
0x508: {  	v3 =	vor.u32 v3, v4  }
0x509: {  	v4 =	vperm.xlane v3, v0;
	_ =	sdelay $0x1  }
0x50a: {  	v4 =	vadd.s32 v1, v4;
	_ =	sdelay $0x1  }
0x50b: {  	v3 =	vperm.xlane v3, v2;
	_ =	sdelay $0x1  }
0x50c: {  	v3 =	vadd.s32 v1, v3  }
0x50d: {  	[hbm4b:s1+s5] =	stream.indirect_vreg.scatter [tilespmem:s22], [sflag:$0x4], $0x80, v4, vm0, $0xb8;
	[tilespmem:$0x19200] =	vst v63  }
0x50e: {  	_ = 	snop  }
0x50f: {  	[hbm4b:s11+s5] =	stream.indirect_vreg.scatter [tilespmem:s14], [sflag:$0x4], $0x80, v4, vm0, $0xb8;
	[tilespmem:$0x19200] =	vst v63  }
0x510: {  	_ = 	snop  }
0x511: {  	[hbm4b:s1+s5] =	stream.indirect_vreg.scatter [tilespmem:s15], [sflag:$0x4], $0x80, v3, vm0, $0xb8;
	[tilespmem:$0x19200] =	vst v63  }
0x512: {  	_ = 	snop  }
0x513: {  	[hbm4b:s11+s5] =	stream.indirect_vreg.scatter [tilespmem:s6], [sflag:$0x4], $0x80, v3, vm0, $0xb8;
	[tilespmem:$0x19200] =	vst v63  }
0x514: {  	v3 =	vld [tilespmem:$0x1F0];
	_ =	sdelay $0x4  }
0x515: {  	v63 =	vshll.u32 v3, $0x2  }
0x516: {  	v3 =	vand.u32 $0x7, v3;
	v4 =	vand.u32 $0xFFFFFFE0, v63  }
0x517: {  	v3 =	vor.u32 v3, v4  }
0x518: {  	v4 =	vperm.xlane v3, v0;
	_ =	sdelay $0x1  }
0x519: {  	v4 =	vadd.s32 v1, v4;
	_ =	sdelay $0x1  }
0x51a: {  	v3 =	vperm.xlane v3, v2;
	_ =	sdelay $0x1  }
0x51b: {  	v3 =	vadd.s32 v1, v3  }
0x51c: {  	[hbm4b:s1+s5] =	stream.indirect_vreg.scatter [tilespmem:s21], [sflag:$0x4], $0x80, v4, vm0, $0xb8;
	[tilespmem:$0x19200] =	vst v63  }
0x51d: {  	_ = 	snop  }
0x51e: {  	[hbm4b:s11+s5] =	stream.indirect_vreg.scatter [tilespmem:s2], [sflag:$0x4], $0x80, v4, vm0, $0xb8;
	[tilespmem:$0x19200] =	vst v63  }
0x51f: {  	_ = 	snop  }
0x520: {  	[hbm4b:s1+s5] =	stream.indirect_vreg.scatter [tilespmem:s31], [sflag:$0x4], $0x80, v3, vm0, $0xb8;
	[tilespmem:$0x19200] =	vst v63  }
0x521: {  	_ = 	snop  }
0x522: {  	[hbm4b:s11+s5] =	stream.indirect_vreg.scatter [tilespmem:s8], [sflag:$0x4], $0x80, v3, vm0, $0xb8;
	[tilespmem:$0x19200] =	vst v63  }
0x523: {  	_ =	swait.ge [sflag:s4], $0x4000  }
0x524: {  	[sflag:s4] =	ssyncset.done $0x0  }
0x525: {  	[sflag:s4] =	ssyncadd.s32 $0xFFFFC000  }
0x526: {  	_ =	swait.ge [sflag:s7], $0x4000  }
0x527: {  	[sflag:s7] =	ssyncset.done $0x0  }
0x528: {  	[sflag:s7] =	ssyncadd.s32 $0xFFFFC000  }
0x529: {  	_ =	swait.ge [sflag:s4], $0x4000  }
0x52a: {  	[sflag:s4] =	ssyncset.done $0x0  }
0x52b: {  	[sflag:s4] =	ssyncadd.s32 $0xFFFFC000  }
0x52c: {  	_ =	swait.ge [sflag:s7], $0x4000  }
0x52d: {  	[sflag:s7] =	ssyncset.done $0x0  }
0x52e: {  	[sflag:s7] =	ssyncadd.s32 $0xFFFFC000  }
0x52f: {  	_ =	swait.ge [sflag:s4], $0x4000  }
0x530: {  	[sflag:s4] =	ssyncset.done $0x0  }
0x531: {  	[sflag:s4] =	ssyncadd.s32 $0xFFFFC000  }
0x532: {  	_ =	swait.ge [sflag:s7], $0x4000  }
0x533: {  	[sflag:s7] =	ssyncset.done $0x0  }
0x534: {  	s30 =	simm.s32 $0x5;
	[sflag:s7] =	ssyncadd.s32 $0xFFFFC000  }
0x535: {  	_ =	swait.ge [sflag:s30], $0x200  }
0x536: {  	[sflag:s30] =	ssyncset.done $0x0  }
0x537: {  	[sflag:s30] =	ssyncadd.s32 $0xFFFFFE00  }
0x538: {  	_ =	swait.ge [sflag:s30], $0x200  }
0x539: {  	[sflag:s30] =	ssyncset.done $0x0  }
0x53a: {  	[sflag:s30] =	ssyncadd.s32 $0xFFFFFE00  }
0x53b: {  	_ =	swait.ge [sflag:s30], $0x200  }
0x53c: {  	[sflag:s30] =	ssyncset.done $0x0  }
0x53d: {  	[sflag:s30] =	ssyncadd.s32 $0xFFFFFE00  }
0x53e: {  	_ =	swait.ge [sflag:s30], $0x200  }
0x53f: {  	s31 =	sld [smem:$0x7F8]  }
0x540: {  	[sflag:s30] =	ssyncset.done $0x0  }
0x541: {  	s6 =	simm.s32 $0x18200;
	[sflag:s30] =	ssyncadd.s32 $0xFFFFFE00  }
0x542: {  	[hbm4b:s31+s5] =	stream.linear.scatter [tilespmem:s6], [sflag:$0x8], $0x200, $0x38;
	[tilespmem:$0x19200] =	vst v63  }
0x543: {  	_ =	swait.ge [sflag:s20], $0x200  }
0x544: {  	s8 =	sld [smem:$0x7F9]  }
0x545: {  	[sflag:s20] =	ssyncset.done $0x0  }
0x546: {  	s9 =	simm.s32 $0x18400;
	[sflag:s20] =	ssyncadd.s32 $0xFFFFFE00  }
0x547: {  	[hbm4b:s8+s5] =	stream.linear.scatter [tilespmem:s9], [sflag:$0x8], $0x200, $0x38;
	[tilespmem:$0x19200] =	vst v63  }
0x548: {  	_ =	swait.ge [sflag:s20], $0x200  }
0x549: {  	s12 =	sld [smem:$0x7FB]  }
0x54a: {  	[sflag:s20] =	ssyncset.done $0x0  }
0x54b: {  	s13 =	simm.s32 $0x18600;
	[sflag:s20] =	ssyncadd.s32 $0xFFFFFE00  }
0x54c: {  	[hbm4b:s12+s5] =	stream.linear.scatter [tilespmem:s13], [sflag:$0x8], $0x200, $0x38;
	[tilespmem:$0x19200] =	vst v63  }
0x54d: {  	_ =	swait.ge [sflag:s20], $0x200  }
0x54e: {  	s14 =	sld [smem:$0x7FD]  }
0x54f: {  	[sflag:s20] =	ssyncset.done $0x0  }
0x550: {  	s15 =	simm.s32 $0x18800;
	[sflag:s20] =	ssyncadd.s32 $0xFFFFFE00  }
0x551: {  	[hbm4b:s14+s5] =	stream.linear.scatter [tilespmem:s15], [sflag:$0x8], $0x200, $0x38;
	[tilespmem:$0x19200] =	vst v63  }
0x552: {  	_ =	swait.ge [sflag:s20], $0x200  }
0x553: {  	[sflag:s20] =	ssyncset.done $0x0  }
0x554: {  	s16 =	simm.s32 $0x6;
	[sflag:s20] =	ssyncadd.s32 $0xFFFFFE00  }
0x555: {  	_ =	swait.ge [sflag:s16], $0x200  }
0x556: {  	[sflag:s16] =	ssyncset.done $0x0  }
0x557: {  	[sflag:s16] =	ssyncadd.s32 $0xFFFFFE00  }
0x558: {  	_ =	swait.ge [sflag:s16], $0x200  }
0x559: {  	[sflag:s16] =	ssyncset.done $0x0  }
0x55a: {  	[sflag:s16] =	ssyncadd.s32 $0xFFFFFE00  }
0x55b: {  	_ =	swait.ge [sflag:s16], $0x200  }
0x55c: {  	[sflag:s16] =	ssyncset.done $0x0  }
0x55d: {  	[sflag:s16] =	ssyncadd.s32 $0xFFFFFE00  }
0x55e: {  	_ =	swait.ge [sflag:s16], $0x200  }
0x55f: {  	[sflag:s16] =	ssyncset.done $0x0  }
0x560: {  	s25 =	sld [smem:$0x7FA];
	[sflag:s16] =	ssyncadd.s32 $0xFFFFFE00  }
0x561: {  	s22 =	simm.s32 $0x18A00;
	s21 =	rddreg [dreg:$0xc]  }
0x562: {  	[hbm4b:s21+s18] =	stream.indirect.scatter [tilespmem:s22], [sflag:$0x7], $0x1, s5, s18, $0xb8;
	[tilespmem:$0x19200] =	vst v63  }
0x563: {  	s24 =	simm.s32 $0x18C00;
	s23 =	rddreg [dreg:$0xd]  }
0x564: {  	[hbm4b:s23+s18] =	stream.indirect.scatter [tilespmem:s24], [sflag:$0x7], $0x1, s5, s18, $0xb8;
	[tilespmem:$0x19200] =	vst v63  }
0x565: {  	s28 =	simm.s32 $0x18E00;
	s29 =	sld [smem:$0x7FC]  }
0x566: {  	[hbm4b:s25+s18] =	stream.indirect.scatter [tilespmem:s28], [sflag:$0x7], $0x1, s5, s18, $0xb8;
	[tilespmem:$0x19200] =	vst v63  }
0x567: {  	s30 =	simm.s32 $0x19000;
	s31 =	simm.s32 $0x7  }
0x568: {  	[hbm4b:s29+s18] =	stream.indirect.scatter [tilespmem:s30], [sflag:$0x7], $0x1, s5, s18, $0xb8;
	[tilespmem:$0x19200] =	vst v63  }
0x569: {  	_ =	swait.ge [sflag:s31], $0x200  }
0x56a: {  	[sflag:s31] =	ssyncset.done $0x0  }
0x56b: {  	[sflag:s31] =	ssyncadd.s32 $0xFFFFFE00  }
0x56c: {  	_ =	swait.ge [sflag:s31], $0x200  }
0x56d: {  	[sflag:s31] =	ssyncset.done $0x0  }
0x56e: {  	[sflag:s31] =	ssyncadd.s32 $0xFFFFFE00  }
0x56f: {  	p0 =	sne.s32 s3, $0x1;
	_ =	swait.ge [sflag:s31], $0x200  }
.Ltmp0:
0x570: {  	[sflag:s31] =	ssyncset.done $0x0;
	(pc) =	sbr.rel @p0 .LBB3_1-.Ltmp0, $4  }
0x571: {  	[sflag:s31] =	ssyncadd.s32 $0xFFFFFE00  }
0x572: {  	_ =	swait.ge [sflag:s31], $0x200  }
0x573: {  	[sflag:s31] =	ssyncset.done $0x0  }
0x574: {  	s3 =	sadd.s32 $0xFFFFFFFF, s3;
	[sflag:s31] =	ssyncadd.s32 $0xFFFFFE00  }
0x575: {  	_ =	sfence.sel $0x180000  }
0x576: {  	[bflag:$0x0] =	sbarrier.arrive $0xFFFF  }
0x577: {  	_ =	strace $0x90000047  }
0x578: {  	s0 =	stileid.u32;
	[bflag:$0x2] =	sbarrier.arrive $0xFFFF  }
0x579: {  	p0 =	sne.s32 s0, $0x0;
	s0 =	sld [smem:$0x7E0];
	_ =	sdelay $0x2  }
0x57a: {  	s0 =	sadd.s32 @!p0 $0x100000, s0  }
0x57b: {  	[sflag:s0] =	ssyncadd.tile.s32 @!p0 $0x1;
	_ =	shalt  }
.Lfunc_end3:
_tile_overlayer_lowered:
.L_overlay_start_3:
0x57c: {  	(tag) =	ssettag $0x3  }
0x57d: {  	s0 =	rddreg [dreg:$0x0];
	s2 =	stileid.u32  }
0x57e: {  	s1 =	rddreg [dreg:$0x1];
	p0 =	sne.s32 s2, $0x0  }
0x57f: {  	s3 =	rddreg [dreg:$0x2];
	[bflag:$0x3] =	sbarrier.arrive $0xFFFF;
	s2 =	simm.s32 @!p0 $0x1C08  }
0x580: {  	[timem:s3], [sflag:s2] =	dma.local @!p0 [hbm:s0], s1  }
0x581: {  	s0 =	simm.s32 @!p0 $0x8  }
0x582: {  	_ =	swait.ge @!p0 [sflag:s0], s1  }
0x583: {  	s1 =	ssub.s32 @!p0 $0x0, s1;
	[sflag:s0] =	ssyncset.done @!p0 $0x0  }
0x584: {  	[sflag:s0] =	ssyncadd.s32 @!p0 s1  }
0x585: {  	[bflag:$0x3] =	sbarrier.arrive $0xFFFF  }
0x586: {  	_ =	shalt  }

</sc_bundles>
